<compile_context>
chip_gen: v7x
topology: tpu7x:2x2x1
jax: 0.10.2.dev20260603
libtpu: 0.0.44.dev20260713+nightly
codegen_flags: <defaults>
</compile_context>

<pallas_src>
import jax
import jax.numpy as jnp
from jax import lax
from jax.experimental import pallas as pl
from jax.experimental.pallas import tpu as pltpu
from jax.experimental.pallas import tpu_sc as plsc

NUM_EMBEDDINGS = 1000000
EMBED_DIM = 32
BATCH = 16384
TOKEN_LENGTH = 50

NC, NS = 2, 16
NW = NC * NS
NBT = BATCH // 128
BT_PER_W = NBT // NW
STEPS = BT_PER_W * TOKEN_LENGTH


BRICK_W = 136


def _transpose_chunk(rows, brick):
  lanes = lax.iota(jnp.int32, 16)
  crows = [lanes, lanes + 16]

  @plsc.parallel_loop(0, 128, step=1, unroll=8)
  def _(bi):
    col = jnp.full((16,), bi, jnp.int32)
    for half in range(2):
      v = rows[bi, pl.ds(half * 16, 16)]
      plsc.store_scatter(brick, [crows[half], col], v)


NB = 4


def _body(idx_hbm, table_hbm, out_hbm, idxs_v, rows, bricks, gsems, wsems):
  wid = lax.axis_index("s") * NC + lax.axis_index("c")
  pltpu.sync_copy(idx_hbm.at[:, pl.ds(wid * BT_PER_W, BT_PER_W), :], idxs_v)

  def fire_gather(buf, sem, s):
    bt = s // TOKEN_LENGTH
    t = s % TOKEN_LENGTH
    pltpu.async_copy(table_hbm.at[idxs_v.at[t, bt]], buf, sem)

  def wait_gather(buf, sem):
    pltpu.make_async_copy(table_hbm.at[pl.ds(0, 128)], buf, sem).wait()

  def fire_write(brick, sem, s):
    bt = s // TOKEN_LENGTH
    t = s % TOKEN_LENGTH
    for q in range(EMBED_DIM // 8):
      pltpu.async_copy(brick.at[pl.ds(q * 8, 8), pl.ds(0, 128)],
                       out_hbm.at[t, q, wid * BT_PER_W + bt], sem)

  def wait_write(brick, sem):
    for q in range(EMBED_DIM // 8):
      pltpu.make_async_copy(brick.at[pl.ds(q * 8, 8), pl.ds(0, 128)],
                            out_hbm.at[0, q, 0], sem).wait()

  def block(m, carry):
    s0 = m * NB
    for j in range(NB):
      s = s0 + j
      wait_gather(rows[j], gsems[j])

      @pl.when(m > 0)
      def _():
        wait_write(bricks[j], wsems[j])

      _transpose_chunk(rows[j], bricks[j])
      fire_write(bricks[j], wsems[j], s)

      @pl.when(s + NB < STEPS)
      def _():
        fire_gather(rows[j], gsems[j], s + NB)
    return carry

  for j in range(NB):
    fire_gather(rows[j], gsems[j], j)
  lax.fori_loop(0, STEPS // NB, block, 0)
  for j in range(NB):
    wait_write(bricks[j], wsems[j])


@jax.jit
def kernel(indices, table):
  idx = indices.T.reshape(TOKEN_LENGTH, NBT, 128).astype(jnp.int32)
  call = pl.kernel(
      _body,
      out_type=jax.ShapeDtypeStruct((TOKEN_LENGTH, EMBED_DIM // 8, NBT, 8,
                                     128), jnp.float32),
      mesh=plsc.VectorSubcoreMesh(core_axis_name="c", subcore_axis_name="s"),
      scratch_types=[
          pltpu.VMEM((TOKEN_LENGTH, BT_PER_W, 128), jnp.int32),
          [pltpu.VMEM((128, EMBED_DIM), jnp.float32) for _ in range(NB)],
          [pltpu.VMEM((EMBED_DIM, BRICK_W), jnp.float32) for _ in range(NB)],
          [pltpu.SemaphoreType.DMA for _ in range(NB)],
          [pltpu.SemaphoreType.DMA for _ in range(NB)],
      ],
      compiler_params=pltpu.CompilerParams(use_tc_tiling_on_sc=False,
                                           needs_layout_passes=False),
  )
  out5 = call(idx, table)
  return out5.transpose(2, 4, 0, 1, 3).reshape(BATCH, TOKEN_LENGTH, EMBED_DIM)

# --- scband reference (transcript-rebuilt; emitter-appended) ---
"""Pipeline reference for scband-embedding-layer-79611513798713 (READ-ONLY COPY).

The authoritative reference and input builder live on the scoring server;
editing this copy changes nothing except your own understanding.
"""

import jax, jax.numpy as jnp
import numpy as np

NUM_EMBEDDINGS = 1000000
EMBED_DIM = 32
BATCH = 16384
TOKEN_LENGTH = 50


def setup_inputs(seed: int = 0) -> dict:
    key = jax.random.key(seed)
    k_idx, k_tab = jax.random.split(key)
    indices = jax.random.randint(k_idx, (BATCH, TOKEN_LENGTH), 0, NUM_EMBEDDINGS, dtype=jnp.int64 if jax.config.jax_enable_x64 else jnp.int32)
    table = jax.random.normal(k_tab, (NUM_EMBEDDINGS, EMBED_DIM), dtype=jnp.float32) * 0.02
    return {"indices": indices, "table": table}


def reference(indices, table):
    # Embedding lookup: gather rows of the embedding table per token id.
    # Output: [batch, token_length, embed_dim]
    return jnp.take(table, indices, axis=0)

if __name__ == "__main__":
    import jax
    _d = setup_inputs()
    print(jax.jit(kernel)(*tuple(_d.values())))

</pallas_src>

<mosaic_0001>
#map = affine_map<(d0, d1) -> (0, 0, 0)>
#map1 = affine_map<(d0, d1) -> (0, 0)>
#map2 = affine_map<(d0, d1) -> (0, 0, 0, 0, 0)>
module attributes {stable_mosaic.version = 14 : i64} {
  func.func @_body(%arg0: i32, %arg1: i32, %arg2: memref<50x128x128xi32, #tpu.memory_space<hbm>>, %arg3: memref<1000000x32xf32, #tpu.memory_space<hbm>>, %arg4: memref<50x4x128x8x128xf32, #tpu.memory_space<hbm>>, %arg5: memref<50x4x128xi32, #tpu.memory_space<vmem>>, %arg6: memref<128x32xf32, #tpu.memory_space<vmem>>, %arg7: memref<128x32xf32, #tpu.memory_space<vmem>>, %arg8: memref<128x32xf32, #tpu.memory_space<vmem>>, %arg9: memref<128x32xf32, #tpu.memory_space<vmem>>, %arg10: memref<32x136xf32, #tpu.memory_space<vmem>>, %arg11: memref<32x136xf32, #tpu.memory_space<vmem>>, %arg12: memref<32x136xf32, #tpu.memory_space<vmem>>, %arg13: memref<32x136xf32, #tpu.memory_space<vmem>>, %arg14: memref<!tpu.dma_semaphore, #tpu.memory_space<semaphore_mem>>, %arg15: memref<!tpu.dma_semaphore, #tpu.memory_space<semaphore_mem>>, %arg16: memref<!tpu.dma_semaphore, #tpu.memory_space<semaphore_mem>>, %arg17: memref<!tpu.dma_semaphore, #tpu.memory_space<semaphore_mem>>, %arg18: memref<!tpu.dma_semaphore, #tpu.memory_space<semaphore_mem>>, %arg19: memref<!tpu.dma_semaphore, #tpu.memory_space<semaphore_mem>>, %arg20: memref<!tpu.dma_semaphore, #tpu.memory_space<semaphore_mem>>, %arg21: memref<!tpu.dma_semaphore, #tpu.memory_space<semaphore_mem>>) attributes {dimension_semantics = [#tpu.dimension_semantics<core_parallel>, #tpu.dimension_semantics<subcore_parallel>], iteration_bounds = array<i64: 2, 16>, scalar_prefetch = 0 : i64, scratch_operands = 17 : i64, tpu.core_type = #tpu.core_type<sc_vector_subcore>, window_params = [{transform_indices = #map}, {transform_indices = #map1}, {transform_indices = #map2}]} {
    %mul3A = arith.constant 2 : i32
    %mul3A_0 = arith.muli %arg1, %mul3A : i32
    %add3A = arith.addi %mul3A_0, %arg0 : i32
    %mul3A_1 = arith.constant 4 : i32
    %mul3A_2 = arith.muli %add3A, %mul3A_1 : i32
    "tpu.region"() ({
      %run_scoped3A = tpu.sem_alloc : memref<!tpu.dma_semaphore, #tpu.memory_space<semaphore_mem>>
      %dma_start3A_310 = arith.constant 0 : i32
      %dma_start3A_311 = arith.constant 0 : i32
      %dma_start3A_312 = tpu.memref_slice %arg2[%dma_start3A_310, %mul3A_2, %dma_start3A_311] : memref<50x128x128xi32, #tpu.memory_space<hbm>> -> memref<50x4x128xi32, #tpu.memory_space<hbm>>
      %dma_start3A_313 = arith.constant 0 : i32
      %dma_start3A_314 = arith.constant 0 : i32
      %dma_start3A_315 = tpu.memref_slice %arg2[%dma_start3A_313, %mul3A_2, %dma_start3A_314] : memref<50x128x128xi32, #tpu.memory_space<hbm>> -> memref<50x4x128xi32, #tpu.memory_space<hbm>>
      tpu.enqueue_dma source(%dma_start3A_315 : memref<50x4x128xi32, #tpu.memory_space<hbm>>) target(%arg5 : memref<50x4x128xi32, #tpu.memory_space<vmem>>) target_semaphore(%run_scoped3A : memref<!tpu.dma_semaphore, #tpu.memory_space<semaphore_mem>>)
      %dma_wait3A_316 = arith.constant 0 : i32
      %dma_wait3A_317 = arith.constant 0 : i32
      %dma_wait3A_318 = tpu.memref_slice %arg2[%dma_wait3A_316, %mul3A_2, %dma_wait3A_317] : memref<50x128x128xi32, #tpu.memory_space<hbm>> -> memref<50x4x128xi32, #tpu.memory_space<hbm>>
      %dma_wait3A_319 = arith.constant 0 : i32
      %dma_wait3A_320 = arith.constant 0 : i32
      %dma_wait3A_321 = tpu.memref_slice %arg2[%dma_wait3A_319, %mul3A_2, %dma_wait3A_320] : memref<50x128x128xi32, #tpu.memory_space<hbm>> -> memref<50x4x128xi32, #tpu.memory_space<hbm>>
      tpu.wait_dma2 semaphore(%run_scoped3A : memref<!tpu.dma_semaphore, #tpu.memory_space<semaphore_mem>>) src(%dma_wait3A_321 : memref<50x4x128xi32, #tpu.memory_space<hbm>>) dst(%arg5 : memref<50x4x128xi32, #tpu.memory_space<vmem>>)
      tpu.yield
    }) : () -> ()
    %dma_start3A = arith.constant 0 : i32
    %dma_start3A_3 = arith.constant 0 : i32
    %dma_start3A_4 = arith.constant 0 : i32
    %dma_start3A_5 = tpu.memref_slice %arg5[%dma_start3A, %dma_start3A_3, %dma_start3A_4] : memref<50x4x128xi32, #tpu.memory_space<vmem>> -> memref<1x1x128xi32, #tpu.memory_space<vmem>>
    %dma_start3A_6 = tpu.memref_squeeze %dma_start3A_5 : memref<1x1x128xi32, #tpu.memory_space<vmem>> -> memref<128xi32, #tpu.memory_space<vmem>>
    %dma_start3A_7 = arith.constant 0 : i32
    %dma_start3A_8 = arith.constant 0 : i32
    %dma_start3A_9 = tpu.memref_slice %arg3[%dma_start3A_7, %dma_start3A_8] : memref<1000000x32xf32, #tpu.memory_space<hbm>> -> memref<1000000x32xf32, #tpu.memory_space<hbm>>
    tpu.enqueue_indirect_dma source(%dma_start3A_9 : memref<1000000x32xf32, #tpu.memory_space<hbm>>) target(%arg6 : memref<128x32xf32, #tpu.memory_space<vmem>>) offsets(%dma_start3A_6 : memref<128xi32, #tpu.memory_space<vmem>>) semaphore(%arg14 : memref<!tpu.dma_semaphore, #tpu.memory_space<semaphore_mem>>)
    %dma_start3A_10 = arith.constant 1 : i32
    %dma_start3A_11 = arith.constant 0 : i32
    %dma_start3A_12 = arith.constant 0 : i32
    %dma_start3A_13 = tpu.memref_slice %arg5[%dma_start3A_10, %dma_start3A_11, %dma_start3A_12] : memref<50x4x128xi32, #tpu.memory_space<vmem>> -> memref<1x1x128xi32, #tpu.memory_space<vmem>>
    %dma_start3A_14 = tpu.memref_squeeze %dma_start3A_13 : memref<1x1x128xi32, #tpu.memory_space<vmem>> -> memref<128xi32, #tpu.memory_space<vmem>>
    %dma_start3A_15 = arith.constant 0 : i32
    %dma_start3A_16 = arith.constant 0 : i32
    %dma_start3A_17 = tpu.memref_slice %arg3[%dma_start3A_15, %dma_start3A_16] : memref<1000000x32xf32, #tpu.memory_space<hbm>> -> memref<1000000x32xf32, #tpu.memory_space<hbm>>
    tpu.enqueue_indirect_dma source(%dma_start3A_17 : memref<1000000x32xf32, #tpu.memory_space<hbm>>) target(%arg7 : memref<128x32xf32, #tpu.memory_space<vmem>>) offsets(%dma_start3A_14 : memref<128xi32, #tpu.memory_space<vmem>>) semaphore(%arg15 : memref<!tpu.dma_semaphore, #tpu.memory_space<semaphore_mem>>)
    %dma_start3A_18 = arith.constant 2 : i32
    %dma_start3A_19 = arith.constant 0 : i32
    %dma_start3A_20 = arith.constant 0 : i32
    %dma_start3A_21 = tpu.memref_slice %arg5[%dma_start3A_18, %dma_start3A_19, %dma_start3A_20] : memref<50x4x128xi32, #tpu.memory_space<vmem>> -> memref<1x1x128xi32, #tpu.memory_space<vmem>>
    %dma_start3A_22 = tpu.memref_squeeze %dma_start3A_21 : memref<1x1x128xi32, #tpu.memory_space<vmem>> -> memref<128xi32, #tpu.memory_space<vmem>>
    %dma_start3A_23 = arith.constant 0 : i32
    %dma_start3A_24 = arith.constant 0 : i32
    %dma_start3A_25 = tpu.memref_slice %arg3[%dma_start3A_23, %dma_start3A_24] : memref<1000000x32xf32, #tpu.memory_space<hbm>> -> memref<1000000x32xf32, #tpu.memory_space<hbm>>
    tpu.enqueue_indirect_dma source(%dma_start3A_25 : memref<1000000x32xf32, #tpu.memory_space<hbm>>) target(%arg8 : memref<128x32xf32, #tpu.memory_space<vmem>>) offsets(%dma_start3A_22 : memref<128xi32, #tpu.memory_space<vmem>>) semaphore(%arg16 : memref<!tpu.dma_semaphore, #tpu.memory_space<semaphore_mem>>)
    %dma_start3A_26 = arith.constant 3 : i32
    %dma_start3A_27 = arith.constant 0 : i32
    %dma_start3A_28 = arith.constant 0 : i32
    %dma_start3A_29 = tpu.memref_slice %arg5[%dma_start3A_26, %dma_start3A_27, %dma_start3A_28] : memref<50x4x128xi32, #tpu.memory_space<vmem>> -> memref<1x1x128xi32, #tpu.memory_space<vmem>>
    %dma_start3A_30 = tpu.memref_squeeze %dma_start3A_29 : memref<1x1x128xi32, #tpu.memory_space<vmem>> -> memref<128xi32, #tpu.memory_space<vmem>>
    %dma_start3A_31 = arith.constant 0 : i32
    %dma_start3A_32 = arith.constant 0 : i32
    %dma_start3A_33 = tpu.memref_slice %arg3[%dma_start3A_31, %dma_start3A_32] : memref<1000000x32xf32, #tpu.memory_space<hbm>> -> memref<1000000x32xf32, #tpu.memory_space<hbm>>
    tpu.enqueue_indirect_dma source(%dma_start3A_33 : memref<1000000x32xf32, #tpu.memory_space<hbm>>) target(%arg9 : memref<128x32xf32, #tpu.memory_space<vmem>>) offsets(%dma_start3A_30 : memref<128xi32, #tpu.memory_space<vmem>>) semaphore(%arg17 : memref<!tpu.dma_semaphore, #tpu.memory_space<semaphore_mem>>)
    %scan3A = arith.constant 0 : i32
    %scan3A_34 = arith.constant 0 : i32
    %scan3A_35 = arith.constant 50 : i32
    %scan3A_36 = arith.addi %scan3A_34, %scan3A_35 : i32
    %scan3A_37 = arith.constant 1 : i32
    scf.for %scan3A_310 = %scan3A_34 to %scan3A_36 step %scan3A_37  : i32 {
      %mul3A_311 = arith.constant 4 : i32
      %mul3A_312 = arith.muli %scan3A_310, %mul3A_311 : i32
      %add3A_313 = arith.constant 0 : i32
      %add3A_314 = arith.addi %mul3A_312, %add3A_313 : i32
      %dma_wait3A_315 = arith.constant 0 : i32
      %dma_wait3A_316 = arith.constant 0 : i32
      %dma_wait3A_317 = tpu.memref_slice %arg3[%dma_wait3A_315, %dma_wait3A_316] : memref<1000000x32xf32, #tpu.memory_space<hbm>> -> memref<128x32xf32, #tpu.memory_space<hbm>>
      %dma_wait3A_318 = arith.constant 0 : i32
      %dma_wait3A_319 = arith.constant 0 : i32
      %dma_wait3A_320 = tpu.memref_slice %arg3[%dma_wait3A_318, %dma_wait3A_319] : memref<1000000x32xf32, #tpu.memory_space<hbm>> -> memref<128x32xf32, #tpu.memory_space<hbm>>
      tpu.wait_dma2 semaphore(%arg14 : memref<!tpu.dma_semaphore, #tpu.memory_space<semaphore_mem>>) src(%dma_wait3A_320 : memref<128x32xf32, #tpu.memory_space<hbm>>) dst(%arg6 : memref<128x32xf32, #tpu.memory_space<vmem>>)
      %gt3A = arith.constant 0 : i32
      %gt3A_321 = arith.cmpi sgt, %scan3A_310, %gt3A : i32
      %convert_element_type3A = arith.extui %gt3A_321 : i1 to i32
      %cond3A = arith.constant 0 : i32
      %cond3A_322 = arith.cmpi ne, %convert_element_type3A, %cond3A : i32
      scf.if %cond3A_322 {
        %dma_wait3A_854 = arith.constant 0 : i32
        %dma_wait3A_855 = arith.constant 0 : i32
        %dma_wait3A_856 = arith.constant 0 : i32
        %dma_wait3A_857 = arith.constant 0 : i32
        %dma_wait3A_858 = arith.constant 0 : i32
        %dma_wait3A_859 = tpu.memref_slice %arg10[%dma_wait3A_857, %dma_wait3A_858] : memref<32x136xf32, #tpu.memory_space<vmem>> -> memref<8x128xf32, #tpu.memory_space<vmem>>
        %dma_wait3A_860 = arith.constant 0 : i32
        %dma_wait3A_861 = arith.constant 0 : i32
        %dma_wait3A_862 = tpu.memref_slice %arg4[%dma_wait3A_854, %dma_wait3A_855, %dma_wait3A_856, %dma_wait3A_860, %dma_wait3A_861] : memref<50x4x128x8x128xf32, #tpu.memory_space<hbm>> -> memref<1x1x1x8x128xf32, #tpu.memory_space<hbm>>
        %dma_wait3A_863 = tpu.memref_squeeze %dma_wait3A_862 : memref<1x1x1x8x128xf32, #tpu.memory_space<hbm>> -> memref<8x128xf32, #tpu.memory_space<hbm>>
        %dma_wait3A_864 = arith.constant 0 : i32
        %dma_wait3A_865 = arith.constant 0 : i32
        %dma_wait3A_866 = tpu.memref_slice %arg4[%dma_wait3A_854, %dma_wait3A_855, %dma_wait3A_856, %dma_wait3A_864, %dma_wait3A_865] : memref<50x4x128x8x128xf32, #tpu.memory_space<hbm>> -> memref<1x1x1x8x128xf32, #tpu.memory_space<hbm>>
        %dma_wait3A_867 = tpu.memref_squeeze %dma_wait3A_866 : memref<1x1x1x8x128xf32, #tpu.memory_space<hbm>> -> memref<8x128xf32, #tpu.memory_space<hbm>>
        %dma_wait3A_868 = arith.constant 0 : i32
        %dma_wait3A_869 = arith.constant 0 : i32
        %dma_wait3A_870 = tpu.memref_slice %arg10[%dma_wait3A_868, %dma_wait3A_869] : memref<32x136xf32, #tpu.memory_space<vmem>> -> memref<8x128xf32, #tpu.memory_space<vmem>>
        tpu.wait_dma2 semaphore(%arg18 : memref<!tpu.dma_semaphore, #tpu.memory_space<semaphore_mem>>) src(%dma_wait3A_870 : memref<8x128xf32, #tpu.memory_space<vmem>>) dst(%dma_wait3A_867 : memref<8x128xf32, #tpu.memory_space<hbm>>)
        %dma_wait3A_871 = arith.constant 0 : i32
        %dma_wait3A_872 = arith.constant 1 : i32
        %dma_wait3A_873 = arith.constant 0 : i32
        %dma_wait3A_874 = arith.constant 8 : i32
        %dma_wait3A_875 = arith.constant 0 : i32
        %dma_wait3A_876 = tpu.memref_slice %arg10[%dma_wait3A_874, %dma_wait3A_875] : memref<32x136xf32, #tpu.memory_space<vmem>> -> memref<8x128xf32, #tpu.memory_space<vmem>>
        %dma_wait3A_877 = arith.constant 0 : i32
        %dma_wait3A_878 = arith.constant 0 : i32
        %dma_wait3A_879 = tpu.memref_slice %arg4[%dma_wait3A_871, %dma_wait3A_872, %dma_wait3A_873, %dma_wait3A_877, %dma_wait3A_878] : memref<50x4x128x8x128xf32, #tpu.memory_space<hbm>> -> memref<1x1x1x8x128xf32, #tpu.memory_space<hbm>>
        %dma_wait3A_880 = tpu.memref_squeeze %dma_wait3A_879 : memref<1x1x1x8x128xf32, #tpu.memory_space<hbm>> -> memref<8x128xf32, #tpu.memory_space<hbm>>
        %dma_wait3A_881 = arith.constant 0 : i32
        %dma_wait3A_882 = arith.constant 0 : i32
        %dma_wait3A_883 = tpu.memref_slice %arg4[%dma_wait3A_871, %dma_wait3A_872, %dma_wait3A_873, %dma_wait3A_881, %dma_wait3A_882] : memref<50x4x128x8x128xf32, #tpu.memory_space<hbm>> -> memref<1x1x1x8x128xf32, #tpu.memory_space<hbm>>
        %dma_wait3A_884 = tpu.memref_squeeze %dma_wait3A_883 : memref<1x1x1x8x128xf32, #tpu.memory_space<hbm>> -> memref<8x128xf32, #tpu.memory_space<hbm>>
        %dma_wait3A_885 = arith.constant 8 : i32
        %dma_wait3A_886 = arith.constant 0 : i32
        %dma_wait3A_887 = tpu.memref_slice %arg10[%dma_wait3A_885, %dma_wait3A_886] : memref<32x136xf32, #tpu.memory_space<vmem>> -> memref<8x128xf32, #tpu.memory_space<vmem>>
        tpu.wait_dma2 semaphore(%arg18 : memref<!tpu.dma_semaphore, #tpu.memory_space<semaphore_mem>>) src(%dma_wait3A_887 : memref<8x128xf32, #tpu.memory_space<vmem>>) dst(%dma_wait3A_884 : memref<8x128xf32, #tpu.memory_space<hbm>>)
        %dma_wait3A_888 = arith.constant 0 : i32
        %dma_wait3A_889 = arith.constant 2 : i32
        %dma_wait3A_890 = arith.constant 0 : i32
        %dma_wait3A_891 = arith.constant 16 : i32
        %dma_wait3A_892 = arith.constant 0 : i32
        %dma_wait3A_893 = tpu.memref_slice %arg10[%dma_wait3A_891, %dma_wait3A_892] : memref<32x136xf32, #tpu.memory_space<vmem>> -> memref<8x128xf32, #tpu.memory_space<vmem>>
        %dma_wait3A_894 = arith.constant 0 : i32
        %dma_wait3A_895 = arith.constant 0 : i32
        %dma_wait3A_896 = tpu.memref_slice %arg4[%dma_wait3A_888, %dma_wait3A_889, %dma_wait3A_890, %dma_wait3A_894, %dma_wait3A_895] : memref<50x4x128x8x128xf32, #tpu.memory_space<hbm>> -> memref<1x1x1x8x128xf32, #tpu.memory_space<hbm>>
        %dma_wait3A_897 = tpu.memref_squeeze %dma_wait3A_896 : memref<1x1x1x8x128xf32, #tpu.memory_space<hbm>> -> memref<8x128xf32, #tpu.memory_space<hbm>>
        %dma_wait3A_898 = arith.constant 0 : i32
        %dma_wait3A_899 = arith.constant 0 : i32
        %dma_wait3A_900 = tpu.memref_slice %arg4[%dma_wait3A_888, %dma_wait3A_889, %dma_wait3A_890, %dma_wait3A_898, %dma_wait3A_899] : memref<50x4x128x8x128xf32, #tpu.memory_space<hbm>> -> memref<1x1x1x8x128xf32, #tpu.memory_space<hbm>>
        %dma_wait3A_901 = tpu.memref_squeeze %dma_wait3A_900 : memref<1x1x1x8x128xf32, #tpu.memory_space<hbm>> -> memref<8x128xf32, #tpu.memory_space<hbm>>
        %dma_wait3A_902 = arith.constant 16 : i32
        %dma_wait3A_903 = arith.constant 0 : i32
        %dma_wait3A_904 = tpu.memref_slice %arg10[%dma_wait3A_902, %dma_wait3A_903] : memref<32x136xf32, #tpu.memory_space<vmem>> -> memref<8x128xf32, #tpu.memory_space<vmem>>
        tpu.wait_dma2 semaphore(%arg18 : memref<!tpu.dma_semaphore, #tpu.memory_space<semaphore_mem>>) src(%dma_wait3A_904 : memref<8x128xf32, #tpu.memory_space<vmem>>) dst(%dma_wait3A_901 : memref<8x128xf32, #tpu.memory_space<hbm>>)
        %dma_wait3A_905 = arith.constant 0 : i32
        %dma_wait3A_906 = arith.constant 3 : i32
        %dma_wait3A_907 = arith.constant 0 : i32
        %dma_wait3A_908 = arith.constant 24 : i32
        %dma_wait3A_909 = arith.constant 0 : i32
        %dma_wait3A_910 = tpu.memref_slice %arg10[%dma_wait3A_908, %dma_wait3A_909] : memref<32x136xf32, #tpu.memory_space<vmem>> -> memref<8x128xf32, #tpu.memory_space<vmem>>
        %dma_wait3A_911 = arith.constant 0 : i32
        %dma_wait3A_912 = arith.constant 0 : i32
        %dma_wait3A_913 = tpu.memref_slice %arg4[%dma_wait3A_905, %dma_wait3A_906, %dma_wait3A_907, %dma_wait3A_911, %dma_wait3A_912] : memref<50x4x128x8x128xf32, #tpu.memory_space<hbm>> -> memref<1x1x1x8x128xf32, #tpu.memory_space<hbm>>
        %dma_wait3A_914 = tpu.memref_squeeze %dma_wait3A_913 : memref<1x1x1x8x128xf32, #tpu.memory_space<hbm>> -> memref<8x128xf32, #tpu.memory_space<hbm>>
        %dma_wait3A_915 = arith.constant 0 : i32
        %dma_wait3A_916 = arith.constant 0 : i32
        %dma_wait3A_917 = tpu.memref_slice %arg4[%dma_wait3A_905, %dma_wait3A_906, %dma_wait3A_907, %dma_wait3A_915, %dma_wait3A_916] : memref<50x4x128x8x128xf32, #tpu.memory_space<hbm>> -> memref<1x1x1x8x128xf32, #tpu.memory_space<hbm>>
        %dma_wait3A_918 = tpu.memref_squeeze %dma_wait3A_917 : memref<1x1x1x8x128xf32, #tpu.memory_space<hbm>> -> memref<8x128xf32, #tpu.memory_space<hbm>>
        %dma_wait3A_919 = arith.constant 24 : i32
        %dma_wait3A_920 = arith.constant 0 : i32
        %dma_wait3A_921 = tpu.memref_slice %arg10[%dma_wait3A_919, %dma_wait3A_920] : memref<32x136xf32, #tpu.memory_space<vmem>> -> memref<8x128xf32, #tpu.memory_space<vmem>>
        tpu.wait_dma2 semaphore(%arg18 : memref<!tpu.dma_semaphore, #tpu.memory_space<semaphore_mem>>) src(%dma_wait3A_921 : memref<8x128xf32, #tpu.memory_space<vmem>>) dst(%dma_wait3A_918 : memref<8x128xf32, #tpu.memory_space<hbm>>)
      } else {
      }
      %iota3A = tpu.iota {dimensions = array<i32: 0>} : vector<16xi32>
      %add3A_323 = arith.constant 16 : i32
      %add3A_324 = vector.broadcast %add3A_323 : i32 to vector<16xi32>
      %add3A_325 = arith.addi %iota3A, %add3A_324 : vector<16xi32>
      %parallel_loop3A = arith.constant 0 : i32
      %parallel_loop3A_326 = arith.constant 128 : i32
      %parallel_loop3A_327 = arith.constant 1 : i32
      scf.for %parallel_loop3A_854 = %parallel_loop3A to %parallel_loop3A_326 step %parallel_loop3A_327  : i32 {
        %parallel_loop3A_855 = vector.broadcast %parallel_loop3A_854 : i32 to vector<16xi32>
        %parallel_loop3A_856 = arith.index_cast %parallel_loop3A_854 : i32 to index
        %parallel_loop3A_857 = arith.constant 0 : index
        %parallel_loop3A_858 = tpu.vector_load %arg6[%parallel_loop3A_856, %parallel_loop3A_857] {strides = array<i32>} : memref<128x32xf32, #tpu.memory_space<vmem>>, vector<16xf32>,
        tpu.vector_store_idx %arg10[%iota3A, %parallel_loop3A_855], %parallel_loop3A_858 : memref<32x136xf32, #tpu.memory_space<vmem>>[vector<16xi32>, vector<16xi32>], vector<16xf32>,
        %parallel_loop3A_859 = arith.index_cast %parallel_loop3A_854 : i32 to index
        %parallel_loop3A_860 = arith.constant 16 : index
        %parallel_loop3A_861 = tpu.vector_load %arg6[%parallel_loop3A_859, %parallel_loop3A_860] {strides = array<i32>} : memref<128x32xf32, #tpu.memory_space<vmem>>, vector<16xf32>,
        tpu.vector_store_idx %arg10[%add3A_325, %parallel_loop3A_855], %parallel_loop3A_861 : memref<32x136xf32, #tpu.memory_space<vmem>>[vector<16xi32>, vector<16xi32>], vector<16xf32>,
      } {sc.loop_unroll_factor = 8 : i64, sc.parallel_access}
      %jit3A = arith.constant 50 : i32
      %div3A = arith.divsi %add3A_314, %jit3A : i32
      %sign3A = arith.constant 0 : i32
      %sign3A_328 = arith.cmpi sgt, %add3A_314, %sign3A : i32
      %sign3A_329 = arith.extui %sign3A_328 : i1 to i32
      %sign3A_330 = arith.constant 0 : i32
      %sign3A_331 = arith.cmpi slt, %add3A_314, %sign3A_330 : i32
      %sign3A_332 = arith.extui %sign3A_331 : i1 to i32
      %sign3A_333 = arith.subi %sign3A_329, %sign3A_332 : i32
      %sign3A_334 = arith.constant 0 : i32
      %sign3A_335 = arith.cmpi sgt, %jit3A, %sign3A_334 : i32
      %sign3A_336 = arith.extui %sign3A_335 : i1 to i32
      %sign3A_337 = arith.constant 0 : i32
      %sign3A_338 = arith.cmpi slt, %jit3A, %sign3A_337 : i32
      %sign3A_339 = arith.extui %sign3A_338 : i1 to i32
      %sign3A_340 = arith.subi %sign3A_336, %sign3A_339 : i32
      %ne3A = arith.cmpi ne, %sign3A_333, %sign3A_340 : i32
      %rem3A = arith.remsi %add3A_314, %jit3A : i32
      %ne3A_341 = arith.constant 0 : i32
      %ne3A_342 = arith.cmpi ne, %rem3A, %ne3A_341 : i32
      %and3A = arith.andi %ne3A, %ne3A_342 : i1
      %sub3A = arith.constant 1 : i32
      %sub3A_343 = arith.subi %div3A, %sub3A : i32
      %select_n3A = arith.select %and3A, %sub3A_343, %div3A : i32
      %jit3A_344 = arith.constant 50 : i32
      %eq3A = arith.constant 0 : i32
      %eq3A_345 = arith.cmpi eq, %jit3A_344, %eq3A : i32
      %jit3A_346 = arith.constant 1 : i32
      %select_n3A_347 = arith.select %eq3A_345, %jit3A_346, %jit3A_344 : i32
      %rem3A_348 = arith.remsi %add3A_314, %select_n3A_347 : i32
      %ne3A_349 = arith.constant 0 : i32
      %ne3A_350 = arith.cmpi ne, %rem3A_348, %ne3A_349 : i32
      %lt3A = arith.constant 0 : i32
      %lt3A_351 = arith.cmpi slt, %rem3A_348, %lt3A : i32
      %lt3A_352 = arith.constant 0 : i32
      %lt3A_353 = arith.cmpi slt, %select_n3A_347, %lt3A_352 : i32
      %ne3A_354 = arith.xori %lt3A_351, %lt3A_353 : i1
      %and3A_355 = arith.andi %ne3A_354, %ne3A_350 : i1
      %add3A_356 = arith.addi %rem3A_348, %select_n3A_347 : i32
      %select_n3A_357 = arith.select %and3A_355, %add3A_356, %rem3A_348 : i32
      %mul3A_358 = arith.constant 4 : i32
      %mul3A_359 = arith.muli %add3A, %mul3A_358 : i32
      %add3A_360 = arith.addi %mul3A_359, %select_n3A : i32
      %dma_start3A_361 = arith.constant 0 : i32
      %dma_start3A_362 = arith.constant 0 : i32
      %dma_start3A_363 = arith.constant 0 : i32
      %dma_start3A_364 = tpu.memref_slice %arg10[%dma_start3A_362, %dma_start3A_363] : memref<32x136xf32, #tpu.memory_space<vmem>> -> memref<8x128xf32, #tpu.memory_space<vmem>>
      %dma_start3A_365 = arith.constant 0 : i32
      %dma_start3A_366 = arith.constant 0 : i32
      %dma_start3A_367 = tpu.memref_slice %arg4[%select_n3A_357, %dma_start3A_361, %add3A_360, %dma_start3A_365, %dma_start3A_366] : memref<50x4x128x8x128xf32, #tpu.memory_space<hbm>> -> memref<1x1x1x8x128xf32, #tpu.memory_space<hbm>>
      %dma_start3A_368 = tpu.memref_squeeze %dma_start3A_367 : memref<1x1x1x8x128xf32, #tpu.memory_space<hbm>> -> memref<8x128xf32, #tpu.memory_space<hbm>>
      %dma_start3A_369 = arith.constant 0 : i32
      %dma_start3A_370 = arith.constant 0 : i32
      %dma_start3A_371 = tpu.memref_slice %arg4[%select_n3A_357, %dma_start3A_361, %add3A_360, %dma_start3A_369, %dma_start3A_370] : memref<50x4x128x8x128xf32, #tpu.memory_space<hbm>> -> memref<1x1x1x8x128xf32, #tpu.memory_space<hbm>>
      %dma_start3A_372 = tpu.memref_squeeze %dma_start3A_371 : memref<1x1x1x8x128xf32, #tpu.memory_space<hbm>> -> memref<8x128xf32, #tpu.memory_space<hbm>>
      %dma_start3A_373 = arith.constant 0 : i32
      %dma_start3A_374 = arith.constant 0 : i32
      %dma_start3A_375 = tpu.memref_slice %arg10[%dma_start3A_373, %dma_start3A_374] : memref<32x136xf32, #tpu.memory_space<vmem>> -> memref<8x128xf32, #tpu.memory_space<vmem>>
      tpu.enqueue_dma source(%dma_start3A_375 : memref<8x128xf32, #tpu.memory_space<vmem>>) target(%dma_start3A_372 : memref<8x128xf32, #tpu.memory_space<hbm>>) target_semaphore(%arg18 : memref<!tpu.dma_semaphore, #tpu.memory_space<semaphore_mem>>)
      %mul3A_376 = arith.constant 4 : i32
      %mul3A_377 = arith.muli %add3A, %mul3A_376 : i32
      %add3A_378 = arith.addi %mul3A_377, %select_n3A : i32
      %dma_start3A_379 = arith.constant 1 : i32
      %dma_start3A_380 = arith.constant 8 : i32
      %dma_start3A_381 = arith.constant 0 : i32
      %dma_start3A_382 = tpu.memref_slice %arg10[%dma_start3A_380, %dma_start3A_381] : memref<32x136xf32, #tpu.memory_space<vmem>> -> memref<8x128xf32, #tpu.memory_space<vmem>>
      %dma_start3A_383 = arith.constant 0 : i32
      %dma_start3A_384 = arith.constant 0 : i32
      %dma_start3A_385 = tpu.memref_slice %arg4[%select_n3A_357, %dma_start3A_379, %add3A_378, %dma_start3A_383, %dma_start3A_384] : memref<50x4x128x8x128xf32, #tpu.memory_space<hbm>> -> memref<1x1x1x8x128xf32, #tpu.memory_space<hbm>>
      %dma_start3A_386 = tpu.memref_squeeze %dma_start3A_385 : memref<1x1x1x8x128xf32, #tpu.memory_space<hbm>> -> memref<8x128xf32, #tpu.memory_space<hbm>>
      %dma_start3A_387 = arith.constant 0 : i32
      %dma_start3A_388 = arith.constant 0 : i32
      %dma_start3A_389 = tpu.memref_slice %arg4[%select_n3A_357, %dma_start3A_379, %add3A_378, %dma_start3A_387, %dma_start3A_388] : memref<50x4x128x8x128xf32, #tpu.memory_space<hbm>> -> memref<1x1x1x8x128xf32, #tpu.memory_space<hbm>>
      %dma_start3A_390 = tpu.memref_squeeze %dma_start3A_389 : memref<1x1x1x8x128xf32, #tpu.memory_space<hbm>> -> memref<8x128xf32, #tpu.memory_space<hbm>>
      %dma_start3A_391 = arith.constant 8 : i32
      %dma_start3A_392 = arith.constant 0 : i32
      %dma_start3A_393 = tpu.memref_slice %arg10[%dma_start3A_391, %dma_start3A_392] : memref<32x136xf32, #tpu.memory_space<vmem>> -> memref<8x128xf32, #tpu.memory_space<vmem>>
      tpu.enqueue_dma source(%dma_start3A_393 : memref<8x128xf32, #tpu.memory_space<vmem>>) target(%dma_start3A_390 : memref<8x128xf32, #tpu.memory_space<hbm>>) target_semaphore(%arg18 : memref<!tpu.dma_semaphore, #tpu.memory_space<semaphore_mem>>)
      %mul3A_394 = arith.constant 4 : i32
      %mul3A_395 = arith.muli %add3A, %mul3A_394 : i32
      %add3A_396 = arith.addi %mul3A_395, %select_n3A : i32
      %dma_start3A_397 = arith.constant 2 : i32
      %dma_start3A_398 = arith.constant 16 : i32
      %dma_start3A_399 = arith.constant 0 : i32
      %dma_start3A_400 = tpu.memref_slice %arg10[%dma_start3A_398, %dma_start3A_399] : memref<32x136xf32, #tpu.memory_space<vmem>> -> memref<8x128xf32, #tpu.memory_space<vmem>>
      %dma_start3A_401 = arith.constant 0 : i32
      %dma_start3A_402 = arith.constant 0 : i32
      %dma_start3A_403 = tpu.memref_slice %arg4[%select_n3A_357, %dma_start3A_397, %add3A_396, %dma_start3A_401, %dma_start3A_402] : memref<50x4x128x8x128xf32, #tpu.memory_space<hbm>> -> memref<1x1x1x8x128xf32, #tpu.memory_space<hbm>>
      %dma_start3A_404 = tpu.memref_squeeze %dma_start3A_403 : memref<1x1x1x8x128xf32, #tpu.memory_space<hbm>> -> memref<8x128xf32, #tpu.memory_space<hbm>>
      %dma_start3A_405 = arith.constant 0 : i32
      %dma_start3A_406 = arith.constant 0 : i32
      %dma_start3A_407 = tpu.memref_slice %arg4[%select_n3A_357, %dma_start3A_397, %add3A_396, %dma_start3A_405, %dma_start3A_406] : memref<50x4x128x8x128xf32, #tpu.memory_space<hbm>> -> memref<1x1x1x8x128xf32, #tpu.memory_space<hbm>>
      %dma_start3A_408 = tpu.memref_squeeze %dma_start3A_407 : memref<1x1x1x8x128xf32, #tpu.memory_space<hbm>> -> memref<8x128xf32, #tpu.memory_space<hbm>>
      %dma_start3A_409 = arith.constant 16 : i32
      %dma_start3A_410 = arith.constant 0 : i32
      %dma_start3A_411 = tpu.memref_slice %arg10[%dma_start3A_409, %dma_start3A_410] : memref<32x136xf32, #tpu.memory_space<vmem>> -> memref<8x128xf32, #tpu.memory_space<vmem>>
      tpu.enqueue_dma source(%dma_start3A_411 : memref<8x128xf32, #tpu.memory_space<vmem>>) target(%dma_start3A_408 : memref<8x128xf32, #tpu.memory_space<hbm>>) target_semaphore(%arg18 : memref<!tpu.dma_semaphore, #tpu.memory_space<semaphore_mem>>)
      %mul3A_412 = arith.constant 4 : i32
      %mul3A_413 = arith.muli %add3A, %mul3A_412 : i32
      %add3A_414 = arith.addi %mul3A_413, %select_n3A : i32
      %dma_start3A_415 = arith.constant 3 : i32
      %dma_start3A_416 = arith.constant 24 : i32
      %dma_start3A_417 = arith.constant 0 : i32
      %dma_start3A_418 = tpu.memref_slice %arg10[%dma_start3A_416, %dma_start3A_417] : memref<32x136xf32, #tpu.memory_space<vmem>> -> memref<8x128xf32, #tpu.memory_space<vmem>>
      %dma_start3A_419 = arith.constant 0 : i32
      %dma_start3A_420 = arith.constant 0 : i32
      %dma_start3A_421 = tpu.memref_slice %arg4[%select_n3A_357, %dma_start3A_415, %add3A_414, %dma_start3A_419, %dma_start3A_420] : memref<50x4x128x8x128xf32, #tpu.memory_space<hbm>> -> memref<1x1x1x8x128xf32, #tpu.memory_space<hbm>>
      %dma_start3A_422 = tpu.memref_squeeze %dma_start3A_421 : memref<1x1x1x8x128xf32, #tpu.memory_space<hbm>> -> memref<8x128xf32, #tpu.memory_space<hbm>>
      %dma_start3A_423 = arith.constant 0 : i32
      %dma_start3A_424 = arith.constant 0 : i32
      %dma_start3A_425 = tpu.memref_slice %arg4[%select_n3A_357, %dma_start3A_415, %add3A_414, %dma_start3A_423, %dma_start3A_424] : memref<50x4x128x8x128xf32, #tpu.memory_space<hbm>> -> memref<1x1x1x8x128xf32, #tpu.memory_space<hbm>>
      %dma_start3A_426 = tpu.memref_squeeze %dma_start3A_425 : memref<1x1x1x8x128xf32, #tpu.memory_space<hbm>> -> memref<8x128xf32, #tpu.memory_space<hbm>>
      %dma_start3A_427 = arith.constant 24 : i32
      %dma_start3A_428 = arith.constant 0 : i32
      %dma_start3A_429 = tpu.memref_slice %arg10[%dma_start3A_427, %dma_start3A_428] : memref<32x136xf32, #tpu.memory_space<vmem>> -> memref<8x128xf32, #tpu.memory_space<vmem>>
      tpu.enqueue_dma source(%dma_start3A_429 : memref<8x128xf32, #tpu.memory_space<vmem>>) target(%dma_start3A_426 : memref<8x128xf32, #tpu.memory_space<hbm>>) target_semaphore(%arg18 : memref<!tpu.dma_semaphore, #tpu.memory_space<semaphore_mem>>)
      %add3A_430 = arith.constant 4 : i32
      %add3A_431 = arith.addi %add3A_314, %add3A_430 : i32
      %lt3A_432 = arith.constant 200 : i32
      %lt3A_433 = arith.cmpi slt, %add3A_431, %lt3A_432 : i32
      %convert_element_type3A_434 = arith.extui %lt3A_433 : i1 to i32
      %cond3A_435 = arith.constant 0 : i32
      %cond3A_436 = arith.cmpi ne, %convert_element_type3A_434, %cond3A_435 : i32
      scf.if %cond3A_436 {
        %add3A_854 = arith.constant 4 : i32
        %add3A_855 = arith.addi %add3A_314, %add3A_854 : i32
        %jit3A_856 = arith.constant 50 : i32
        %div3A_857 = arith.divsi %add3A_855, %jit3A_856 : i32
        %sign3A_858 = arith.constant 0 : i32
        %sign3A_859 = arith.cmpi sgt, %add3A_855, %sign3A_858 : i32
        %sign3A_860 = arith.extui %sign3A_859 : i1 to i32
        %sign3A_861 = arith.constant 0 : i32
        %sign3A_862 = arith.cmpi slt, %add3A_855, %sign3A_861 : i32
        %sign3A_863 = arith.extui %sign3A_862 : i1 to i32
        %sign3A_864 = arith.subi %sign3A_860, %sign3A_863 : i32
        %sign3A_865 = arith.constant 0 : i32
        %sign3A_866 = arith.cmpi sgt, %jit3A_856, %sign3A_865 : i32
        %sign3A_867 = arith.extui %sign3A_866 : i1 to i32
        %sign3A_868 = arith.constant 0 : i32
        %sign3A_869 = arith.cmpi slt, %jit3A_856, %sign3A_868 : i32
        %sign3A_870 = arith.extui %sign3A_869 : i1 to i32
        %sign3A_871 = arith.subi %sign3A_867, %sign3A_870 : i32
        %ne3A_872 = arith.cmpi ne, %sign3A_864, %sign3A_871 : i32
        %rem3A_873 = arith.remsi %add3A_855, %jit3A_856 : i32
        %ne3A_874 = arith.constant 0 : i32
        %ne3A_875 = arith.cmpi ne, %rem3A_873, %ne3A_874 : i32
        %and3A_876 = arith.andi %ne3A_872, %ne3A_875 : i1
        %sub3A_877 = arith.constant 1 : i32
        %sub3A_878 = arith.subi %div3A_857, %sub3A_877 : i32
        %select_n3A_879 = arith.select %and3A_876, %sub3A_878, %div3A_857 : i32
        %jit3A_880 = arith.constant 50 : i32
        %eq3A_881 = arith.constant 0 : i32
        %eq3A_882 = arith.cmpi eq, %jit3A_880, %eq3A_881 : i32
        %jit3A_883 = arith.constant 1 : i32
        %select_n3A_884 = arith.select %eq3A_882, %jit3A_883, %jit3A_880 : i32
        %rem3A_885 = arith.remsi %add3A_855, %select_n3A_884 : i32
        %ne3A_886 = arith.constant 0 : i32
        %ne3A_887 = arith.cmpi ne, %rem3A_885, %ne3A_886 : i32
        %lt3A_888 = arith.constant 0 : i32
        %lt3A_889 = arith.cmpi slt, %rem3A_885, %lt3A_888 : i32
        %lt3A_890 = arith.constant 0 : i32
        %lt3A_891 = arith.cmpi slt, %select_n3A_884, %lt3A_890 : i32
        %ne3A_892 = arith.xori %lt3A_889, %lt3A_891 : i1
        %and3A_893 = arith.andi %ne3A_892, %ne3A_887 : i1
        %add3A_894 = arith.addi %rem3A_885, %select_n3A_884 : i32
        %select_n3A_895 = arith.select %and3A_893, %add3A_894, %rem3A_885 : i32
        %dma_start3A_896 = arith.constant 0 : i32
        %dma_start3A_897 = tpu.memref_slice %arg5[%select_n3A_895, %select_n3A_879, %dma_start3A_896] : memref<50x4x128xi32, #tpu.memory_space<vmem>> -> memref<1x1x128xi32, #tpu.memory_space<vmem>>
        %dma_start3A_898 = tpu.memref_squeeze %dma_start3A_897 : memref<1x1x128xi32, #tpu.memory_space<vmem>> -> memref<128xi32, #tpu.memory_space<vmem>>
        %dma_start3A_899 = arith.constant 0 : i32
        %dma_start3A_900 = arith.constant 0 : i32
        %dma_start3A_901 = tpu.memref_slice %arg3[%dma_start3A_899, %dma_start3A_900] : memref<1000000x32xf32, #tpu.memory_space<hbm>> -> memref<1000000x32xf32, #tpu.memory_space<hbm>>
        tpu.enqueue_indirect_dma source(%dma_start3A_901 : memref<1000000x32xf32, #tpu.memory_space<hbm>>) target(%arg6 : memref<128x32xf32, #tpu.memory_space<vmem>>) offsets(%dma_start3A_898 : memref<128xi32, #tpu.memory_space<vmem>>) semaphore(%arg14 : memref<!tpu.dma_semaphore, #tpu.memory_space<semaphore_mem>>)
      } else {
      }
      %add3A_437 = arith.constant 1 : i32
      %add3A_438 = arith.addi %mul3A_312, %add3A_437 : i32
      %dma_wait3A_439 = arith.constant 0 : i32
      %dma_wait3A_440 = arith.constant 0 : i32
      %dma_wait3A_441 = tpu.memref_slice %arg3[%dma_wait3A_439, %dma_wait3A_440] : memref<1000000x32xf32, #tpu.memory_space<hbm>> -> memref<128x32xf32, #tpu.memory_space<hbm>>
      %dma_wait3A_442 = arith.constant 0 : i32
      %dma_wait3A_443 = arith.constant 0 : i32
      %dma_wait3A_444 = tpu.memref_slice %arg3[%dma_wait3A_442, %dma_wait3A_443] : memref<1000000x32xf32, #tpu.memory_space<hbm>> -> memref<128x32xf32, #tpu.memory_space<hbm>>
      tpu.wait_dma2 semaphore(%arg15 : memref<!tpu.dma_semaphore, #tpu.memory_space<semaphore_mem>>) src(%dma_wait3A_444 : memref<128x32xf32, #tpu.memory_space<hbm>>) dst(%arg7 : memref<128x32xf32, #tpu.memory_space<vmem>>)
      %gt3A_445 = arith.constant 0 : i32
      %gt3A_446 = arith.cmpi sgt, %scan3A_310, %gt3A_445 : i32
      %convert_element_type3A_447 = arith.extui %gt3A_446 : i1 to i32
      %cond3A_448 = arith.constant 0 : i32
      %cond3A_449 = arith.cmpi ne, %convert_element_type3A_447, %cond3A_448 : i32
      scf.if %cond3A_449 {
        %dma_wait3A_854 = arith.constant 0 : i32
        %dma_wait3A_855 = arith.constant 0 : i32
        %dma_wait3A_856 = arith.constant 0 : i32
        %dma_wait3A_857 = arith.constant 0 : i32
        %dma_wait3A_858 = arith.constant 0 : i32
        %dma_wait3A_859 = tpu.memref_slice %arg11[%dma_wait3A_857, %dma_wait3A_858] : memref<32x136xf32, #tpu.memory_space<vmem>> -> memref<8x128xf32, #tpu.memory_space<vmem>>
        %dma_wait3A_860 = arith.constant 0 : i32
        %dma_wait3A_861 = arith.constant 0 : i32
        %dma_wait3A_862 = tpu.memref_slice %arg4[%dma_wait3A_854, %dma_wait3A_855, %dma_wait3A_856, %dma_wait3A_860, %dma_wait3A_861] : memref<50x4x128x8x128xf32, #tpu.memory_space<hbm>> -> memref<1x1x1x8x128xf32, #tpu.memory_space<hbm>>
        %dma_wait3A_863 = tpu.memref_squeeze %dma_wait3A_862 : memref<1x1x1x8x128xf32, #tpu.memory_space<hbm>> -> memref<8x128xf32, #tpu.memory_space<hbm>>
        %dma_wait3A_864 = arith.constant 0 : i32
        %dma_wait3A_865 = arith.constant 0 : i32
        %dma_wait3A_866 = tpu.memref_slice %arg4[%dma_wait3A_854, %dma_wait3A_855, %dma_wait3A_856, %dma_wait3A_864, %dma_wait3A_865] : memref<50x4x128x8x128xf32, #tpu.memory_space<hbm>> -> memref<1x1x1x8x128xf32, #tpu.memory_space<hbm>>
        %dma_wait3A_867 = tpu.memref_squeeze %dma_wait3A_866 : memref<1x1x1x8x128xf32, #tpu.memory_space<hbm>> -> memref<8x128xf32, #tpu.memory_space<hbm>>
        %dma_wait3A_868 = arith.constant 0 : i32
        %dma_wait3A_869 = arith.constant 0 : i32
        %dma_wait3A_870 = tpu.memref_slice %arg11[%dma_wait3A_868, %dma_wait3A_869] : memref<32x136xf32, #tpu.memory_space<vmem>> -> memref<8x128xf32, #tpu.memory_space<vmem>>
        tpu.wait_dma2 semaphore(%arg19 : memref<!tpu.dma_semaphore, #tpu.memory_space<semaphore_mem>>) src(%dma_wait3A_870 : memref<8x128xf32, #tpu.memory_space<vmem>>) dst(%dma_wait3A_867 : memref<8x128xf32, #tpu.memory_space<hbm>>)
        %dma_wait3A_871 = arith.constant 0 : i32
        %dma_wait3A_872 = arith.constant 1 : i32
        %dma_wait3A_873 = arith.constant 0 : i32
        %dma_wait3A_874 = arith.constant 8 : i32
        %dma_wait3A_875 = arith.constant 0 : i32
        %dma_wait3A_876 = tpu.memref_slice %arg11[%dma_wait3A_874, %dma_wait3A_875] : memref<32x136xf32, #tpu.memory_space<vmem>> -> memref<8x128xf32, #tpu.memory_space<vmem>>
        %dma_wait3A_877 = arith.constant 0 : i32
        %dma_wait3A_878 = arith.constant 0 : i32
        %dma_wait3A_879 = tpu.memref_slice %arg4[%dma_wait3A_871, %dma_wait3A_872, %dma_wait3A_873, %dma_wait3A_877, %dma_wait3A_878] : memref<50x4x128x8x128xf32, #tpu.memory_space<hbm>> -> memref<1x1x1x8x128xf32, #tpu.memory_space<hbm>>
        %dma_wait3A_880 = tpu.memref_squeeze %dma_wait3A_879 : memref<1x1x1x8x128xf32, #tpu.memory_space<hbm>> -> memref<8x128xf32, #tpu.memory_space<hbm>>
        %dma_wait3A_881 = arith.constant 0 : i32
        %dma_wait3A_882 = arith.constant 0 : i32
        %dma_wait3A_883 = tpu.memref_slice %arg4[%dma_wait3A_871, %dma_wait3A_872, %dma_wait3A_873, %dma_wait3A_881, %dma_wait3A_882] : memref<50x4x128x8x128xf32, #tpu.memory_space<hbm>> -> memref<1x1x1x8x128xf32, #tpu.memory_space<hbm>>
        %dma_wait3A_884 = tpu.memref_squeeze %dma_wait3A_883 : memref<1x1x1x8x128xf32, #tpu.memory_space<hbm>> -> memref<8x128xf32, #tpu.memory_space<hbm>>
        %dma_wait3A_885 = arith.constant 8 : i32
        %dma_wait3A_886 = arith.constant 0 : i32
        %dma_wait3A_887 = tpu.memref_slice %arg11[%dma_wait3A_885, %dma_wait3A_886] : memref<32x136xf32, #tpu.memory_space<vmem>> -> memref<8x128xf32, #tpu.memory_space<vmem>>
        tpu.wait_dma2 semaphore(%arg19 : memref<!tpu.dma_semaphore, #tpu.memory_space<semaphore_mem>>) src(%dma_wait3A_887 : memref<8x128xf32, #tpu.memory_space<vmem>>) dst(%dma_wait3A_884 : memref<8x128xf32, #tpu.memory_space<hbm>>)
        %dma_wait3A_888 = arith.constant 0 : i32
        %dma_wait3A_889 = arith.constant 2 : i32
        %dma_wait3A_890 = arith.constant 0 : i32
        %dma_wait3A_891 = arith.constant 16 : i32
        %dma_wait3A_892 = arith.constant 0 : i32
        %dma_wait3A_893 = tpu.memref_slice %arg11[%dma_wait3A_891, %dma_wait3A_892] : memref<32x136xf32, #tpu.memory_space<vmem>> -> memref<8x128xf32, #tpu.memory_space<vmem>>
        %dma_wait3A_894 = arith.constant 0 : i32
        %dma_wait3A_895 = arith.constant 0 : i32
        %dma_wait3A_896 = tpu.memref_slice %arg4[%dma_wait3A_888, %dma_wait3A_889, %dma_wait3A_890, %dma_wait3A_894, %dma_wait3A_895] : memref<50x4x128x8x128xf32, #tpu.memory_space<hbm>> -> memref<1x1x1x8x128xf32, #tpu.memory_space<hbm>>
        %dma_wait3A_897 = tpu.memref_squeeze %dma_wait3A_896 : memref<1x1x1x8x128xf32, #tpu.memory_space<hbm>> -> memref<8x128xf32, #tpu.memory_space<hbm>>
        %dma_wait3A_898 = arith.constant 0 : i32
        %dma_wait3A_899 = arith.constant 0 : i32
        %dma_wait3A_900 = tpu.memref_slice %arg4[%dma_wait3A_888, %dma_wait3A_889, %dma_wait3A_890, %dma_wait3A_898, %dma_wait3A_899] : memref<50x4x128x8x128xf32, #tpu.memory_space<hbm>> -> memref<1x1x1x8x128xf32, #tpu.memory_space<hbm>>
        %dma_wait3A_901 = tpu.memref_squeeze %dma_wait3A_900 : memref<1x1x1x8x128xf32, #tpu.memory_space<hbm>> -> memref<8x128xf32, #tpu.memory_space<hbm>>
        %dma_wait3A_902 = arith.constant 16 : i32
        %dma_wait3A_903 = arith.constant 0 : i32
        %dma_wait3A_904 = tpu.memref_slice %arg11[%dma_wait3A_902, %dma_wait3A_903] : memref<32x136xf32, #tpu.memory_space<vmem>> -> memref<8x128xf32, #tpu.memory_space<vmem>>
        tpu.wait_dma2 semaphore(%arg19 : memref<!tpu.dma_semaphore, #tpu.memory_space<semaphore_mem>>) src(%dma_wait3A_904 : memref<8x128xf32, #tpu.memory_space<vmem>>) dst(%dma_wait3A_901 : memref<8x128xf32, #tpu.memory_space<hbm>>)
        %dma_wait3A_905 = arith.constant 0 : i32
        %dma_wait3A_906 = arith.constant 3 : i32
        %dma_wait3A_907 = arith.constant 0 : i32
        %dma_wait3A_908 = arith.constant 24 : i32
        %dma_wait3A_909 = arith.constant 0 : i32
        %dma_wait3A_910 = tpu.memref_slice %arg11[%dma_wait3A_908, %dma_wait3A_909] : memref<32x136xf32, #tpu.memory_space<vmem>> -> memref<8x128xf32, #tpu.memory_space<vmem>>
        %dma_wait3A_911 = arith.constant 0 : i32
        %dma_wait3A_912 = arith.constant 0 : i32
        %dma_wait3A_913 = tpu.memref_slice %arg4[%dma_wait3A_905, %dma_wait3A_906, %dma_wait3A_907, %dma_wait3A_911, %dma_wait3A_912] : memref<50x4x128x8x128xf32, #tpu.memory_space<hbm>> -> memref<1x1x1x8x128xf32, #tpu.memory_space<hbm>>
        %dma_wait3A_914 = tpu.memref_squeeze %dma_wait3A_913 : memref<1x1x1x8x128xf32, #tpu.memory_space<hbm>> -> memref<8x128xf32, #tpu.memory_space<hbm>>
        %dma_wait3A_915 = arith.constant 0 : i32
        %dma_wait3A_916 = arith.constant 0 : i32
        %dma_wait3A_917 = tpu.memref_slice %arg4[%dma_wait3A_905, %dma_wait3A_906, %dma_wait3A_907, %dma_wait3A_915, %dma_wait3A_916] : memref<50x4x128x8x128xf32, #tpu.memory_space<hbm>> -> memref<1x1x1x8x128xf32, #tpu.memory_space<hbm>>
        %dma_wait3A_918 = tpu.memref_squeeze %dma_wait3A_917 : memref<1x1x1x8x128xf32, #tpu.memory_space<hbm>> -> memref<8x128xf32, #tpu.memory_space<hbm>>
        %dma_wait3A_919 = arith.constant 24 : i32
        %dma_wait3A_920 = arith.constant 0 : i32
        %dma_wait3A_921 = tpu.memref_slice %arg11[%dma_wait3A_919, %dma_wait3A_920] : memref<32x136xf32, #tpu.memory_space<vmem>> -> memref<8x128xf32, #tpu.memory_space<vmem>>
        tpu.wait_dma2 semaphore(%arg19 : memref<!tpu.dma_semaphore, #tpu.memory_space<semaphore_mem>>) src(%dma_wait3A_921 : memref<8x128xf32, #tpu.memory_space<vmem>>) dst(%dma_wait3A_918 : memref<8x128xf32, #tpu.memory_space<hbm>>)
      } else {
      }
      %iota3A_450 = tpu.iota {dimensions = array<i32: 0>} : vector<16xi32>
      %add3A_451 = arith.constant 16 : i32
      %add3A_452 = vector.broadcast %add3A_451 : i32 to vector<16xi32>
      %add3A_453 = arith.addi %iota3A_450, %add3A_452 : vector<16xi32>
      %parallel_loop3A_454 = arith.constant 0 : i32
      %parallel_loop3A_455 = arith.constant 128 : i32
      %parallel_loop3A_456 = arith.constant 1 : i32
      scf.for %parallel_loop3A_854 = %parallel_loop3A_454 to %parallel_loop3A_455 step %parallel_loop3A_456  : i32 {
        %parallel_loop3A_855 = vector.broadcast %parallel_loop3A_854 : i32 to vector<16xi32>
        %parallel_loop3A_856 = arith.index_cast %parallel_loop3A_854 : i32 to index
        %parallel_loop3A_857 = arith.constant 0 : index
        %parallel_loop3A_858 = tpu.vector_load %arg7[%parallel_loop3A_856, %parallel_loop3A_857] {strides = array<i32>} : memref<128x32xf32, #tpu.memory_space<vmem>>, vector<16xf32>,
        tpu.vector_store_idx %arg11[%iota3A_450, %parallel_loop3A_855], %parallel_loop3A_858 : memref<32x136xf32, #tpu.memory_space<vmem>>[vector<16xi32>, vector<16xi32>], vector<16xf32>,
        %parallel_loop3A_859 = arith.index_cast %parallel_loop3A_854 : i32 to index
        %parallel_loop3A_860 = arith.constant 16 : index
        %parallel_loop3A_861 = tpu.vector_load %arg7[%parallel_loop3A_859, %parallel_loop3A_860] {strides = array<i32>} : memref<128x32xf32, #tpu.memory_space<vmem>>, vector<16xf32>,
        tpu.vector_store_idx %arg11[%add3A_453, %parallel_loop3A_855], %parallel_loop3A_861 : memref<32x136xf32, #tpu.memory_space<vmem>>[vector<16xi32>, vector<16xi32>], vector<16xf32>,
      } {sc.loop_unroll_factor = 8 : i64, sc.parallel_access}
      %jit3A_457 = arith.constant 50 : i32
      %div3A_458 = arith.divsi %add3A_438, %jit3A_457 : i32
      %sign3A_459 = arith.constant 0 : i32
      %sign3A_460 = arith.cmpi sgt, %add3A_438, %sign3A_459 : i32
      %sign3A_461 = arith.extui %sign3A_460 : i1 to i32
      %sign3A_462 = arith.constant 0 : i32
      %sign3A_463 = arith.cmpi slt, %add3A_438, %sign3A_462 : i32
      %sign3A_464 = arith.extui %sign3A_463 : i1 to i32
      %sign3A_465 = arith.subi %sign3A_461, %sign3A_464 : i32
      %sign3A_466 = arith.constant 0 : i32
      %sign3A_467 = arith.cmpi sgt, %jit3A_457, %sign3A_466 : i32
      %sign3A_468 = arith.extui %sign3A_467 : i1 to i32
      %sign3A_469 = arith.constant 0 : i32
      %sign3A_470 = arith.cmpi slt, %jit3A_457, %sign3A_469 : i32
      %sign3A_471 = arith.extui %sign3A_470 : i1 to i32
      %sign3A_472 = arith.subi %sign3A_468, %sign3A_471 : i32
      %ne3A_473 = arith.cmpi ne, %sign3A_465, %sign3A_472 : i32
      %rem3A_474 = arith.remsi %add3A_438, %jit3A_457 : i32
      %ne3A_475 = arith.constant 0 : i32
      %ne3A_476 = arith.cmpi ne, %rem3A_474, %ne3A_475 : i32
      %and3A_477 = arith.andi %ne3A_473, %ne3A_476 : i1
      %sub3A_478 = arith.constant 1 : i32
      %sub3A_479 = arith.subi %div3A_458, %sub3A_478 : i32
      %select_n3A_480 = arith.select %and3A_477, %sub3A_479, %div3A_458 : i32
      %jit3A_481 = arith.constant 50 : i32
      %eq3A_482 = arith.constant 0 : i32
      %eq3A_483 = arith.cmpi eq, %jit3A_481, %eq3A_482 : i32
      %jit3A_484 = arith.constant 1 : i32
      %select_n3A_485 = arith.select %eq3A_483, %jit3A_484, %jit3A_481 : i32
      %rem3A_486 = arith.remsi %add3A_438, %select_n3A_485 : i32
      %ne3A_487 = arith.constant 0 : i32
      %ne3A_488 = arith.cmpi ne, %rem3A_486, %ne3A_487 : i32
      %lt3A_489 = arith.constant 0 : i32
      %lt3A_490 = arith.cmpi slt, %rem3A_486, %lt3A_489 : i32
      %lt3A_491 = arith.constant 0 : i32
      %lt3A_492 = arith.cmpi slt, %select_n3A_485, %lt3A_491 : i32
      %ne3A_493 = arith.xori %lt3A_490, %lt3A_492 : i1
      %and3A_494 = arith.andi %ne3A_493, %ne3A_488 : i1
      %add3A_495 = arith.addi %rem3A_486, %select_n3A_485 : i32
      %select_n3A_496 = arith.select %and3A_494, %add3A_495, %rem3A_486 : i32
      %mul3A_497 = arith.constant 4 : i32
      %mul3A_498 = arith.muli %add3A, %mul3A_497 : i32
      %add3A_499 = arith.addi %mul3A_498, %select_n3A_480 : i32
      %dma_start3A_500 = arith.constant 0 : i32
      %dma_start3A_501 = arith.constant 0 : i32
      %dma_start3A_502 = arith.constant 0 : i32
      %dma_start3A_503 = tpu.memref_slice %arg11[%dma_start3A_501, %dma_start3A_502] : memref<32x136xf32, #tpu.memory_space<vmem>> -> memref<8x128xf32, #tpu.memory_space<vmem>>
      %dma_start3A_504 = arith.constant 0 : i32
      %dma_start3A_505 = arith.constant 0 : i32
      %dma_start3A_506 = tpu.memref_slice %arg4[%select_n3A_496, %dma_start3A_500, %add3A_499, %dma_start3A_504, %dma_start3A_505] : memref<50x4x128x8x128xf32, #tpu.memory_space<hbm>> -> memref<1x1x1x8x128xf32, #tpu.memory_space<hbm>>
      %dma_start3A_507 = tpu.memref_squeeze %dma_start3A_506 : memref<1x1x1x8x128xf32, #tpu.memory_space<hbm>> -> memref<8x128xf32, #tpu.memory_space<hbm>>
      %dma_start3A_508 = arith.constant 0 : i32
      %dma_start3A_509 = arith.constant 0 : i32
      %dma_start3A_510 = tpu.memref_slice %arg4[%select_n3A_496, %dma_start3A_500, %add3A_499, %dma_start3A_508, %dma_start3A_509] : memref<50x4x128x8x128xf32, #tpu.memory_space<hbm>> -> memref<1x1x1x8x128xf32, #tpu.memory_space<hbm>>
      %dma_start3A_511 = tpu.memref_squeeze %dma_start3A_510 : memref<1x1x1x8x128xf32, #tpu.memory_space<hbm>> -> memref<8x128xf32, #tpu.memory_space<hbm>>
      %dma_start3A_512 = arith.constant 0 : i32
      %dma_start3A_513 = arith.constant 0 : i32
      %dma_start3A_514 = tpu.memref_slice %arg11[%dma_start3A_512, %dma_start3A_513] : memref<32x136xf32, #tpu.memory_space<vmem>> -> memref<8x128xf32, #tpu.memory_space<vmem>>
      tpu.enqueue_dma source(%dma_start3A_514 : memref<8x128xf32, #tpu.memory_space<vmem>>) target(%dma_start3A_511 : memref<8x128xf32, #tpu.memory_space<hbm>>) target_semaphore(%arg19 : memref<!tpu.dma_semaphore, #tpu.memory_space<semaphore_mem>>)
      %mul3A_515 = arith.constant 4 : i32
      %mul3A_516 = arith.muli %add3A, %mul3A_515 : i32
      %add3A_517 = arith.addi %mul3A_516, %select_n3A_480 : i32
      %dma_start3A_518 = arith.constant 1 : i32
      %dma_start3A_519 = arith.constant 8 : i32
      %dma_start3A_520 = arith.constant 0 : i32
      %dma_start3A_521 = tpu.memref_slice %arg11[%dma_start3A_519, %dma_start3A_520] : memref<32x136xf32, #tpu.memory_space<vmem>> -> memref<8x128xf32, #tpu.memory_space<vmem>>
      %dma_start3A_522 = arith.constant 0 : i32
      %dma_start3A_523 = arith.constant 0 : i32
      %dma_start3A_524 = tpu.memref_slice %arg4[%select_n3A_496, %dma_start3A_518, %add3A_517, %dma_start3A_522, %dma_start3A_523] : memref<50x4x128x8x128xf32, #tpu.memory_space<hbm>> -> memref<1x1x1x8x128xf32, #tpu.memory_space<hbm>>
      %dma_start3A_525 = tpu.memref_squeeze %dma_start3A_524 : memref<1x1x1x8x128xf32, #tpu.memory_space<hbm>> -> memref<8x128xf32, #tpu.memory_space<hbm>>
      %dma_start3A_526 = arith.constant 0 : i32
      %dma_start3A_527 = arith.constant 0 : i32
      %dma_start3A_528 = tpu.memref_slice %arg4[%select_n3A_496, %dma_start3A_518, %add3A_517, %dma_start3A_526, %dma_start3A_527] : memref<50x4x128x8x128xf32, #tpu.memory_space<hbm>> -> memref<1x1x1x8x128xf32, #tpu.memory_space<hbm>>
      %dma_start3A_529 = tpu.memref_squeeze %dma_start3A_528 : memref<1x1x1x8x128xf32, #tpu.memory_space<hbm>> -> memref<8x128xf32, #tpu.memory_space<hbm>>
      %dma_start3A_530 = arith.constant 8 : i32
      %dma_start3A_531 = arith.constant 0 : i32
      %dma_start3A_532 = tpu.memref_slice %arg11[%dma_start3A_530, %dma_start3A_531] : memref<32x136xf32, #tpu.memory_space<vmem>> -> memref<8x128xf32, #tpu.memory_space<vmem>>
      tpu.enqueue_dma source(%dma_start3A_532 : memref<8x128xf32, #tpu.memory_space<vmem>>) target(%dma_start3A_529 : memref<8x128xf32, #tpu.memory_space<hbm>>) target_semaphore(%arg19 : memref<!tpu.dma_semaphore, #tpu.memory_space<semaphore_mem>>)
      %mul3A_533 = arith.constant 4 : i32
      %mul3A_534 = arith.muli %add3A, %mul3A_533 : i32
      %add3A_535 = arith.addi %mul3A_534, %select_n3A_480 : i32
      %dma_start3A_536 = arith.constant 2 : i32
      %dma_start3A_537 = arith.constant 16 : i32
      %dma_start3A_538 = arith.constant 0 : i32
      %dma_start3A_539 = tpu.memref_slice %arg11[%dma_start3A_537, %dma_start3A_538] : memref<32x136xf32, #tpu.memory_space<vmem>> -> memref<8x128xf32, #tpu.memory_space<vmem>>
      %dma_start3A_540 = arith.constant 0 : i32
      %dma_start3A_541 = arith.constant 0 : i32
      %dma_start3A_542 = tpu.memref_slice %arg4[%select_n3A_496, %dma_start3A_536, %add3A_535, %dma_start3A_540, %dma_start3A_541] : memref<50x4x128x8x128xf32, #tpu.memory_space<hbm>> -> memref<1x1x1x8x128xf32, #tpu.memory_space<hbm>>
      %dma_start3A_543 = tpu.memref_squeeze %dma_start3A_542 : memref<1x1x1x8x128xf32, #tpu.memory_space<hbm>> -> memref<8x128xf32, #tpu.memory_space<hbm>>
      %dma_start3A_544 = arith.constant 0 : i32
      %dma_start3A_545 = arith.constant 0 : i32
      %dma_start3A_546 = tpu.memref_slice %arg4[%select_n3A_496, %dma_start3A_536, %add3A_535, %dma_start3A_544, %dma_start3A_545] : memref<50x4x128x8x128xf32, #tpu.memory_space<hbm>> -> memref<1x1x1x8x128xf32, #tpu.memory_space<hbm>>
      %dma_start3A_547 = tpu.memref_squeeze %dma_start3A_546 : memref<1x1x1x8x128xf32, #tpu.memory_space<hbm>> -> memref<8x128xf32, #tpu.memory_space<hbm>>
      %dma_start3A_548 = arith.constant 16 : i32
      %dma_start3A_549 = arith.constant 0 : i32
      %dma_start3A_550 = tpu.memref_slice %arg11[%dma_start3A_548, %dma_start3A_549] : memref<32x136xf32, #tpu.memory_space<vmem>> -> memref<8x128xf32, #tpu.memory_space<vmem>>
      tpu.enqueue_dma source(%dma_start3A_550 : memref<8x128xf32, #tpu.memory_space<vmem>>) target(%dma_start3A_547 : memref<8x128xf32, #tpu.memory_space<hbm>>) target_semaphore(%arg19 : memref<!tpu.dma_semaphore, #tpu.memory_space<semaphore_mem>>)
      %mul3A_551 = arith.constant 4 : i32
      %mul3A_552 = arith.muli %add3A, %mul3A_551 : i32
      %add3A_553 = arith.addi %mul3A_552, %select_n3A_480 : i32
      %dma_start3A_554 = arith.constant 3 : i32
      %dma_start3A_555 = arith.constant 24 : i32
      %dma_start3A_556 = arith.constant 0 : i32
      %dma_start3A_557 = tpu.memref_slice %arg11[%dma_start3A_555, %dma_start3A_556] : memref<32x136xf32, #tpu.memory_space<vmem>> -> memref<8x128xf32, #tpu.memory_space<vmem>>
      %dma_start3A_558 = arith.constant 0 : i32
      %dma_start3A_559 = arith.constant 0 : i32
      %dma_start3A_560 = tpu.memref_slice %arg4[%select_n3A_496, %dma_start3A_554, %add3A_553, %dma_start3A_558, %dma_start3A_559] : memref<50x4x128x8x128xf32, #tpu.memory_space<hbm>> -> memref<1x1x1x8x128xf32, #tpu.memory_space<hbm>>
      %dma_start3A_561 = tpu.memref_squeeze %dma_start3A_560 : memref<1x1x1x8x128xf32, #tpu.memory_space<hbm>> -> memref<8x128xf32, #tpu.memory_space<hbm>>
      %dma_start3A_562 = arith.constant 0 : i32
      %dma_start3A_563 = arith.constant 0 : i32
      %dma_start3A_564 = tpu.memref_slice %arg4[%select_n3A_496, %dma_start3A_554, %add3A_553, %dma_start3A_562, %dma_start3A_563] : memref<50x4x128x8x128xf32, #tpu.memory_space<hbm>> -> memref<1x1x1x8x128xf32, #tpu.memory_space<hbm>>
      %dma_start3A_565 = tpu.memref_squeeze %dma_start3A_564 : memref<1x1x1x8x128xf32, #tpu.memory_space<hbm>> -> memref<8x128xf32, #tpu.memory_space<hbm>>
      %dma_start3A_566 = arith.constant 24 : i32
      %dma_start3A_567 = arith.constant 0 : i32
      %dma_start3A_568 = tpu.memref_slice %arg11[%dma_start3A_566, %dma_start3A_567] : memref<32x136xf32, #tpu.memory_space<vmem>> -> memref<8x128xf32, #tpu.memory_space<vmem>>
      tpu.enqueue_dma source(%dma_start3A_568 : memref<8x128xf32, #tpu.memory_space<vmem>>) target(%dma_start3A_565 : memref<8x128xf32, #tpu.memory_space<hbm>>) target_semaphore(%arg19 : memref<!tpu.dma_semaphore, #tpu.memory_space<semaphore_mem>>)
      %add3A_569 = arith.constant 4 : i32
      %add3A_570 = arith.addi %add3A_438, %add3A_569 : i32
      %lt3A_571 = arith.constant 200 : i32
      %lt3A_572 = arith.cmpi slt, %add3A_570, %lt3A_571 : i32
      %convert_element_type3A_573 = arith.extui %lt3A_572 : i1 to i32
      %cond3A_574 = arith.constant 0 : i32
      %cond3A_575 = arith.cmpi ne, %convert_element_type3A_573, %cond3A_574 : i32
      scf.if %cond3A_575 {
        %add3A_854 = arith.constant 4 : i32
        %add3A_855 = arith.addi %add3A_438, %add3A_854 : i32
        %jit3A_856 = arith.constant 50 : i32
        %div3A_857 = arith.divsi %add3A_855, %jit3A_856 : i32
        %sign3A_858 = arith.constant 0 : i32
        %sign3A_859 = arith.cmpi sgt, %add3A_855, %sign3A_858 : i32
        %sign3A_860 = arith.extui %sign3A_859 : i1 to i32
        %sign3A_861 = arith.constant 0 : i32
        %sign3A_862 = arith.cmpi slt, %add3A_855, %sign3A_861 : i32
        %sign3A_863 = arith.extui %sign3A_862 : i1 to i32
        %sign3A_864 = arith.subi %sign3A_860, %sign3A_863 : i32
        %sign3A_865 = arith.constant 0 : i32
        %sign3A_866 = arith.cmpi sgt, %jit3A_856, %sign3A_865 : i32
        %sign3A_867 = arith.extui %sign3A_866 : i1 to i32
        %sign3A_868 = arith.constant 0 : i32
        %sign3A_869 = arith.cmpi slt, %jit3A_856, %sign3A_868 : i32
        %sign3A_870 = arith.extui %sign3A_869 : i1 to i32
        %sign3A_871 = arith.subi %sign3A_867, %sign3A_870 : i32
        %ne3A_872 = arith.cmpi ne, %sign3A_864, %sign3A_871 : i32
        %rem3A_873 = arith.remsi %add3A_855, %jit3A_856 : i32
        %ne3A_874 = arith.constant 0 : i32
        %ne3A_875 = arith.cmpi ne, %rem3A_873, %ne3A_874 : i32
        %and3A_876 = arith.andi %ne3A_872, %ne3A_875 : i1
        %sub3A_877 = arith.constant 1 : i32
        %sub3A_878 = arith.subi %div3A_857, %sub3A_877 : i32
        %select_n3A_879 = arith.select %and3A_876, %sub3A_878, %div3A_857 : i32
        %jit3A_880 = arith.constant 50 : i32
        %eq3A_881 = arith.constant 0 : i32
        %eq3A_882 = arith.cmpi eq, %jit3A_880, %eq3A_881 : i32
        %jit3A_883 = arith.constant 1 : i32
        %select_n3A_884 = arith.select %eq3A_882, %jit3A_883, %jit3A_880 : i32
        %rem3A_885 = arith.remsi %add3A_855, %select_n3A_884 : i32
        %ne3A_886 = arith.constant 0 : i32
        %ne3A_887 = arith.cmpi ne, %rem3A_885, %ne3A_886 : i32
        %lt3A_888 = arith.constant 0 : i32
        %lt3A_889 = arith.cmpi slt, %rem3A_885, %lt3A_888 : i32
        %lt3A_890 = arith.constant 0 : i32
        %lt3A_891 = arith.cmpi slt, %select_n3A_884, %lt3A_890 : i32
        %ne3A_892 = arith.xori %lt3A_889, %lt3A_891 : i1
        %and3A_893 = arith.andi %ne3A_892, %ne3A_887 : i1
        %add3A_894 = arith.addi %rem3A_885, %select_n3A_884 : i32
        %select_n3A_895 = arith.select %and3A_893, %add3A_894, %rem3A_885 : i32
        %dma_start3A_896 = arith.constant 0 : i32
        %dma_start3A_897 = tpu.memref_slice %arg5[%select_n3A_895, %select_n3A_879, %dma_start3A_896] : memref<50x4x128xi32, #tpu.memory_space<vmem>> -> memref<1x1x128xi32, #tpu.memory_space<vmem>>
        %dma_start3A_898 = tpu.memref_squeeze %dma_start3A_897 : memref<1x1x128xi32, #tpu.memory_space<vmem>> -> memref<128xi32, #tpu.memory_space<vmem>>
        %dma_start3A_899 = arith.constant 0 : i32
        %dma_start3A_900 = arith.constant 0 : i32
        %dma_start3A_901 = tpu.memref_slice %arg3[%dma_start3A_899, %dma_start3A_900] : memref<1000000x32xf32, #tpu.memory_space<hbm>> -> memref<1000000x32xf32, #tpu.memory_space<hbm>>
        tpu.enqueue_indirect_dma source(%dma_start3A_901 : memref<1000000x32xf32, #tpu.memory_space<hbm>>) target(%arg7 : memref<128x32xf32, #tpu.memory_space<vmem>>) offsets(%dma_start3A_898 : memref<128xi32, #tpu.memory_space<vmem>>) semaphore(%arg15 : memref<!tpu.dma_semaphore, #tpu.memory_space<semaphore_mem>>)
      } else {
      }
      %add3A_576 = arith.constant 2 : i32
      %add3A_577 = arith.addi %mul3A_312, %add3A_576 : i32
      %dma_wait3A_578 = arith.constant 0 : i32
      %dma_wait3A_579 = arith.constant 0 : i32
      %dma_wait3A_580 = tpu.memref_slice %arg3[%dma_wait3A_578, %dma_wait3A_579] : memref<1000000x32xf32, #tpu.memory_space<hbm>> -> memref<128x32xf32, #tpu.memory_space<hbm>>
      %dma_wait3A_581 = arith.constant 0 : i32
      %dma_wait3A_582 = arith.constant 0 : i32
      %dma_wait3A_583 = tpu.memref_slice %arg3[%dma_wait3A_581, %dma_wait3A_582] : memref<1000000x32xf32, #tpu.memory_space<hbm>> -> memref<128x32xf32, #tpu.memory_space<hbm>>
      tpu.wait_dma2 semaphore(%arg16 : memref<!tpu.dma_semaphore, #tpu.memory_space<semaphore_mem>>) src(%dma_wait3A_583 : memref<128x32xf32, #tpu.memory_space<hbm>>) dst(%arg8 : memref<128x32xf32, #tpu.memory_space<vmem>>)
      %gt3A_584 = arith.constant 0 : i32
      %gt3A_585 = arith.cmpi sgt, %scan3A_310, %gt3A_584 : i32
      %convert_element_type3A_586 = arith.extui %gt3A_585 : i1 to i32
      %cond3A_587 = arith.constant 0 : i32
      %cond3A_588 = arith.cmpi ne, %convert_element_type3A_586, %cond3A_587 : i32
      scf.if %cond3A_588 {
        %dma_wait3A_854 = arith.constant 0 : i32
        %dma_wait3A_855 = arith.constant 0 : i32
        %dma_wait3A_856 = arith.constant 0 : i32
        %dma_wait3A_857 = arith.constant 0 : i32
        %dma_wait3A_858 = arith.constant 0 : i32
        %dma_wait3A_859 = tpu.memref_slice %arg12[%dma_wait3A_857, %dma_wait3A_858] : memref<32x136xf32, #tpu.memory_space<vmem>> -> memref<8x128xf32, #tpu.memory_space<vmem>>
        %dma_wait3A_860 = arith.constant 0 : i32
        %dma_wait3A_861 = arith.constant 0 : i32
        %dma_wait3A_862 = tpu.memref_slice %arg4[%dma_wait3A_854, %dma_wait3A_855, %dma_wait3A_856, %dma_wait3A_860, %dma_wait3A_861] : memref<50x4x128x8x128xf32, #tpu.memory_space<hbm>> -> memref<1x1x1x8x128xf32, #tpu.memory_space<hbm>>
        %dma_wait3A_863 = tpu.memref_squeeze %dma_wait3A_862 : memref<1x1x1x8x128xf32, #tpu.memory_space<hbm>> -> memref<8x128xf32, #tpu.memory_space<hbm>>
        %dma_wait3A_864 = arith.constant 0 : i32
        %dma_wait3A_865 = arith.constant 0 : i32
        %dma_wait3A_866 = tpu.memref_slice %arg4[%dma_wait3A_854, %dma_wait3A_855, %dma_wait3A_856, %dma_wait3A_864, %dma_wait3A_865] : memref<50x4x128x8x128xf32, #tpu.memory_space<hbm>> -> memref<1x1x1x8x128xf32, #tpu.memory_space<hbm>>
        %dma_wait3A_867 = tpu.memref_squeeze %dma_wait3A_866 : memref<1x1x1x8x128xf32, #tpu.memory_space<hbm>> -> memref<8x128xf32, #tpu.memory_space<hbm>>
        %dma_wait3A_868 = arith.constant 0 : i32
        %dma_wait3A_869 = arith.constant 0 : i32
        %dma_wait3A_870 = tpu.memref_slice %arg12[%dma_wait3A_868, %dma_wait3A_869] : memref<32x136xf32, #tpu.memory_space<vmem>> -> memref<8x128xf32, #tpu.memory_space<vmem>>
        tpu.wait_dma2 semaphore(%arg20 : memref<!tpu.dma_semaphore, #tpu.memory_space<semaphore_mem>>) src(%dma_wait3A_870 : memref<8x128xf32, #tpu.memory_space<vmem>>) dst(%dma_wait3A_867 : memref<8x128xf32, #tpu.memory_space<hbm>>)
        %dma_wait3A_871 = arith.constant 0 : i32
        %dma_wait3A_872 = arith.constant 1 : i32
        %dma_wait3A_873 = arith.constant 0 : i32
        %dma_wait3A_874 = arith.constant 8 : i32
        %dma_wait3A_875 = arith.constant 0 : i32
        %dma_wait3A_876 = tpu.memref_slice %arg12[%dma_wait3A_874, %dma_wait3A_875] : memref<32x136xf32, #tpu.memory_space<vmem>> -> memref<8x128xf32, #tpu.memory_space<vmem>>
        %dma_wait3A_877 = arith.constant 0 : i32
        %dma_wait3A_878 = arith.constant 0 : i32
        %dma_wait3A_879 = tpu.memref_slice %arg4[%dma_wait3A_871, %dma_wait3A_872, %dma_wait3A_873, %dma_wait3A_877, %dma_wait3A_878] : memref<50x4x128x8x128xf32, #tpu.memory_space<hbm>> -> memref<1x1x1x8x128xf32, #tpu.memory_space<hbm>>
        %dma_wait3A_880 = tpu.memref_squeeze %dma_wait3A_879 : memref<1x1x1x8x128xf32, #tpu.memory_space<hbm>> -> memref<8x128xf32, #tpu.memory_space<hbm>>
        %dma_wait3A_881 = arith.constant 0 : i32
        %dma_wait3A_882 = arith.constant 0 : i32
        %dma_wait3A_883 = tpu.memref_slice %arg4[%dma_wait3A_871, %dma_wait3A_872, %dma_wait3A_873, %dma_wait3A_881, %dma_wait3A_882] : memref<50x4x128x8x128xf32, #tpu.memory_space<hbm>> -> memref<1x1x1x8x128xf32, #tpu.memory_space<hbm>>
        %dma_wait3A_884 = tpu.memref_squeeze %dma_wait3A_883 : memref<1x1x1x8x128xf32, #tpu.memory_space<hbm>> -> memref<8x128xf32, #tpu.memory_space<hbm>>
        %dma_wait3A_885 = arith.constant 8 : i32
        %dma_wait3A_886 = arith.constant 0 : i32
        %dma_wait3A_887 = tpu.memref_slice %arg12[%dma_wait3A_885, %dma_wait3A_886] : memref<32x136xf32, #tpu.memory_space<vmem>> -> memref<8x128xf32, #tpu.memory_space<vmem>>
        tpu.wait_dma2 semaphore(%arg20 : memref<!tpu.dma_semaphore, #tpu.memory_space<semaphore_mem>>) src(%dma_wait3A_887 : memref<8x128xf32, #tpu.memory_space<vmem>>) dst(%dma_wait3A_884 : memref<8x128xf32, #tpu.memory_space<hbm>>)
        %dma_wait3A_888 = arith.constant 0 : i32
        %dma_wait3A_889 = arith.constant 2 : i32
        %dma_wait3A_890 = arith.constant 0 : i32
        %dma_wait3A_891 = arith.constant 16 : i32
        %dma_wait3A_892 = arith.constant 0 : i32
        %dma_wait3A_893 = tpu.memref_slice %arg12[%dma_wait3A_891, %dma_wait3A_892] : memref<32x136xf32, #tpu.memory_space<vmem>> -> memref<8x128xf32, #tpu.memory_space<vmem>>
        %dma_wait3A_894 = arith.constant 0 : i32
        %dma_wait3A_895 = arith.constant 0 : i32
        %dma_wait3A_896 = tpu.memref_slice %arg4[%dma_wait3A_888, %dma_wait3A_889, %dma_wait3A_890, %dma_wait3A_894, %dma_wait3A_895] : memref<50x4x128x8x128xf32, #tpu.memory_space<hbm>> -> memref<1x1x1x8x128xf32, #tpu.memory_space<hbm>>
        %dma_wait3A_897 = tpu.memref_squeeze %dma_wait3A_896 : memref<1x1x1x8x128xf32, #tpu.memory_space<hbm>> -> memref<8x128xf32, #tpu.memory_space<hbm>>
        %dma_wait3A_898 = arith.constant 0 : i32
        %dma_wait3A_899 = arith.constant 0 : i32
        %dma_wait3A_900 = tpu.memref_slice %arg4[%dma_wait3A_888, %dma_wait3A_889, %dma_wait3A_890, %dma_wait3A_898, %dma_wait3A_899] : memref<50x4x128x8x128xf32, #tpu.memory_space<hbm>> -> memref<1x1x1x8x128xf32, #tpu.memory_space<hbm>>
        %dma_wait3A_901 = tpu.memref_squeeze %dma_wait3A_900 : memref<1x1x1x8x128xf32, #tpu.memory_space<hbm>> -> memref<8x128xf32, #tpu.memory_space<hbm>>
        %dma_wait3A_902 = arith.constant 16 : i32
        %dma_wait3A_903 = arith.constant 0 : i32
        %dma_wait3A_904 = tpu.memref_slice %arg12[%dma_wait3A_902, %dma_wait3A_903] : memref<32x136xf32, #tpu.memory_space<vmem>> -> memref<8x128xf32, #tpu.memory_space<vmem>>
        tpu.wait_dma2 semaphore(%arg20 : memref<!tpu.dma_semaphore, #tpu.memory_space<semaphore_mem>>) src(%dma_wait3A_904 : memref<8x128xf32, #tpu.memory_space<vmem>>) dst(%dma_wait3A_901 : memref<8x128xf32, #tpu.memory_space<hbm>>)
        %dma_wait3A_905 = arith.constant 0 : i32
        %dma_wait3A_906 = arith.constant 3 : i32
        %dma_wait3A_907 = arith.constant 0 : i32
        %dma_wait3A_908 = arith.constant 24 : i32
        %dma_wait3A_909 = arith.constant 0 : i32
        %dma_wait3A_910 = tpu.memref_slice %arg12[%dma_wait3A_908, %dma_wait3A_909] : memref<32x136xf32, #tpu.memory_space<vmem>> -> memref<8x128xf32, #tpu.memory_space<vmem>>
        %dma_wait3A_911 = arith.constant 0 : i32
        %dma_wait3A_912 = arith.constant 0 : i32
        %dma_wait3A_913 = tpu.memref_slice %arg4[%dma_wait3A_905, %dma_wait3A_906, %dma_wait3A_907, %dma_wait3A_911, %dma_wait3A_912] : memref<50x4x128x8x128xf32, #tpu.memory_space<hbm>> -> memref<1x1x1x8x128xf32, #tpu.memory_space<hbm>>
        %dma_wait3A_914 = tpu.memref_squeeze %dma_wait3A_913 : memref<1x1x1x8x128xf32, #tpu.memory_space<hbm>> -> memref<8x128xf32, #tpu.memory_space<hbm>>
        %dma_wait3A_915 = arith.constant 0 : i32
        %dma_wait3A_916 = arith.constant 0 : i32
        %dma_wait3A_917 = tpu.memref_slice %arg4[%dma_wait3A_905, %dma_wait3A_906, %dma_wait3A_907, %dma_wait3A_915, %dma_wait3A_916] : memref<50x4x128x8x128xf32, #tpu.memory_space<hbm>> -> memref<1x1x1x8x128xf32, #tpu.memory_space<hbm>>
        %dma_wait3A_918 = tpu.memref_squeeze %dma_wait3A_917 : memref<1x1x1x8x128xf32, #tpu.memory_space<hbm>> -> memref<8x128xf32, #tpu.memory_space<hbm>>
        %dma_wait3A_919 = arith.constant 24 : i32
        %dma_wait3A_920 = arith.constant 0 : i32
        %dma_wait3A_921 = tpu.memref_slice %arg12[%dma_wait3A_919, %dma_wait3A_920] : memref<32x136xf32, #tpu.memory_space<vmem>> -> memref<8x128xf32, #tpu.memory_space<vmem>>
        tpu.wait_dma2 semaphore(%arg20 : memref<!tpu.dma_semaphore, #tpu.memory_space<semaphore_mem>>) src(%dma_wait3A_921 : memref<8x128xf32, #tpu.memory_space<vmem>>) dst(%dma_wait3A_918 : memref<8x128xf32, #tpu.memory_space<hbm>>)
      } else {
      }
      %iota3A_589 = tpu.iota {dimensions = array<i32: 0>} : vector<16xi32>
      %add3A_590 = arith.constant 16 : i32
      %add3A_591 = vector.broadcast %add3A_590 : i32 to vector<16xi32>
      %add3A_592 = arith.addi %iota3A_589, %add3A_591 : vector<16xi32>
      %parallel_loop3A_593 = arith.constant 0 : i32
      %parallel_loop3A_594 = arith.constant 128 : i32
      %parallel_loop3A_595 = arith.constant 1 : i32
      scf.for %parallel_loop3A_854 = %parallel_loop3A_593 to %parallel_loop3A_594 step %parallel_loop3A_595  : i32 {
        %parallel_loop3A_855 = vector.broadcast %parallel_loop3A_854 : i32 to vector<16xi32>
        %parallel_loop3A_856 = arith.index_cast %parallel_loop3A_854 : i32 to index
        %parallel_loop3A_857 = arith.constant 0 : index
        %parallel_loop3A_858 = tpu.vector_load %arg8[%parallel_loop3A_856, %parallel_loop3A_857] {strides = array<i32>} : memref<128x32xf32, #tpu.memory_space<vmem>>, vector<16xf32>,
        tpu.vector_store_idx %arg12[%iota3A_589, %parallel_loop3A_855], %parallel_loop3A_858 : memref<32x136xf32, #tpu.memory_space<vmem>>[vector<16xi32>, vector<16xi32>], vector<16xf32>,
        %parallel_loop3A_859 = arith.index_cast %parallel_loop3A_854 : i32 to index
        %parallel_loop3A_860 = arith.constant 16 : index
        %parallel_loop3A_861 = tpu.vector_load %arg8[%parallel_loop3A_859, %parallel_loop3A_860] {strides = array<i32>} : memref<128x32xf32, #tpu.memory_space<vmem>>, vector<16xf32>,
        tpu.vector_store_idx %arg12[%add3A_592, %parallel_loop3A_855], %parallel_loop3A_861 : memref<32x136xf32, #tpu.memory_space<vmem>>[vector<16xi32>, vector<16xi32>], vector<16xf32>,
      } {sc.loop_unroll_factor = 8 : i64, sc.parallel_access}
      %jit3A_596 = arith.constant 50 : i32
      %div3A_597 = arith.divsi %add3A_577, %jit3A_596 : i32
      %sign3A_598 = arith.constant 0 : i32
      %sign3A_599 = arith.cmpi sgt, %add3A_577, %sign3A_598 : i32
      %sign3A_600 = arith.extui %sign3A_599 : i1 to i32
      %sign3A_601 = arith.constant 0 : i32
      %sign3A_602 = arith.cmpi slt, %add3A_577, %sign3A_601 : i32
      %sign3A_603 = arith.extui %sign3A_602 : i1 to i32
      %sign3A_604 = arith.subi %sign3A_600, %sign3A_603 : i32
      %sign3A_605 = arith.constant 0 : i32
      %sign3A_606 = arith.cmpi sgt, %jit3A_596, %sign3A_605 : i32
      %sign3A_607 = arith.extui %sign3A_606 : i1 to i32
      %sign3A_608 = arith.constant 0 : i32
      %sign3A_609 = arith.cmpi slt, %jit3A_596, %sign3A_608 : i32
      %sign3A_610 = arith.extui %sign3A_609 : i1 to i32
      %sign3A_611 = arith.subi %sign3A_607, %sign3A_610 : i32
      %ne3A_612 = arith.cmpi ne, %sign3A_604, %sign3A_611 : i32
      %rem3A_613 = arith.remsi %add3A_577, %jit3A_596 : i32
      %ne3A_614 = arith.constant 0 : i32
      %ne3A_615 = arith.cmpi ne, %rem3A_613, %ne3A_614 : i32
      %and3A_616 = arith.andi %ne3A_612, %ne3A_615 : i1
      %sub3A_617 = arith.constant 1 : i32
      %sub3A_618 = arith.subi %div3A_597, %sub3A_617 : i32
      %select_n3A_619 = arith.select %and3A_616, %sub3A_618, %div3A_597 : i32
      %jit3A_620 = arith.constant 50 : i32
      %eq3A_621 = arith.constant 0 : i32
      %eq3A_622 = arith.cmpi eq, %jit3A_620, %eq3A_621 : i32
      %jit3A_623 = arith.constant 1 : i32
      %select_n3A_624 = arith.select %eq3A_622, %jit3A_623, %jit3A_620 : i32
      %rem3A_625 = arith.remsi %add3A_577, %select_n3A_624 : i32
      %ne3A_626 = arith.constant 0 : i32
      %ne3A_627 = arith.cmpi ne, %rem3A_625, %ne3A_626 : i32
      %lt3A_628 = arith.constant 0 : i32
      %lt3A_629 = arith.cmpi slt, %rem3A_625, %lt3A_628 : i32
      %lt3A_630 = arith.constant 0 : i32
      %lt3A_631 = arith.cmpi slt, %select_n3A_624, %lt3A_630 : i32
      %ne3A_632 = arith.xori %lt3A_629, %lt3A_631 : i1
      %and3A_633 = arith.andi %ne3A_632, %ne3A_627 : i1
      %add3A_634 = arith.addi %rem3A_625, %select_n3A_624 : i32
      %select_n3A_635 = arith.select %and3A_633, %add3A_634, %rem3A_625 : i32
      %mul3A_636 = arith.constant 4 : i32
      %mul3A_637 = arith.muli %add3A, %mul3A_636 : i32
      %add3A_638 = arith.addi %mul3A_637, %select_n3A_619 : i32
      %dma_start3A_639 = arith.constant 0 : i32
      %dma_start3A_640 = arith.constant 0 : i32
      %dma_start3A_641 = arith.constant 0 : i32
      %dma_start3A_642 = tpu.memref_slice %arg12[%dma_start3A_640, %dma_start3A_641] : memref<32x136xf32, #tpu.memory_space<vmem>> -> memref<8x128xf32, #tpu.memory_space<vmem>>
      %dma_start3A_643 = arith.constant 0 : i32
      %dma_start3A_644 = arith.constant 0 : i32
      %dma_start3A_645 = tpu.memref_slice %arg4[%select_n3A_635, %dma_start3A_639, %add3A_638, %dma_start3A_643, %dma_start3A_644] : memref<50x4x128x8x128xf32, #tpu.memory_space<hbm>> -> memref<1x1x1x8x128xf32, #tpu.memory_space<hbm>>
      %dma_start3A_646 = tpu.memref_squeeze %dma_start3A_645 : memref<1x1x1x8x128xf32, #tpu.memory_space<hbm>> -> memref<8x128xf32, #tpu.memory_space<hbm>>
      %dma_start3A_647 = arith.constant 0 : i32
      %dma_start3A_648 = arith.constant 0 : i32
      %dma_start3A_649 = tpu.memref_slice %arg4[%select_n3A_635, %dma_start3A_639, %add3A_638, %dma_start3A_647, %dma_start3A_648] : memref<50x4x128x8x128xf32, #tpu.memory_space<hbm>> -> memref<1x1x1x8x128xf32, #tpu.memory_space<hbm>>
      %dma_start3A_650 = tpu.memref_squeeze %dma_start3A_649 : memref<1x1x1x8x128xf32, #tpu.memory_space<hbm>> -> memref<8x128xf32, #tpu.memory_space<hbm>>
      %dma_start3A_651 = arith.constant 0 : i32
      %dma_start3A_652 = arith.constant 0 : i32
      %dma_start3A_653 = tpu.memref_slice %arg12[%dma_start3A_651, %dma_start3A_652] : memref<32x136xf32, #tpu.memory_space<vmem>> -> memref<8x128xf32, #tpu.memory_space<vmem>>
      tpu.enqueue_dma source(%dma_start3A_653 : memref<8x128xf32, #tpu.memory_space<vmem>>) target(%dma_start3A_650 : memref<8x128xf32, #tpu.memory_space<hbm>>) target_semaphore(%arg20 : memref<!tpu.dma_semaphore, #tpu.memory_space<semaphore_mem>>)
      %mul3A_654 = arith.constant 4 : i32
      %mul3A_655 = arith.muli %add3A, %mul3A_654 : i32
      %add3A_656 = arith.addi %mul3A_655, %select_n3A_619 : i32
      %dma_start3A_657 = arith.constant 1 : i32
      %dma_start3A_658 = arith.constant 8 : i32
      %dma_start3A_659 = arith.constant 0 : i32
      %dma_start3A_660 = tpu.memref_slice %arg12[%dma_start3A_658, %dma_start3A_659] : memref<32x136xf32, #tpu.memory_space<vmem>> -> memref<8x128xf32, #tpu.memory_space<vmem>>
      %dma_start3A_661 = arith.constant 0 : i32
      %dma_start3A_662 = arith.constant 0 : i32
      %dma_start3A_663 = tpu.memref_slice %arg4[%select_n3A_635, %dma_start3A_657, %add3A_656, %dma_start3A_661, %dma_start3A_662] : memref<50x4x128x8x128xf32, #tpu.memory_space<hbm>> -> memref<1x1x1x8x128xf32, #tpu.memory_space<hbm>>
      %dma_start3A_664 = tpu.memref_squeeze %dma_start3A_663 : memref<1x1x1x8x128xf32, #tpu.memory_space<hbm>> -> memref<8x128xf32, #tpu.memory_space<hbm>>
      %dma_start3A_665 = arith.constant 0 : i32
      %dma_start3A_666 = arith.constant 0 : i32
      %dma_start3A_667 = tpu.memref_slice %arg4[%select_n3A_635, %dma_start3A_657, %add3A_656, %dma_start3A_665, %dma_start3A_666] : memref<50x4x128x8x128xf32, #tpu.memory_space<hbm>> -> memref<1x1x1x8x128xf32, #tpu.memory_space<hbm>>
      %dma_start3A_668 = tpu.memref_squeeze %dma_start3A_667 : memref<1x1x1x8x128xf32, #tpu.memory_space<hbm>> -> memref<8x128xf32, #tpu.memory_space<hbm>>
      %dma_start3A_669 = arith.constant 8 : i32
      %dma_start3A_670 = arith.constant 0 : i32
      %dma_start3A_671 = tpu.memref_slice %arg12[%dma_start3A_669, %dma_start3A_670] : memref<32x136xf32, #tpu.memory_space<vmem>> -> memref<8x128xf32, #tpu.memory_space<vmem>>
      tpu.enqueue_dma source(%dma_start3A_671 : memref<8x128xf32, #tpu.memory_space<vmem>>) target(%dma_start3A_668 : memref<8x128xf32, #tpu.memory_space<hbm>>) target_semaphore(%arg20 : memref<!tpu.dma_semaphore, #tpu.memory_space<semaphore_mem>>)
      %mul3A_672 = arith.constant 4 : i32
      %mul3A_673 = arith.muli %add3A, %mul3A_672 : i32
      %add3A_674 = arith.addi %mul3A_673, %select_n3A_619 : i32
      %dma_start3A_675 = arith.constant 2 : i32
      %dma_start3A_676 = arith.constant 16 : i32
      %dma_start3A_677 = arith.constant 0 : i32
      %dma_start3A_678 = tpu.memref_slice %arg12[%dma_start3A_676, %dma_start3A_677] : memref<32x136xf32, #tpu.memory_space<vmem>> -> memref<8x128xf32, #tpu.memory_space<vmem>>
      %dma_start3A_679 = arith.constant 0 : i32
      %dma_start3A_680 = arith.constant 0 : i32
      %dma_start3A_681 = tpu.memref_slice %arg4[%select_n3A_635, %dma_start3A_675, %add3A_674, %dma_start3A_679, %dma_start3A_680] : memref<50x4x128x8x128xf32, #tpu.memory_space<hbm>> -> memref<1x1x1x8x128xf32, #tpu.memory_space<hbm>>
      %dma_start3A_682 = tpu.memref_squeeze %dma_start3A_681 : memref<1x1x1x8x128xf32, #tpu.memory_space<hbm>> -> memref<8x128xf32, #tpu.memory_space<hbm>>
      %dma_start3A_683 = arith.constant 0 : i32
      %dma_start3A_684 = arith.constant 0 : i32
      %dma_start3A_685 = tpu.memref_slice %arg4[%select_n3A_635, %dma_start3A_675, %add3A_674, %dma_start3A_683, %dma_start3A_684] : memref<50x4x128x8x128xf32, #tpu.memory_space<hbm>> -> memref<1x1x1x8x128xf32, #tpu.memory_space<hbm>>
      %dma_start3A_686 = tpu.memref_squeeze %dma_start3A_685 : memref<1x1x1x8x128xf32, #tpu.memory_space<hbm>> -> memref<8x128xf32, #tpu.memory_space<hbm>>
      %dma_start3A_687 = arith.constant 16 : i32
      %dma_start3A_688 = arith.constant 0 : i32
      %dma_start3A_689 = tpu.memref_slice %arg12[%dma_start3A_687, %dma_start3A_688] : memref<32x136xf32, #tpu.memory_space<vmem>> -> memref<8x128xf32, #tpu.memory_space<vmem>>
      tpu.enqueue_dma source(%dma_start3A_689 : memref<8x128xf32, #tpu.memory_space<vmem>>) target(%dma_start3A_686 : memref<8x128xf32, #tpu.memory_space<hbm>>) target_semaphore(%arg20 : memref<!tpu.dma_semaphore, #tpu.memory_space<semaphore_mem>>)
      %mul3A_690 = arith.constant 4 : i32
      %mul3A_691 = arith.muli %add3A, %mul3A_690 : i32
      %add3A_692 = arith.addi %mul3A_691, %select_n3A_619 : i32
      %dma_start3A_693 = arith.constant 3 : i32
      %dma_start3A_694 = arith.constant 24 : i32
      %dma_start3A_695 = arith.constant 0 : i32
      %dma_start3A_696 = tpu.memref_slice %arg12[%dma_start3A_694, %dma_start3A_695] : memref<32x136xf32, #tpu.memory_space<vmem>> -> memref<8x128xf32, #tpu.memory_space<vmem>>
      %dma_start3A_697 = arith.constant 0 : i32
      %dma_start3A_698 = arith.constant 0 : i32
      %dma_start3A_699 = tpu.memref_slice %arg4[%select_n3A_635, %dma_start3A_693, %add3A_692, %dma_start3A_697, %dma_start3A_698] : memref<50x4x128x8x128xf32, #tpu.memory_space<hbm>> -> memref<1x1x1x8x128xf32, #tpu.memory_space<hbm>>
      %dma_start3A_700 = tpu.memref_squeeze %dma_start3A_699 : memref<1x1x1x8x128xf32, #tpu.memory_space<hbm>> -> memref<8x128xf32, #tpu.memory_space<hbm>>
      %dma_start3A_701 = arith.constant 0 : i32
      %dma_start3A_702 = arith.constant 0 : i32
      %dma_start3A_703 = tpu.memref_slice %arg4[%select_n3A_635, %dma_start3A_693, %add3A_692, %dma_start3A_701, %dma_start3A_702] : memref<50x4x128x8x128xf32, #tpu.memory_space<hbm>> -> memref<1x1x1x8x128xf32, #tpu.memory_space<hbm>>
      %dma_start3A_704 = tpu.memref_squeeze %dma_start3A_703 : memref<1x1x1x8x128xf32, #tpu.memory_space<hbm>> -> memref<8x128xf32, #tpu.memory_space<hbm>>
      %dma_start3A_705 = arith.constant 24 : i32
      %dma_start3A_706 = arith.constant 0 : i32
      %dma_start3A_707 = tpu.memref_slice %arg12[%dma_start3A_705, %dma_start3A_706] : memref<32x136xf32, #tpu.memory_space<vmem>> -> memref<8x128xf32, #tpu.memory_space<vmem>>
      tpu.enqueue_dma source(%dma_start3A_707 : memref<8x128xf32, #tpu.memory_space<vmem>>) target(%dma_start3A_704 : memref<8x128xf32, #tpu.memory_space<hbm>>) target_semaphore(%arg20 : memref<!tpu.dma_semaphore, #tpu.memory_space<semaphore_mem>>)
      %add3A_708 = arith.constant 4 : i32
      %add3A_709 = arith.addi %add3A_577, %add3A_708 : i32
      %lt3A_710 = arith.constant 200 : i32
      %lt3A_711 = arith.cmpi slt, %add3A_709, %lt3A_710 : i32
      %convert_element_type3A_712 = arith.extui %lt3A_711 : i1 to i32
      %cond3A_713 = arith.constant 0 : i32
      %cond3A_714 = arith.cmpi ne, %convert_element_type3A_712, %cond3A_713 : i32
      scf.if %cond3A_714 {
        %add3A_854 = arith.constant 4 : i32
        %add3A_855 = arith.addi %add3A_577, %add3A_854 : i32
        %jit3A_856 = arith.constant 50 : i32
        %div3A_857 = arith.divsi %add3A_855, %jit3A_856 : i32
        %sign3A_858 = arith.constant 0 : i32
        %sign3A_859 = arith.cmpi sgt, %add3A_855, %sign3A_858 : i32
        %sign3A_860 = arith.extui %sign3A_859 : i1 to i32
        %sign3A_861 = arith.constant 0 : i32
        %sign3A_862 = arith.cmpi slt, %add3A_855, %sign3A_861 : i32
        %sign3A_863 = arith.extui %sign3A_862 : i1 to i32
        %sign3A_864 = arith.subi %sign3A_860, %sign3A_863 : i32
        %sign3A_865 = arith.constant 0 : i32
        %sign3A_866 = arith.cmpi sgt, %jit3A_856, %sign3A_865 : i32
        %sign3A_867 = arith.extui %sign3A_866 : i1 to i32
        %sign3A_868 = arith.constant 0 : i32
        %sign3A_869 = arith.cmpi slt, %jit3A_856, %sign3A_868 : i32
        %sign3A_870 = arith.extui %sign3A_869 : i1 to i32
        %sign3A_871 = arith.subi %sign3A_867, %sign3A_870 : i32
        %ne3A_872 = arith.cmpi ne, %sign3A_864, %sign3A_871 : i32
        %rem3A_873 = arith.remsi %add3A_855, %jit3A_856 : i32
        %ne3A_874 = arith.constant 0 : i32
        %ne3A_875 = arith.cmpi ne, %rem3A_873, %ne3A_874 : i32
        %and3A_876 = arith.andi %ne3A_872, %ne3A_875 : i1
        %sub3A_877 = arith.constant 1 : i32
        %sub3A_878 = arith.subi %div3A_857, %sub3A_877 : i32
        %select_n3A_879 = arith.select %and3A_876, %sub3A_878, %div3A_857 : i32
        %jit3A_880 = arith.constant 50 : i32
        %eq3A_881 = arith.constant 0 : i32
        %eq3A_882 = arith.cmpi eq, %jit3A_880, %eq3A_881 : i32
        %jit3A_883 = arith.constant 1 : i32
        %select_n3A_884 = arith.select %eq3A_882, %jit3A_883, %jit3A_880 : i32
        %rem3A_885 = arith.remsi %add3A_855, %select_n3A_884 : i32
        %ne3A_886 = arith.constant 0 : i32
        %ne3A_887 = arith.cmpi ne, %rem3A_885, %ne3A_886 : i32
        %lt3A_888 = arith.constant 0 : i32
        %lt3A_889 = arith.cmpi slt, %rem3A_885, %lt3A_888 : i32
        %lt3A_890 = arith.constant 0 : i32
        %lt3A_891 = arith.cmpi slt, %select_n3A_884, %lt3A_890 : i32
        %ne3A_892 = arith.xori %lt3A_889, %lt3A_891 : i1
        %and3A_893 = arith.andi %ne3A_892, %ne3A_887 : i1
        %add3A_894 = arith.addi %rem3A_885, %select_n3A_884 : i32
        %select_n3A_895 = arith.select %and3A_893, %add3A_894, %rem3A_885 : i32
        %dma_start3A_896 = arith.constant 0 : i32
        %dma_start3A_897 = tpu.memref_slice %arg5[%select_n3A_895, %select_n3A_879, %dma_start3A_896] : memref<50x4x128xi32, #tpu.memory_space<vmem>> -> memref<1x1x128xi32, #tpu.memory_space<vmem>>
        %dma_start3A_898 = tpu.memref_squeeze %dma_start3A_897 : memref<1x1x128xi32, #tpu.memory_space<vmem>> -> memref<128xi32, #tpu.memory_space<vmem>>
        %dma_start3A_899 = arith.constant 0 : i32
        %dma_start3A_900 = arith.constant 0 : i32
        %dma_start3A_901 = tpu.memref_slice %arg3[%dma_start3A_899, %dma_start3A_900] : memref<1000000x32xf32, #tpu.memory_space<hbm>> -> memref<1000000x32xf32, #tpu.memory_space<hbm>>
        tpu.enqueue_indirect_dma source(%dma_start3A_901 : memref<1000000x32xf32, #tpu.memory_space<hbm>>) target(%arg8 : memref<128x32xf32, #tpu.memory_space<vmem>>) offsets(%dma_start3A_898 : memref<128xi32, #tpu.memory_space<vmem>>) semaphore(%arg16 : memref<!tpu.dma_semaphore, #tpu.memory_space<semaphore_mem>>)
      } else {
      }
      %add3A_715 = arith.constant 3 : i32
      %add3A_716 = arith.addi %mul3A_312, %add3A_715 : i32
      %dma_wait3A_717 = arith.constant 0 : i32
      %dma_wait3A_718 = arith.constant 0 : i32
      %dma_wait3A_719 = tpu.memref_slice %arg3[%dma_wait3A_717, %dma_wait3A_718] : memref<1000000x32xf32, #tpu.memory_space<hbm>> -> memref<128x32xf32, #tpu.memory_space<hbm>>
      %dma_wait3A_720 = arith.constant 0 : i32
      %dma_wait3A_721 = arith.constant 0 : i32
      %dma_wait3A_722 = tpu.memref_slice %arg3[%dma_wait3A_720, %dma_wait3A_721] : memref<1000000x32xf32, #tpu.memory_space<hbm>> -> memref<128x32xf32, #tpu.memory_space<hbm>>
      tpu.wait_dma2 semaphore(%arg17 : memref<!tpu.dma_semaphore, #tpu.memory_space<semaphore_mem>>) src(%dma_wait3A_722 : memref<128x32xf32, #tpu.memory_space<hbm>>) dst(%arg9 : memref<128x32xf32, #tpu.memory_space<vmem>>)
      %gt3A_723 = arith.constant 0 : i32
      %gt3A_724 = arith.cmpi sgt, %scan3A_310, %gt3A_723 : i32
      %convert_element_type3A_725 = arith.extui %gt3A_724 : i1 to i32
      %cond3A_726 = arith.constant 0 : i32
      %cond3A_727 = arith.cmpi ne, %convert_element_type3A_725, %cond3A_726 : i32
      scf.if %cond3A_727 {
        %dma_wait3A_854 = arith.constant 0 : i32
        %dma_wait3A_855 = arith.constant 0 : i32
        %dma_wait3A_856 = arith.constant 0 : i32
        %dma_wait3A_857 = arith.constant 0 : i32
        %dma_wait3A_858 = arith.constant 0 : i32
        %dma_wait3A_859 = tpu.memref_slice %arg13[%dma_wait3A_857, %dma_wait3A_858] : memref<32x136xf32, #tpu.memory_space<vmem>> -> memref<8x128xf32, #tpu.memory_space<vmem>>
        %dma_wait3A_860 = arith.constant 0 : i32
        %dma_wait3A_861 = arith.constant 0 : i32
        %dma_wait3A_862 = tpu.memref_slice %arg4[%dma_wait3A_854, %dma_wait3A_855, %dma_wait3A_856, %dma_wait3A_860, %dma_wait3A_861] : memref<50x4x128x8x128xf32, #tpu.memory_space<hbm>> -> memref<1x1x1x8x128xf32, #tpu.memory_space<hbm>>
        %dma_wait3A_863 = tpu.memref_squeeze %dma_wait3A_862 : memref<1x1x1x8x128xf32, #tpu.memory_space<hbm>> -> memref<8x128xf32, #tpu.memory_space<hbm>>
        %dma_wait3A_864 = arith.constant 0 : i32
        %dma_wait3A_865 = arith.constant 0 : i32
        %dma_wait3A_866 = tpu.memref_slice %arg4[%dma_wait3A_854, %dma_wait3A_855, %dma_wait3A_856, %dma_wait3A_864, %dma_wait3A_865] : memref<50x4x128x8x128xf32, #tpu.memory_space<hbm>> -> memref<1x1x1x8x128xf32, #tpu.memory_space<hbm>>
        %dma_wait3A_867 = tpu.memref_squeeze %dma_wait3A_866 : memref<1x1x1x8x128xf32, #tpu.memory_space<hbm>> -> memref<8x128xf32, #tpu.memory_space<hbm>>
        %dma_wait3A_868 = arith.constant 0 : i32
        %dma_wait3A_869 = arith.constant 0 : i32
        %dma_wait3A_870 = tpu.memref_slice %arg13[%dma_wait3A_868, %dma_wait3A_869] : memref<32x136xf32, #tpu.memory_space<vmem>> -> memref<8x128xf32, #tpu.memory_space<vmem>>
        tpu.wait_dma2 semaphore(%arg21 : memref<!tpu.dma_semaphore, #tpu.memory_space<semaphore_mem>>) src(%dma_wait3A_870 : memref<8x128xf32, #tpu.memory_space<vmem>>) dst(%dma_wait3A_867 : memref<8x128xf32, #tpu.memory_space<hbm>>)
        %dma_wait3A_871 = arith.constant 0 : i32
        %dma_wait3A_872 = arith.constant 1 : i32
        %dma_wait3A_873 = arith.constant 0 : i32
        %dma_wait3A_874 = arith.constant 8 : i32
        %dma_wait3A_875 = arith.constant 0 : i32
        %dma_wait3A_876 = tpu.memref_slice %arg13[%dma_wait3A_874, %dma_wait3A_875] : memref<32x136xf32, #tpu.memory_space<vmem>> -> memref<8x128xf32, #tpu.memory_space<vmem>>
        %dma_wait3A_877 = arith.constant 0 : i32
        %dma_wait3A_878 = arith.constant 0 : i32
        %dma_wait3A_879 = tpu.memref_slice %arg4[%dma_wait3A_871, %dma_wait3A_872, %dma_wait3A_873, %dma_wait3A_877, %dma_wait3A_878] : memref<50x4x128x8x128xf32, #tpu.memory_space<hbm>> -> memref<1x1x1x8x128xf32, #tpu.memory_space<hbm>>
        %dma_wait3A_880 = tpu.memref_squeeze %dma_wait3A_879 : memref<1x1x1x8x128xf32, #tpu.memory_space<hbm>> -> memref<8x128xf32, #tpu.memory_space<hbm>>
        %dma_wait3A_881 = arith.constant 0 : i32
        %dma_wait3A_882 = arith.constant 0 : i32
        %dma_wait3A_883 = tpu.memref_slice %arg4[%dma_wait3A_871, %dma_wait3A_872, %dma_wait3A_873, %dma_wait3A_881, %dma_wait3A_882] : memref<50x4x128x8x128xf32, #tpu.memory_space<hbm>> -> memref<1x1x1x8x128xf32, #tpu.memory_space<hbm>>
        %dma_wait3A_884 = tpu.memref_squeeze %dma_wait3A_883 : memref<1x1x1x8x128xf32, #tpu.memory_space<hbm>> -> memref<8x128xf32, #tpu.memory_space<hbm>>
        %dma_wait3A_885 = arith.constant 8 : i32
        %dma_wait3A_886 = arith.constant 0 : i32
        %dma_wait3A_887 = tpu.memref_slice %arg13[%dma_wait3A_885, %dma_wait3A_886] : memref<32x136xf32, #tpu.memory_space<vmem>> -> memref<8x128xf32, #tpu.memory_space<vmem>>
        tpu.wait_dma2 semaphore(%arg21 : memref<!tpu.dma_semaphore, #tpu.memory_space<semaphore_mem>>) src(%dma_wait3A_887 : memref<8x128xf32, #tpu.memory_space<vmem>>) dst(%dma_wait3A_884 : memref<8x128xf32, #tpu.memory_space<hbm>>)
        %dma_wait3A_888 = arith.constant 0 : i32
        %dma_wait3A_889 = arith.constant 2 : i32
        %dma_wait3A_890 = arith.constant 0 : i32
        %dma_wait3A_891 = arith.constant 16 : i32
        %dma_wait3A_892 = arith.constant 0 : i32
        %dma_wait3A_893 = tpu.memref_slice %arg13[%dma_wait3A_891, %dma_wait3A_892] : memref<32x136xf32, #tpu.memory_space<vmem>> -> memref<8x128xf32, #tpu.memory_space<vmem>>
        %dma_wait3A_894 = arith.constant 0 : i32
        %dma_wait3A_895 = arith.constant 0 : i32
        %dma_wait3A_896 = tpu.memref_slice %arg4[%dma_wait3A_888, %dma_wait3A_889, %dma_wait3A_890, %dma_wait3A_894, %dma_wait3A_895] : memref<50x4x128x8x128xf32, #tpu.memory_space<hbm>> -> memref<1x1x1x8x128xf32, #tpu.memory_space<hbm>>
        %dma_wait3A_897 = tpu.memref_squeeze %dma_wait3A_896 : memref<1x1x1x8x128xf32, #tpu.memory_space<hbm>> -> memref<8x128xf32, #tpu.memory_space<hbm>>
        %dma_wait3A_898 = arith.constant 0 : i32
        %dma_wait3A_899 = arith.constant 0 : i32
        %dma_wait3A_900 = tpu.memref_slice %arg4[%dma_wait3A_888, %dma_wait3A_889, %dma_wait3A_890, %dma_wait3A_898, %dma_wait3A_899] : memref<50x4x128x8x128xf32, #tpu.memory_space<hbm>> -> memref<1x1x1x8x128xf32, #tpu.memory_space<hbm>>
        %dma_wait3A_901 = tpu.memref_squeeze %dma_wait3A_900 : memref<1x1x1x8x128xf32, #tpu.memory_space<hbm>> -> memref<8x128xf32, #tpu.memory_space<hbm>>
        %dma_wait3A_902 = arith.constant 16 : i32
        %dma_wait3A_903 = arith.constant 0 : i32
        %dma_wait3A_904 = tpu.memref_slice %arg13[%dma_wait3A_902, %dma_wait3A_903] : memref<32x136xf32, #tpu.memory_space<vmem>> -> memref<8x128xf32, #tpu.memory_space<vmem>>
        tpu.wait_dma2 semaphore(%arg21 : memref<!tpu.dma_semaphore, #tpu.memory_space<semaphore_mem>>) src(%dma_wait3A_904 : memref<8x128xf32, #tpu.memory_space<vmem>>) dst(%dma_wait3A_901 : memref<8x128xf32, #tpu.memory_space<hbm>>)
        %dma_wait3A_905 = arith.constant 0 : i32
        %dma_wait3A_906 = arith.constant 3 : i32
        %dma_wait3A_907 = arith.constant 0 : i32
        %dma_wait3A_908 = arith.constant 24 : i32
        %dma_wait3A_909 = arith.constant 0 : i32
        %dma_wait3A_910 = tpu.memref_slice %arg13[%dma_wait3A_908, %dma_wait3A_909] : memref<32x136xf32, #tpu.memory_space<vmem>> -> memref<8x128xf32, #tpu.memory_space<vmem>>
        %dma_wait3A_911 = arith.constant 0 : i32
        %dma_wait3A_912 = arith.constant 0 : i32
        %dma_wait3A_913 = tpu.memref_slice %arg4[%dma_wait3A_905, %dma_wait3A_906, %dma_wait3A_907, %dma_wait3A_911, %dma_wait3A_912] : memref<50x4x128x8x128xf32, #tpu.memory_space<hbm>> -> memref<1x1x1x8x128xf32, #tpu.memory_space<hbm>>
        %dma_wait3A_914 = tpu.memref_squeeze %dma_wait3A_913 : memref<1x1x1x8x128xf32, #tpu.memory_space<hbm>> -> memref<8x128xf32, #tpu.memory_space<hbm>>
        %dma_wait3A_915 = arith.constant 0 : i32
        %dma_wait3A_916 = arith.constant 0 : i32
        %dma_wait3A_917 = tpu.memref_slice %arg4[%dma_wait3A_905, %dma_wait3A_906, %dma_wait3A_907, %dma_wait3A_915, %dma_wait3A_916] : memref<50x4x128x8x128xf32, #tpu.memory_space<hbm>> -> memref<1x1x1x8x128xf32, #tpu.memory_space<hbm>>
        %dma_wait3A_918 = tpu.memref_squeeze %dma_wait3A_917 : memref<1x1x1x8x128xf32, #tpu.memory_space<hbm>> -> memref<8x128xf32, #tpu.memory_space<hbm>>
        %dma_wait3A_919 = arith.constant 24 : i32
        %dma_wait3A_920 = arith.constant 0 : i32
        %dma_wait3A_921 = tpu.memref_slice %arg13[%dma_wait3A_919, %dma_wait3A_920] : memref<32x136xf32, #tpu.memory_space<vmem>> -> memref<8x128xf32, #tpu.memory_space<vmem>>
        tpu.wait_dma2 semaphore(%arg21 : memref<!tpu.dma_semaphore, #tpu.memory_space<semaphore_mem>>) src(%dma_wait3A_921 : memref<8x128xf32, #tpu.memory_space<vmem>>) dst(%dma_wait3A_918 : memref<8x128xf32, #tpu.memory_space<hbm>>)
      } else {
      }
      %iota3A_728 = tpu.iota {dimensions = array<i32: 0>} : vector<16xi32>
      %add3A_729 = arith.constant 16 : i32
      %add3A_730 = vector.broadcast %add3A_729 : i32 to vector<16xi32>
      %add3A_731 = arith.addi %iota3A_728, %add3A_730 : vector<16xi32>
      %parallel_loop3A_732 = arith.constant 0 : i32
      %parallel_loop3A_733 = arith.constant 128 : i32
      %parallel_loop3A_734 = arith.constant 1 : i32
      scf.for %parallel_loop3A_854 = %parallel_loop3A_732 to %parallel_loop3A_733 step %parallel_loop3A_734  : i32 {
        %parallel_loop3A_855 = vector.broadcast %parallel_loop3A_854 : i32 to vector<16xi32>
        %parallel_loop3A_856 = arith.index_cast %parallel_loop3A_854 : i32 to index
        %parallel_loop3A_857 = arith.constant 0 : index
        %parallel_loop3A_858 = tpu.vector_load %arg9[%parallel_loop3A_856, %parallel_loop3A_857] {strides = array<i32>} : memref<128x32xf32, #tpu.memory_space<vmem>>, vector<16xf32>,
        tpu.vector_store_idx %arg13[%iota3A_728, %parallel_loop3A_855], %parallel_loop3A_858 : memref<32x136xf32, #tpu.memory_space<vmem>>[vector<16xi32>, vector<16xi32>], vector<16xf32>,
        %parallel_loop3A_859 = arith.index_cast %parallel_loop3A_854 : i32 to index
        %parallel_loop3A_860 = arith.constant 16 : index
        %parallel_loop3A_861 = tpu.vector_load %arg9[%parallel_loop3A_859, %parallel_loop3A_860] {strides = array<i32>} : memref<128x32xf32, #tpu.memory_space<vmem>>, vector<16xf32>,
        tpu.vector_store_idx %arg13[%add3A_731, %parallel_loop3A_855], %parallel_loop3A_861 : memref<32x136xf32, #tpu.memory_space<vmem>>[vector<16xi32>, vector<16xi32>], vector<16xf32>,
      } {sc.loop_unroll_factor = 8 : i64, sc.parallel_access}
      %jit3A_735 = arith.constant 50 : i32
      %div3A_736 = arith.divsi %add3A_716, %jit3A_735 : i32
      %sign3A_737 = arith.constant 0 : i32
      %sign3A_738 = arith.cmpi sgt, %add3A_716, %sign3A_737 : i32
      %sign3A_739 = arith.extui %sign3A_738 : i1 to i32
      %sign3A_740 = arith.constant 0 : i32
      %sign3A_741 = arith.cmpi slt, %add3A_716, %sign3A_740 : i32
      %sign3A_742 = arith.extui %sign3A_741 : i1 to i32
      %sign3A_743 = arith.subi %sign3A_739, %sign3A_742 : i32
      %sign3A_744 = arith.constant 0 : i32
      %sign3A_745 = arith.cmpi sgt, %jit3A_735, %sign3A_744 : i32
      %sign3A_746 = arith.extui %sign3A_745 : i1 to i32
      %sign3A_747 = arith.constant 0 : i32
      %sign3A_748 = arith.cmpi slt, %jit3A_735, %sign3A_747 : i32
      %sign3A_749 = arith.extui %sign3A_748 : i1 to i32
      %sign3A_750 = arith.subi %sign3A_746, %sign3A_749 : i32
      %ne3A_751 = arith.cmpi ne, %sign3A_743, %sign3A_750 : i32
      %rem3A_752 = arith.remsi %add3A_716, %jit3A_735 : i32
      %ne3A_753 = arith.constant 0 : i32
      %ne3A_754 = arith.cmpi ne, %rem3A_752, %ne3A_753 : i32
      %and3A_755 = arith.andi %ne3A_751, %ne3A_754 : i1
      %sub3A_756 = arith.constant 1 : i32
      %sub3A_757 = arith.subi %div3A_736, %sub3A_756 : i32
      %select_n3A_758 = arith.select %and3A_755, %sub3A_757, %div3A_736 : i32
      %jit3A_759 = arith.constant 50 : i32
      %eq3A_760 = arith.constant 0 : i32
      %eq3A_761 = arith.cmpi eq, %jit3A_759, %eq3A_760 : i32
      %jit3A_762 = arith.constant 1 : i32
      %select_n3A_763 = arith.select %eq3A_761, %jit3A_762, %jit3A_759 : i32
      %rem3A_764 = arith.remsi %add3A_716, %select_n3A_763 : i32
      %ne3A_765 = arith.constant 0 : i32
      %ne3A_766 = arith.cmpi ne, %rem3A_764, %ne3A_765 : i32
      %lt3A_767 = arith.constant 0 : i32
      %lt3A_768 = arith.cmpi slt, %rem3A_764, %lt3A_767 : i32
      %lt3A_769 = arith.constant 0 : i32
      %lt3A_770 = arith.cmpi slt, %select_n3A_763, %lt3A_769 : i32
      %ne3A_771 = arith.xori %lt3A_768, %lt3A_770 : i1
      %and3A_772 = arith.andi %ne3A_771, %ne3A_766 : i1
      %add3A_773 = arith.addi %rem3A_764, %select_n3A_763 : i32
      %select_n3A_774 = arith.select %and3A_772, %add3A_773, %rem3A_764 : i32
      %mul3A_775 = arith.constant 4 : i32
      %mul3A_776 = arith.muli %add3A, %mul3A_775 : i32
      %add3A_777 = arith.addi %mul3A_776, %select_n3A_758 : i32
      %dma_start3A_778 = arith.constant 0 : i32
      %dma_start3A_779 = arith.constant 0 : i32
      %dma_start3A_780 = arith.constant 0 : i32
      %dma_start3A_781 = tpu.memref_slice %arg13[%dma_start3A_779, %dma_start3A_780] : memref<32x136xf32, #tpu.memory_space<vmem>> -> memref<8x128xf32, #tpu.memory_space<vmem>>
      %dma_start3A_782 = arith.constant 0 : i32
      %dma_start3A_783 = arith.constant 0 : i32
      %dma_start3A_784 = tpu.memref_slice %arg4[%select_n3A_774, %dma_start3A_778, %add3A_777, %dma_start3A_782, %dma_start3A_783] : memref<50x4x128x8x128xf32, #tpu.memory_space<hbm>> -> memref<1x1x1x8x128xf32, #tpu.memory_space<hbm>>
      %dma_start3A_785 = tpu.memref_squeeze %dma_start3A_784 : memref<1x1x1x8x128xf32, #tpu.memory_space<hbm>> -> memref<8x128xf32, #tpu.memory_space<hbm>>
      %dma_start3A_786 = arith.constant 0 : i32
      %dma_start3A_787 = arith.constant 0 : i32
      %dma_start3A_788 = tpu.memref_slice %arg4[%select_n3A_774, %dma_start3A_778, %add3A_777, %dma_start3A_786, %dma_start3A_787] : memref<50x4x128x8x128xf32, #tpu.memory_space<hbm>> -> memref<1x1x1x8x128xf32, #tpu.memory_space<hbm>>
      %dma_start3A_789 = tpu.memref_squeeze %dma_start3A_788 : memref<1x1x1x8x128xf32, #tpu.memory_space<hbm>> -> memref<8x128xf32, #tpu.memory_space<hbm>>
      %dma_start3A_790 = arith.constant 0 : i32
      %dma_start3A_791 = arith.constant 0 : i32
      %dma_start3A_792 = tpu.memref_slice %arg13[%dma_start3A_790, %dma_start3A_791] : memref<32x136xf32, #tpu.memory_space<vmem>> -> memref<8x128xf32, #tpu.memory_space<vmem>>
      tpu.enqueue_dma source(%dma_start3A_792 : memref<8x128xf32, #tpu.memory_space<vmem>>) target(%dma_start3A_789 : memref<8x128xf32, #tpu.memory_space<hbm>>) target_semaphore(%arg21 : memref<!tpu.dma_semaphore, #tpu.memory_space<semaphore_mem>>)
      %mul3A_793 = arith.constant 4 : i32
      %mul3A_794 = arith.muli %add3A, %mul3A_793 : i32
      %add3A_795 = arith.addi %mul3A_794, %select_n3A_758 : i32
      %dma_start3A_796 = arith.constant 1 : i32
      %dma_start3A_797 = arith.constant 8 : i32
      %dma_start3A_798 = arith.constant 0 : i32
      %dma_start3A_799 = tpu.memref_slice %arg13[%dma_start3A_797, %dma_start3A_798] : memref<32x136xf32, #tpu.memory_space<vmem>> -> memref<8x128xf32, #tpu.memory_space<vmem>>
      %dma_start3A_800 = arith.constant 0 : i32
      %dma_start3A_801 = arith.constant 0 : i32
      %dma_start3A_802 = tpu.memref_slice %arg4[%select_n3A_774, %dma_start3A_796, %add3A_795, %dma_start3A_800, %dma_start3A_801] : memref<50x4x128x8x128xf32, #tpu.memory_space<hbm>> -> memref<1x1x1x8x128xf32, #tpu.memory_space<hbm>>
      %dma_start3A_803 = tpu.memref_squeeze %dma_start3A_802 : memref<1x1x1x8x128xf32, #tpu.memory_space<hbm>> -> memref<8x128xf32, #tpu.memory_space<hbm>>
      %dma_start3A_804 = arith.constant 0 : i32
      %dma_start3A_805 = arith.constant 0 : i32
      %dma_start3A_806 = tpu.memref_slice %arg4[%select_n3A_774, %dma_start3A_796, %add3A_795, %dma_start3A_804, %dma_start3A_805] : memref<50x4x128x8x128xf32, #tpu.memory_space<hbm>> -> memref<1x1x1x8x128xf32, #tpu.memory_space<hbm>>
      %dma_start3A_807 = tpu.memref_squeeze %dma_start3A_806 : memref<1x1x1x8x128xf32, #tpu.memory_space<hbm>> -> memref<8x128xf32, #tpu.memory_space<hbm>>
      %dma_start3A_808 = arith.constant 8 : i32
      %dma_start3A_809 = arith.constant 0 : i32
      %dma_start3A_810 = tpu.memref_slice %arg13[%dma_start3A_808, %dma_start3A_809] : memref<32x136xf32, #tpu.memory_space<vmem>> -> memref<8x128xf32, #tpu.memory_space<vmem>>
      tpu.enqueue_dma source(%dma_start3A_810 : memref<8x128xf32, #tpu.memory_space<vmem>>) target(%dma_start3A_807 : memref<8x128xf32, #tpu.memory_space<hbm>>) target_semaphore(%arg21 : memref<!tpu.dma_semaphore, #tpu.memory_space<semaphore_mem>>)
      %mul3A_811 = arith.constant 4 : i32
      %mul3A_812 = arith.muli %add3A, %mul3A_811 : i32
      %add3A_813 = arith.addi %mul3A_812, %select_n3A_758 : i32
      %dma_start3A_814 = arith.constant 2 : i32
      %dma_start3A_815 = arith.constant 16 : i32
      %dma_start3A_816 = arith.constant 0 : i32
      %dma_start3A_817 = tpu.memref_slice %arg13[%dma_start3A_815, %dma_start3A_816] : memref<32x136xf32, #tpu.memory_space<vmem>> -> memref<8x128xf32, #tpu.memory_space<vmem>>
      %dma_start3A_818 = arith.constant 0 : i32
      %dma_start3A_819 = arith.constant 0 : i32
      %dma_start3A_820 = tpu.memref_slice %arg4[%select_n3A_774, %dma_start3A_814, %add3A_813, %dma_start3A_818, %dma_start3A_819] : memref<50x4x128x8x128xf32, #tpu.memory_space<hbm>> -> memref<1x1x1x8x128xf32, #tpu.memory_space<hbm>>
      %dma_start3A_821 = tpu.memref_squeeze %dma_start3A_820 : memref<1x1x1x8x128xf32, #tpu.memory_space<hbm>> -> memref<8x128xf32, #tpu.memory_space<hbm>>
      %dma_start3A_822 = arith.constant 0 : i32
      %dma_start3A_823 = arith.constant 0 : i32
      %dma_start3A_824 = tpu.memref_slice %arg4[%select_n3A_774, %dma_start3A_814, %add3A_813, %dma_start3A_822, %dma_start3A_823] : memref<50x4x128x8x128xf32, #tpu.memory_space<hbm>> -> memref<1x1x1x8x128xf32, #tpu.memory_space<hbm>>
      %dma_start3A_825 = tpu.memref_squeeze %dma_start3A_824 : memref<1x1x1x8x128xf32, #tpu.memory_space<hbm>> -> memref<8x128xf32, #tpu.memory_space<hbm>>
      %dma_start3A_826 = arith.constant 16 : i32
      %dma_start3A_827 = arith.constant 0 : i32
      %dma_start3A_828 = tpu.memref_slice %arg13[%dma_start3A_826, %dma_start3A_827] : memref<32x136xf32, #tpu.memory_space<vmem>> -> memref<8x128xf32, #tpu.memory_space<vmem>>
      tpu.enqueue_dma source(%dma_start3A_828 : memref<8x128xf32, #tpu.memory_space<vmem>>) target(%dma_start3A_825 : memref<8x128xf32, #tpu.memory_space<hbm>>) target_semaphore(%arg21 : memref<!tpu.dma_semaphore, #tpu.memory_space<semaphore_mem>>)
      %mul3A_829 = arith.constant 4 : i32
      %mul3A_830 = arith.muli %add3A, %mul3A_829 : i32
      %add3A_831 = arith.addi %mul3A_830, %select_n3A_758 : i32
      %dma_start3A_832 = arith.constant 3 : i32
      %dma_start3A_833 = arith.constant 24 : i32
      %dma_start3A_834 = arith.constant 0 : i32
      %dma_start3A_835 = tpu.memref_slice %arg13[%dma_start3A_833, %dma_start3A_834] : memref<32x136xf32, #tpu.memory_space<vmem>> -> memref<8x128xf32, #tpu.memory_space<vmem>>
      %dma_start3A_836 = arith.constant 0 : i32
      %dma_start3A_837 = arith.constant 0 : i32
      %dma_start3A_838 = tpu.memref_slice %arg4[%select_n3A_774, %dma_start3A_832, %add3A_831, %dma_start3A_836, %dma_start3A_837] : memref<50x4x128x8x128xf32, #tpu.memory_space<hbm>> -> memref<1x1x1x8x128xf32, #tpu.memory_space<hbm>>
      %dma_start3A_839 = tpu.memref_squeeze %dma_start3A_838 : memref<1x1x1x8x128xf32, #tpu.memory_space<hbm>> -> memref<8x128xf32, #tpu.memory_space<hbm>>
      %dma_start3A_840 = arith.constant 0 : i32
      %dma_start3A_841 = arith.constant 0 : i32
      %dma_start3A_842 = tpu.memref_slice %arg4[%select_n3A_774, %dma_start3A_832, %add3A_831, %dma_start3A_840, %dma_start3A_841] : memref<50x4x128x8x128xf32, #tpu.memory_space<hbm>> -> memref<1x1x1x8x128xf32, #tpu.memory_space<hbm>>
      %dma_start3A_843 = tpu.memref_squeeze %dma_start3A_842 : memref<1x1x1x8x128xf32, #tpu.memory_space<hbm>> -> memref<8x128xf32, #tpu.memory_space<hbm>>
      %dma_start3A_844 = arith.constant 24 : i32
      %dma_start3A_845 = arith.constant 0 : i32
      %dma_start3A_846 = tpu.memref_slice %arg13[%dma_start3A_844, %dma_start3A_845] : memref<32x136xf32, #tpu.memory_space<vmem>> -> memref<8x128xf32, #tpu.memory_space<vmem>>
      tpu.enqueue_dma source(%dma_start3A_846 : memref<8x128xf32, #tpu.memory_space<vmem>>) target(%dma_start3A_843 : memref<8x128xf32, #tpu.memory_space<hbm>>) target_semaphore(%arg21 : memref<!tpu.dma_semaphore, #tpu.memory_space<semaphore_mem>>)
      %add3A_847 = arith.constant 4 : i32
      %add3A_848 = arith.addi %add3A_716, %add3A_847 : i32
      %lt3A_849 = arith.constant 200 : i32
      %lt3A_850 = arith.cmpi slt, %add3A_848, %lt3A_849 : i32
      %convert_element_type3A_851 = arith.extui %lt3A_850 : i1 to i32
      %cond3A_852 = arith.constant 0 : i32
      %cond3A_853 = arith.cmpi ne, %convert_element_type3A_851, %cond3A_852 : i32
      scf.if %cond3A_853 {
        %add3A_854 = arith.constant 4 : i32
        %add3A_855 = arith.addi %add3A_716, %add3A_854 : i32
        %jit3A_856 = arith.constant 50 : i32
        %div3A_857 = arith.divsi %add3A_855, %jit3A_856 : i32
        %sign3A_858 = arith.constant 0 : i32
        %sign3A_859 = arith.cmpi sgt, %add3A_855, %sign3A_858 : i32
        %sign3A_860 = arith.extui %sign3A_859 : i1 to i32
        %sign3A_861 = arith.constant 0 : i32
        %sign3A_862 = arith.cmpi slt, %add3A_855, %sign3A_861 : i32
        %sign3A_863 = arith.extui %sign3A_862 : i1 to i32
        %sign3A_864 = arith.subi %sign3A_860, %sign3A_863 : i32
        %sign3A_865 = arith.constant 0 : i32
        %sign3A_866 = arith.cmpi sgt, %jit3A_856, %sign3A_865 : i32
        %sign3A_867 = arith.extui %sign3A_866 : i1 to i32
        %sign3A_868 = arith.constant 0 : i32
        %sign3A_869 = arith.cmpi slt, %jit3A_856, %sign3A_868 : i32
        %sign3A_870 = arith.extui %sign3A_869 : i1 to i32
        %sign3A_871 = arith.subi %sign3A_867, %sign3A_870 : i32
        %ne3A_872 = arith.cmpi ne, %sign3A_864, %sign3A_871 : i32
        %rem3A_873 = arith.remsi %add3A_855, %jit3A_856 : i32
        %ne3A_874 = arith.constant 0 : i32
        %ne3A_875 = arith.cmpi ne, %rem3A_873, %ne3A_874 : i32
        %and3A_876 = arith.andi %ne3A_872, %ne3A_875 : i1
        %sub3A_877 = arith.constant 1 : i32
        %sub3A_878 = arith.subi %div3A_857, %sub3A_877 : i32
        %select_n3A_879 = arith.select %and3A_876, %sub3A_878, %div3A_857 : i32
        %jit3A_880 = arith.constant 50 : i32
        %eq3A_881 = arith.constant 0 : i32
        %eq3A_882 = arith.cmpi eq, %jit3A_880, %eq3A_881 : i32
        %jit3A_883 = arith.constant 1 : i32
        %select_n3A_884 = arith.select %eq3A_882, %jit3A_883, %jit3A_880 : i32
        %rem3A_885 = arith.remsi %add3A_855, %select_n3A_884 : i32
        %ne3A_886 = arith.constant 0 : i32
        %ne3A_887 = arith.cmpi ne, %rem3A_885, %ne3A_886 : i32
        %lt3A_888 = arith.constant 0 : i32
        %lt3A_889 = arith.cmpi slt, %rem3A_885, %lt3A_888 : i32
        %lt3A_890 = arith.constant 0 : i32
        %lt3A_891 = arith.cmpi slt, %select_n3A_884, %lt3A_890 : i32
        %ne3A_892 = arith.xori %lt3A_889, %lt3A_891 : i1
        %and3A_893 = arith.andi %ne3A_892, %ne3A_887 : i1
        %add3A_894 = arith.addi %rem3A_885, %select_n3A_884 : i32
        %select_n3A_895 = arith.select %and3A_893, %add3A_894, %rem3A_885 : i32
        %dma_start3A_896 = arith.constant 0 : i32
        %dma_start3A_897 = tpu.memref_slice %arg5[%select_n3A_895, %select_n3A_879, %dma_start3A_896] : memref<50x4x128xi32, #tpu.memory_space<vmem>> -> memref<1x1x128xi32, #tpu.memory_space<vmem>>
        %dma_start3A_898 = tpu.memref_squeeze %dma_start3A_897 : memref<1x1x128xi32, #tpu.memory_space<vmem>> -> memref<128xi32, #tpu.memory_space<vmem>>
        %dma_start3A_899 = arith.constant 0 : i32
        %dma_start3A_900 = arith.constant 0 : i32
        %dma_start3A_901 = tpu.memref_slice %arg3[%dma_start3A_899, %dma_start3A_900] : memref<1000000x32xf32, #tpu.memory_space<hbm>> -> memref<1000000x32xf32, #tpu.memory_space<hbm>>
        tpu.enqueue_indirect_dma source(%dma_start3A_901 : memref<1000000x32xf32, #tpu.memory_space<hbm>>) target(%arg9 : memref<128x32xf32, #tpu.memory_space<vmem>>) offsets(%dma_start3A_898 : memref<128xi32, #tpu.memory_space<vmem>>) semaphore(%arg17 : memref<!tpu.dma_semaphore, #tpu.memory_space<semaphore_mem>>)
      } else {
      }
    }
    %scan3A_38 = arith.constant 50 : i32
    %dma_wait3A = arith.constant 0 : i32
    %dma_wait3A_39 = arith.constant 0 : i32
    %dma_wait3A_40 = arith.constant 0 : i32
    %dma_wait3A_41 = arith.constant 0 : i32
    %dma_wait3A_42 = arith.constant 0 : i32
    %dma_wait3A_43 = tpu.memref_slice %arg10[%dma_wait3A_41, %dma_wait3A_42] : memref<32x136xf32, #tpu.memory_space<vmem>> -> memref<8x128xf32, #tpu.memory_space<vmem>>
    %dma_wait3A_44 = arith.constant 0 : i32
    %dma_wait3A_45 = arith.constant 0 : i32
    %dma_wait3A_46 = tpu.memref_slice %arg4[%dma_wait3A, %dma_wait3A_39, %dma_wait3A_40, %dma_wait3A_44, %dma_wait3A_45] : memref<50x4x128x8x128xf32, #tpu.memory_space<hbm>> -> memref<1x1x1x8x128xf32, #tpu.memory_space<hbm>>
    %dma_wait3A_47 = tpu.memref_squeeze %dma_wait3A_46 : memref<1x1x1x8x128xf32, #tpu.memory_space<hbm>> -> memref<8x128xf32, #tpu.memory_space<hbm>>
    %dma_wait3A_48 = arith.constant 0 : i32
    %dma_wait3A_49 = arith.constant 0 : i32
    %dma_wait3A_50 = tpu.memref_slice %arg4[%dma_wait3A, %dma_wait3A_39, %dma_wait3A_40, %dma_wait3A_48, %dma_wait3A_49] : memref<50x4x128x8x128xf32, #tpu.memory_space<hbm>> -> memref<1x1x1x8x128xf32, #tpu.memory_space<hbm>>
    %dma_wait3A_51 = tpu.memref_squeeze %dma_wait3A_50 : memref<1x1x1x8x128xf32, #tpu.memory_space<hbm>> -> memref<8x128xf32, #tpu.memory_space<hbm>>
    %dma_wait3A_52 = arith.constant 0 : i32
    %dma_wait3A_53 = arith.constant 0 : i32
    %dma_wait3A_54 = tpu.memref_slice %arg10[%dma_wait3A_52, %dma_wait3A_53] : memref<32x136xf32, #tpu.memory_space<vmem>> -> memref<8x128xf32, #tpu.memory_space<vmem>>
    tpu.wait_dma2 semaphore(%arg18 : memref<!tpu.dma_semaphore, #tpu.memory_space<semaphore_mem>>) src(%dma_wait3A_54 : memref<8x128xf32, #tpu.memory_space<vmem>>) dst(%dma_wait3A_51 : memref<8x128xf32, #tpu.memory_space<hbm>>)
    %dma_wait3A_55 = arith.constant 0 : i32
    %dma_wait3A_56 = arith.constant 1 : i32
    %dma_wait3A_57 = arith.constant 0 : i32
    %dma_wait3A_58 = arith.constant 8 : i32
    %dma_wait3A_59 = arith.constant 0 : i32
    %dma_wait3A_60 = tpu.memref_slice %arg10[%dma_wait3A_58, %dma_wait3A_59] : memref<32x136xf32, #tpu.memory_space<vmem>> -> memref<8x128xf32, #tpu.memory_space<vmem>>
    %dma_wait3A_61 = arith.constant 0 : i32
    %dma_wait3A_62 = arith.constant 0 : i32
    %dma_wait3A_63 = tpu.memref_slice %arg4[%dma_wait3A_55, %dma_wait3A_56, %dma_wait3A_57, %dma_wait3A_61, %dma_wait3A_62] : memref<50x4x128x8x128xf32, #tpu.memory_space<hbm>> -> memref<1x1x1x8x128xf32, #tpu.memory_space<hbm>>
    %dma_wait3A_64 = tpu.memref_squeeze %dma_wait3A_63 : memref<1x1x1x8x128xf32, #tpu.memory_space<hbm>> -> memref<8x128xf32, #tpu.memory_space<hbm>>
    %dma_wait3A_65 = arith.constant 0 : i32
    %dma_wait3A_66 = arith.constant 0 : i32
    %dma_wait3A_67 = tpu.memref_slice %arg4[%dma_wait3A_55, %dma_wait3A_56, %dma_wait3A_57, %dma_wait3A_65, %dma_wait3A_66] : memref<50x4x128x8x128xf32, #tpu.memory_space<hbm>> -> memref<1x1x1x8x128xf32, #tpu.memory_space<hbm>>
    %dma_wait3A_68 = tpu.memref_squeeze %dma_wait3A_67 : memref<1x1x1x8x128xf32, #tpu.memory_space<hbm>> -> memref<8x128xf32, #tpu.memory_space<hbm>>
    %dma_wait3A_69 = arith.constant 8 : i32
    %dma_wait3A_70 = arith.constant 0 : i32
    %dma_wait3A_71 = tpu.memref_slice %arg10[%dma_wait3A_69, %dma_wait3A_70] : memref<32x136xf32, #tpu.memory_space<vmem>> -> memref<8x128xf32, #tpu.memory_space<vmem>>
    tpu.wait_dma2 semaphore(%arg18 : memref<!tpu.dma_semaphore, #tpu.memory_space<semaphore_mem>>) src(%dma_wait3A_71 : memref<8x128xf32, #tpu.memory_space<vmem>>) dst(%dma_wait3A_68 : memref<8x128xf32, #tpu.memory_space<hbm>>)
    %dma_wait3A_72 = arith.constant 0 : i32
    %dma_wait3A_73 = arith.constant 2 : i32
    %dma_wait3A_74 = arith.constant 0 : i32
    %dma_wait3A_75 = arith.constant 16 : i32
    %dma_wait3A_76 = arith.constant 0 : i32
    %dma_wait3A_77 = tpu.memref_slice %arg10[%dma_wait3A_75, %dma_wait3A_76] : memref<32x136xf32, #tpu.memory_space<vmem>> -> memref<8x128xf32, #tpu.memory_space<vmem>>
    %dma_wait3A_78 = arith.constant 0 : i32
    %dma_wait3A_79 = arith.constant 0 : i32
    %dma_wait3A_80 = tpu.memref_slice %arg4[%dma_wait3A_72, %dma_wait3A_73, %dma_wait3A_74, %dma_wait3A_78, %dma_wait3A_79] : memref<50x4x128x8x128xf32, #tpu.memory_space<hbm>> -> memref<1x1x1x8x128xf32, #tpu.memory_space<hbm>>
    %dma_wait3A_81 = tpu.memref_squeeze %dma_wait3A_80 : memref<1x1x1x8x128xf32, #tpu.memory_space<hbm>> -> memref<8x128xf32, #tpu.memory_space<hbm>>
    %dma_wait3A_82 = arith.constant 0 : i32
    %dma_wait3A_83 = arith.constant 0 : i32
    %dma_wait3A_84 = tpu.memref_slice %arg4[%dma_wait3A_72, %dma_wait3A_73, %dma_wait3A_74, %dma_wait3A_82, %dma_wait3A_83] : memref<50x4x128x8x128xf32, #tpu.memory_space<hbm>> -> memref<1x1x1x8x128xf32, #tpu.memory_space<hbm>>
    %dma_wait3A_85 = tpu.memref_squeeze %dma_wait3A_84 : memref<1x1x1x8x128xf32, #tpu.memory_space<hbm>> -> memref<8x128xf32, #tpu.memory_space<hbm>>
    %dma_wait3A_86 = arith.constant 16 : i32
    %dma_wait3A_87 = arith.constant 0 : i32
    %dma_wait3A_88 = tpu.memref_slice %arg10[%dma_wait3A_86, %dma_wait3A_87] : memref<32x136xf32, #tpu.memory_space<vmem>> -> memref<8x128xf32, #tpu.memory_space<vmem>>
    tpu.wait_dma2 semaphore(%arg18 : memref<!tpu.dma_semaphore, #tpu.memory_space<semaphore_mem>>) src(%dma_wait3A_88 : memref<8x128xf32, #tpu.memory_space<vmem>>) dst(%dma_wait3A_85 : memref<8x128xf32, #tpu.memory_space<hbm>>)
    %dma_wait3A_89 = arith.constant 0 : i32
    %dma_wait3A_90 = arith.constant 3 : i32
    %dma_wait3A_91 = arith.constant 0 : i32
    %dma_wait3A_92 = arith.constant 24 : i32
    %dma_wait3A_93 = arith.constant 0 : i32
    %dma_wait3A_94 = tpu.memref_slice %arg10[%dma_wait3A_92, %dma_wait3A_93] : memref<32x136xf32, #tpu.memory_space<vmem>> -> memref<8x128xf32, #tpu.memory_space<vmem>>
    %dma_wait3A_95 = arith.constant 0 : i32
    %dma_wait3A_96 = arith.constant 0 : i32
    %dma_wait3A_97 = tpu.memref_slice %arg4[%dma_wait3A_89, %dma_wait3A_90, %dma_wait3A_91, %dma_wait3A_95, %dma_wait3A_96] : memref<50x4x128x8x128xf32, #tpu.memory_space<hbm>> -> memref<1x1x1x8x128xf32, #tpu.memory_space<hbm>>
    %dma_wait3A_98 = tpu.memref_squeeze %dma_wait3A_97 : memref<1x1x1x8x128xf32, #tpu.memory_space<hbm>> -> memref<8x128xf32, #tpu.memory_space<hbm>>
    %dma_wait3A_99 = arith.constant 0 : i32
    %dma_wait3A_100 = arith.constant 0 : i32
    %dma_wait3A_101 = tpu.memref_slice %arg4[%dma_wait3A_89, %dma_wait3A_90, %dma_wait3A_91, %dma_wait3A_99, %dma_wait3A_100] : memref<50x4x128x8x128xf32, #tpu.memory_space<hbm>> -> memref<1x1x1x8x128xf32, #tpu.memory_space<hbm>>
    %dma_wait3A_102 = tpu.memref_squeeze %dma_wait3A_101 : memref<1x1x1x8x128xf32, #tpu.memory_space<hbm>> -> memref<8x128xf32, #tpu.memory_space<hbm>>
    %dma_wait3A_103 = arith.constant 24 : i32
    %dma_wait3A_104 = arith.constant 0 : i32
    %dma_wait3A_105 = tpu.memref_slice %arg10[%dma_wait3A_103, %dma_wait3A_104] : memref<32x136xf32, #tpu.memory_space<vmem>> -> memref<8x128xf32, #tpu.memory_space<vmem>>
    tpu.wait_dma2 semaphore(%arg18 : memref<!tpu.dma_semaphore, #tpu.memory_space<semaphore_mem>>) src(%dma_wait3A_105 : memref<8x128xf32, #tpu.memory_space<vmem>>) dst(%dma_wait3A_102 : memref<8x128xf32, #tpu.memory_space<hbm>>)
    %dma_wait3A_106 = arith.constant 0 : i32
    %dma_wait3A_107 = arith.constant 0 : i32
    %dma_wait3A_108 = arith.constant 0 : i32
    %dma_wait3A_109 = arith.constant 0 : i32
    %dma_wait3A_110 = arith.constant 0 : i32
    %dma_wait3A_111 = tpu.memref_slice %arg11[%dma_wait3A_109, %dma_wait3A_110] : memref<32x136xf32, #tpu.memory_space<vmem>> -> memref<8x128xf32, #tpu.memory_space<vmem>>
    %dma_wait3A_112 = arith.constant 0 : i32
    %dma_wait3A_113 = arith.constant 0 : i32
    %dma_wait3A_114 = tpu.memref_slice %arg4[%dma_wait3A_106, %dma_wait3A_107, %dma_wait3A_108, %dma_wait3A_112, %dma_wait3A_113] : memref<50x4x128x8x128xf32, #tpu.memory_space<hbm>> -> memref<1x1x1x8x128xf32, #tpu.memory_space<hbm>>
    %dma_wait3A_115 = tpu.memref_squeeze %dma_wait3A_114 : memref<1x1x1x8x128xf32, #tpu.memory_space<hbm>> -> memref<8x128xf32, #tpu.memory_space<hbm>>
    %dma_wait3A_116 = arith.constant 0 : i32
    %dma_wait3A_117 = arith.constant 0 : i32
    %dma_wait3A_118 = tpu.memref_slice %arg4[%dma_wait3A_106, %dma_wait3A_107, %dma_wait3A_108, %dma_wait3A_116, %dma_wait3A_117] : memref<50x4x128x8x128xf32, #tpu.memory_space<hbm>> -> memref<1x1x1x8x128xf32, #tpu.memory_space<hbm>>
    %dma_wait3A_119 = tpu.memref_squeeze %dma_wait3A_118 : memref<1x1x1x8x128xf32, #tpu.memory_space<hbm>> -> memref<8x128xf32, #tpu.memory_space<hbm>>
    %dma_wait3A_120 = arith.constant 0 : i32
    %dma_wait3A_121 = arith.constant 0 : i32
    %dma_wait3A_122 = tpu.memref_slice %arg11[%dma_wait3A_120, %dma_wait3A_121] : memref<32x136xf32, #tpu.memory_space<vmem>> -> memref<8x128xf32, #tpu.memory_space<vmem>>
    tpu.wait_dma2 semaphore(%arg19 : memref<!tpu.dma_semaphore, #tpu.memory_space<semaphore_mem>>) src(%dma_wait3A_122 : memref<8x128xf32, #tpu.memory_space<vmem>>) dst(%dma_wait3A_119 : memref<8x128xf32, #tpu.memory_space<hbm>>)
    %dma_wait3A_123 = arith.constant 0 : i32
    %dma_wait3A_124 = arith.constant 1 : i32
    %dma_wait3A_125 = arith.constant 0 : i32
    %dma_wait3A_126 = arith.constant 8 : i32
    %dma_wait3A_127 = arith.constant 0 : i32
    %dma_wait3A_128 = tpu.memref_slice %arg11[%dma_wait3A_126, %dma_wait3A_127] : memref<32x136xf32, #tpu.memory_space<vmem>> -> memref<8x128xf32, #tpu.memory_space<vmem>>
    %dma_wait3A_129 = arith.constant 0 : i32
    %dma_wait3A_130 = arith.constant 0 : i32
    %dma_wait3A_131 = tpu.memref_slice %arg4[%dma_wait3A_123, %dma_wait3A_124, %dma_wait3A_125, %dma_wait3A_129, %dma_wait3A_130] : memref<50x4x128x8x128xf32, #tpu.memory_space<hbm>> -> memref<1x1x1x8x128xf32, #tpu.memory_space<hbm>>
    %dma_wait3A_132 = tpu.memref_squeeze %dma_wait3A_131 : memref<1x1x1x8x128xf32, #tpu.memory_space<hbm>> -> memref<8x128xf32, #tpu.memory_space<hbm>>
    %dma_wait3A_133 = arith.constant 0 : i32
    %dma_wait3A_134 = arith.constant 0 : i32
    %dma_wait3A_135 = tpu.memref_slice %arg4[%dma_wait3A_123, %dma_wait3A_124, %dma_wait3A_125, %dma_wait3A_133, %dma_wait3A_134] : memref<50x4x128x8x128xf32, #tpu.memory_space<hbm>> -> memref<1x1x1x8x128xf32, #tpu.memory_space<hbm>>
    %dma_wait3A_136 = tpu.memref_squeeze %dma_wait3A_135 : memref<1x1x1x8x128xf32, #tpu.memory_space<hbm>> -> memref<8x128xf32, #tpu.memory_space<hbm>>
    %dma_wait3A_137 = arith.constant 8 : i32
    %dma_wait3A_138 = arith.constant 0 : i32
    %dma_wait3A_139 = tpu.memref_slice %arg11[%dma_wait3A_137, %dma_wait3A_138] : memref<32x136xf32, #tpu.memory_space<vmem>> -> memref<8x128xf32, #tpu.memory_space<vmem>>
    tpu.wait_dma2 semaphore(%arg19 : memref<!tpu.dma_semaphore, #tpu.memory_space<semaphore_mem>>) src(%dma_wait3A_139 : memref<8x128xf32, #tpu.memory_space<vmem>>) dst(%dma_wait3A_136 : memref<8x128xf32, #tpu.memory_space<hbm>>)
    %dma_wait3A_140 = arith.constant 0 : i32
    %dma_wait3A_141 = arith.constant 2 : i32
    %dma_wait3A_142 = arith.constant 0 : i32
    %dma_wait3A_143 = arith.constant 16 : i32
    %dma_wait3A_144 = arith.constant 0 : i32
    %dma_wait3A_145 = tpu.memref_slice %arg11[%dma_wait3A_143, %dma_wait3A_144] : memref<32x136xf32, #tpu.memory_space<vmem>> -> memref<8x128xf32, #tpu.memory_space<vmem>>
    %dma_wait3A_146 = arith.constant 0 : i32
    %dma_wait3A_147 = arith.constant 0 : i32
    %dma_wait3A_148 = tpu.memref_slice %arg4[%dma_wait3A_140, %dma_wait3A_141, %dma_wait3A_142, %dma_wait3A_146, %dma_wait3A_147] : memref<50x4x128x8x128xf32, #tpu.memory_space<hbm>> -> memref<1x1x1x8x128xf32, #tpu.memory_space<hbm>>
    %dma_wait3A_149 = tpu.memref_squeeze %dma_wait3A_148 : memref<1x1x1x8x128xf32, #tpu.memory_space<hbm>> -> memref<8x128xf32, #tpu.memory_space<hbm>>
    %dma_wait3A_150 = arith.constant 0 : i32
    %dma_wait3A_151 = arith.constant 0 : i32
    %dma_wait3A_152 = tpu.memref_slice %arg4[%dma_wait3A_140, %dma_wait3A_141, %dma_wait3A_142, %dma_wait3A_150, %dma_wait3A_151] : memref<50x4x128x8x128xf32, #tpu.memory_space<hbm>> -> memref<1x1x1x8x128xf32, #tpu.memory_space<hbm>>
    %dma_wait3A_153 = tpu.memref_squeeze %dma_wait3A_152 : memref<1x1x1x8x128xf32, #tpu.memory_space<hbm>> -> memref<8x128xf32, #tpu.memory_space<hbm>>
    %dma_wait3A_154 = arith.constant 16 : i32
    %dma_wait3A_155 = arith.constant 0 : i32
    %dma_wait3A_156 = tpu.memref_slice %arg11[%dma_wait3A_154, %dma_wait3A_155] : memref<32x136xf32, #tpu.memory_space<vmem>> -> memref<8x128xf32, #tpu.memory_space<vmem>>
    tpu.wait_dma2 semaphore(%arg19 : memref<!tpu.dma_semaphore, #tpu.memory_space<semaphore_mem>>) src(%dma_wait3A_156 : memref<8x128xf32, #tpu.memory_space<vmem>>) dst(%dma_wait3A_153 : memref<8x128xf32, #tpu.memory_space<hbm>>)
    %dma_wait3A_157 = arith.constant 0 : i32
    %dma_wait3A_158 = arith.constant 3 : i32
    %dma_wait3A_159 = arith.constant 0 : i32
    %dma_wait3A_160 = arith.constant 24 : i32
    %dma_wait3A_161 = arith.constant 0 : i32
    %dma_wait3A_162 = tpu.memref_slice %arg11[%dma_wait3A_160, %dma_wait3A_161] : memref<32x136xf32, #tpu.memory_space<vmem>> -> memref<8x128xf32, #tpu.memory_space<vmem>>
    %dma_wait3A_163 = arith.constant 0 : i32
    %dma_wait3A_164 = arith.constant 0 : i32
    %dma_wait3A_165 = tpu.memref_slice %arg4[%dma_wait3A_157, %dma_wait3A_158, %dma_wait3A_159, %dma_wait3A_163, %dma_wait3A_164] : memref<50x4x128x8x128xf32, #tpu.memory_space<hbm>> -> memref<1x1x1x8x128xf32, #tpu.memory_space<hbm>>
    %dma_wait3A_166 = tpu.memref_squeeze %dma_wait3A_165 : memref<1x1x1x8x128xf32, #tpu.memory_space<hbm>> -> memref<8x128xf32, #tpu.memory_space<hbm>>
    %dma_wait3A_167 = arith.constant 0 : i32
    %dma_wait3A_168 = arith.constant 0 : i32
    %dma_wait3A_169 = tpu.memref_slice %arg4[%dma_wait3A_157, %dma_wait3A_158, %dma_wait3A_159, %dma_wait3A_167, %dma_wait3A_168] : memref<50x4x128x8x128xf32, #tpu.memory_space<hbm>> -> memref<1x1x1x8x128xf32, #tpu.memory_space<hbm>>
    %dma_wait3A_170 = tpu.memref_squeeze %dma_wait3A_169 : memref<1x1x1x8x128xf32, #tpu.memory_space<hbm>> -> memref<8x128xf32, #tpu.memory_space<hbm>>
    %dma_wait3A_171 = arith.constant 24 : i32
    %dma_wait3A_172 = arith.constant 0 : i32
    %dma_wait3A_173 = tpu.memref_slice %arg11[%dma_wait3A_171, %dma_wait3A_172] : memref<32x136xf32, #tpu.memory_space<vmem>> -> memref<8x128xf32, #tpu.memory_space<vmem>>
    tpu.wait_dma2 semaphore(%arg19 : memref<!tpu.dma_semaphore, #tpu.memory_space<semaphore_mem>>) src(%dma_wait3A_173 : memref<8x128xf32, #tpu.memory_space<vmem>>) dst(%dma_wait3A_170 : memref<8x128xf32, #tpu.memory_space<hbm>>)
    %dma_wait3A_174 = arith.constant 0 : i32
    %dma_wait3A_175 = arith.constant 0 : i32
    %dma_wait3A_176 = arith.constant 0 : i32
    %dma_wait3A_177 = arith.constant 0 : i32
    %dma_wait3A_178 = arith.constant 0 : i32
    %dma_wait3A_179 = tpu.memref_slice %arg12[%dma_wait3A_177, %dma_wait3A_178] : memref<32x136xf32, #tpu.memory_space<vmem>> -> memref<8x128xf32, #tpu.memory_space<vmem>>
    %dma_wait3A_180 = arith.constant 0 : i32
    %dma_wait3A_181 = arith.constant 0 : i32
    %dma_wait3A_182 = tpu.memref_slice %arg4[%dma_wait3A_174, %dma_wait3A_175, %dma_wait3A_176, %dma_wait3A_180, %dma_wait3A_181] : memref<50x4x128x8x128xf32, #tpu.memory_space<hbm>> -> memref<1x1x1x8x128xf32, #tpu.memory_space<hbm>>
    %dma_wait3A_183 = tpu.memref_squeeze %dma_wait3A_182 : memref<1x1x1x8x128xf32, #tpu.memory_space<hbm>> -> memref<8x128xf32, #tpu.memory_space<hbm>>
    %dma_wait3A_184 = arith.constant 0 : i32
    %dma_wait3A_185 = arith.constant 0 : i32
    %dma_wait3A_186 = tpu.memref_slice %arg4[%dma_wait3A_174, %dma_wait3A_175, %dma_wait3A_176, %dma_wait3A_184, %dma_wait3A_185] : memref<50x4x128x8x128xf32, #tpu.memory_space<hbm>> -> memref<1x1x1x8x128xf32, #tpu.memory_space<hbm>>
    %dma_wait3A_187 = tpu.memref_squeeze %dma_wait3A_186 : memref<1x1x1x8x128xf32, #tpu.memory_space<hbm>> -> memref<8x128xf32, #tpu.memory_space<hbm>>
    %dma_wait3A_188 = arith.constant 0 : i32
    %dma_wait3A_189 = arith.constant 0 : i32
    %dma_wait3A_190 = tpu.memref_slice %arg12[%dma_wait3A_188, %dma_wait3A_189] : memref<32x136xf32, #tpu.memory_space<vmem>> -> memref<8x128xf32, #tpu.memory_space<vmem>>
    tpu.wait_dma2 semaphore(%arg20 : memref<!tpu.dma_semaphore, #tpu.memory_space<semaphore_mem>>) src(%dma_wait3A_190 : memref<8x128xf32, #tpu.memory_space<vmem>>) dst(%dma_wait3A_187 : memref<8x128xf32, #tpu.memory_space<hbm>>)
    %dma_wait3A_191 = arith.constant 0 : i32
    %dma_wait3A_192 = arith.constant 1 : i32
    %dma_wait3A_193 = arith.constant 0 : i32
    %dma_wait3A_194 = arith.constant 8 : i32
    %dma_wait3A_195 = arith.constant 0 : i32
    %dma_wait3A_196 = tpu.memref_slice %arg12[%dma_wait3A_194, %dma_wait3A_195] : memref<32x136xf32, #tpu.memory_space<vmem>> -> memref<8x128xf32, #tpu.memory_space<vmem>>
    %dma_wait3A_197 = arith.constant 0 : i32
    %dma_wait3A_198 = arith.constant 0 : i32
    %dma_wait3A_199 = tpu.memref_slice %arg4[%dma_wait3A_191, %dma_wait3A_192, %dma_wait3A_193, %dma_wait3A_197, %dma_wait3A_198] : memref<50x4x128x8x128xf32, #tpu.memory_space<hbm>> -> memref<1x1x1x8x128xf32, #tpu.memory_space<hbm>>
    %dma_wait3A_200 = tpu.memref_squeeze %dma_wait3A_199 : memref<1x1x1x8x128xf32, #tpu.memory_space<hbm>> -> memref<8x128xf32, #tpu.memory_space<hbm>>
    %dma_wait3A_201 = arith.constant 0 : i32
    %dma_wait3A_202 = arith.constant 0 : i32
    %dma_wait3A_203 = tpu.memref_slice %arg4[%dma_wait3A_191, %dma_wait3A_192, %dma_wait3A_193, %dma_wait3A_201, %dma_wait3A_202] : memref<50x4x128x8x128xf32, #tpu.memory_space<hbm>> -> memref<1x1x1x8x128xf32, #tpu.memory_space<hbm>>
    %dma_wait3A_204 = tpu.memref_squeeze %dma_wait3A_203 : memref<1x1x1x8x128xf32, #tpu.memory_space<hbm>> -> memref<8x128xf32, #tpu.memory_space<hbm>>
    %dma_wait3A_205 = arith.constant 8 : i32
    %dma_wait3A_206 = arith.constant 0 : i32
    %dma_wait3A_207 = tpu.memref_slice %arg12[%dma_wait3A_205, %dma_wait3A_206] : memref<32x136xf32, #tpu.memory_space<vmem>> -> memref<8x128xf32, #tpu.memory_space<vmem>>
    tpu.wait_dma2 semaphore(%arg20 : memref<!tpu.dma_semaphore, #tpu.memory_space<semaphore_mem>>) src(%dma_wait3A_207 : memref<8x128xf32, #tpu.memory_space<vmem>>) dst(%dma_wait3A_204 : memref<8x128xf32, #tpu.memory_space<hbm>>)
    %dma_wait3A_208 = arith.constant 0 : i32
    %dma_wait3A_209 = arith.constant 2 : i32
    %dma_wait3A_210 = arith.constant 0 : i32
    %dma_wait3A_211 = arith.constant 16 : i32
    %dma_wait3A_212 = arith.constant 0 : i32
    %dma_wait3A_213 = tpu.memref_slice %arg12[%dma_wait3A_211, %dma_wait3A_212] : memref<32x136xf32, #tpu.memory_space<vmem>> -> memref<8x128xf32, #tpu.memory_space<vmem>>
    %dma_wait3A_214 = arith.constant 0 : i32
    %dma_wait3A_215 = arith.constant 0 : i32
    %dma_wait3A_216 = tpu.memref_slice %arg4[%dma_wait3A_208, %dma_wait3A_209, %dma_wait3A_210, %dma_wait3A_214, %dma_wait3A_215] : memref<50x4x128x8x128xf32, #tpu.memory_space<hbm>> -> memref<1x1x1x8x128xf32, #tpu.memory_space<hbm>>
    %dma_wait3A_217 = tpu.memref_squeeze %dma_wait3A_216 : memref<1x1x1x8x128xf32, #tpu.memory_space<hbm>> -> memref<8x128xf32, #tpu.memory_space<hbm>>
    %dma_wait3A_218 = arith.constant 0 : i32
    %dma_wait3A_219 = arith.constant 0 : i32
    %dma_wait3A_220 = tpu.memref_slice %arg4[%dma_wait3A_208, %dma_wait3A_209, %dma_wait3A_210, %dma_wait3A_218, %dma_wait3A_219] : memref<50x4x128x8x128xf32, #tpu.memory_space<hbm>> -> memref<1x1x1x8x128xf32, #tpu.memory_space<hbm>>
    %dma_wait3A_221 = tpu.memref_squeeze %dma_wait3A_220 : memref<1x1x1x8x128xf32, #tpu.memory_space<hbm>> -> memref<8x128xf32, #tpu.memory_space<hbm>>
    %dma_wait3A_222 = arith.constant 16 : i32
    %dma_wait3A_223 = arith.constant 0 : i32
    %dma_wait3A_224 = tpu.memref_slice %arg12[%dma_wait3A_222, %dma_wait3A_223] : memref<32x136xf32, #tpu.memory_space<vmem>> -> memref<8x128xf32, #tpu.memory_space<vmem>>
    tpu.wait_dma2 semaphore(%arg20 : memref<!tpu.dma_semaphore, #tpu.memory_space<semaphore_mem>>) src(%dma_wait3A_224 : memref<8x128xf32, #tpu.memory_space<vmem>>) dst(%dma_wait3A_221 : memref<8x128xf32, #tpu.memory_space<hbm>>)
    %dma_wait3A_225 = arith.constant 0 : i32
    %dma_wait3A_226 = arith.constant 3 : i32
    %dma_wait3A_227 = arith.constant 0 : i32
    %dma_wait3A_228 = arith.constant 24 : i32
    %dma_wait3A_229 = arith.constant 0 : i32
    %dma_wait3A_230 = tpu.memref_slice %arg12[%dma_wait3A_228, %dma_wait3A_229] : memref<32x136xf32, #tpu.memory_space<vmem>> -> memref<8x128xf32, #tpu.memory_space<vmem>>
    %dma_wait3A_231 = arith.constant 0 : i32
    %dma_wait3A_232 = arith.constant 0 : i32
    %dma_wait3A_233 = tpu.memref_slice %arg4[%dma_wait3A_225, %dma_wait3A_226, %dma_wait3A_227, %dma_wait3A_231, %dma_wait3A_232] : memref<50x4x128x8x128xf32, #tpu.memory_space<hbm>> -> memref<1x1x1x8x128xf32, #tpu.memory_space<hbm>>
    %dma_wait3A_234 = tpu.memref_squeeze %dma_wait3A_233 : memref<1x1x1x8x128xf32, #tpu.memory_space<hbm>> -> memref<8x128xf32, #tpu.memory_space<hbm>>
    %dma_wait3A_235 = arith.constant 0 : i32
    %dma_wait3A_236 = arith.constant 0 : i32
    %dma_wait3A_237 = tpu.memref_slice %arg4[%dma_wait3A_225, %dma_wait3A_226, %dma_wait3A_227, %dma_wait3A_235, %dma_wait3A_236] : memref<50x4x128x8x128xf32, #tpu.memory_space<hbm>> -> memref<1x1x1x8x128xf32, #tpu.memory_space<hbm>>
    %dma_wait3A_238 = tpu.memref_squeeze %dma_wait3A_237 : memref<1x1x1x8x128xf32, #tpu.memory_space<hbm>> -> memref<8x128xf32, #tpu.memory_space<hbm>>
    %dma_wait3A_239 = arith.constant 24 : i32
    %dma_wait3A_240 = arith.constant 0 : i32
    %dma_wait3A_241 = tpu.memref_slice %arg12[%dma_wait3A_239, %dma_wait3A_240] : memref<32x136xf32, #tpu.memory_space<vmem>> -> memref<8x128xf32, #tpu.memory_space<vmem>>
    tpu.wait_dma2 semaphore(%arg20 : memref<!tpu.dma_semaphore, #tpu.memory_space<semaphore_mem>>) src(%dma_wait3A_241 : memref<8x128xf32, #tpu.memory_space<vmem>>) dst(%dma_wait3A_238 : memref<8x128xf32, #tpu.memory_space<hbm>>)
    %dma_wait3A_242 = arith.constant 0 : i32
    %dma_wait3A_243 = arith.constant 0 : i32
    %dma_wait3A_244 = arith.constant 0 : i32
    %dma_wait3A_245 = arith.constant 0 : i32
    %dma_wait3A_246 = arith.constant 0 : i32
    %dma_wait3A_247 = tpu.memref_slice %arg13[%dma_wait3A_245, %dma_wait3A_246] : memref<32x136xf32, #tpu.memory_space<vmem>> -> memref<8x128xf32, #tpu.memory_space<vmem>>
    %dma_wait3A_248 = arith.constant 0 : i32
    %dma_wait3A_249 = arith.constant 0 : i32
    %dma_wait3A_250 = tpu.memref_slice %arg4[%dma_wait3A_242, %dma_wait3A_243, %dma_wait3A_244, %dma_wait3A_248, %dma_wait3A_249] : memref<50x4x128x8x128xf32, #tpu.memory_space<hbm>> -> memref<1x1x1x8x128xf32, #tpu.memory_space<hbm>>
    %dma_wait3A_251 = tpu.memref_squeeze %dma_wait3A_250 : memref<1x1x1x8x128xf32, #tpu.memory_space<hbm>> -> memref<8x128xf32, #tpu.memory_space<hbm>>
    %dma_wait3A_252 = arith.constant 0 : i32
    %dma_wait3A_253 = arith.constant 0 : i32
    %dma_wait3A_254 = tpu.memref_slice %arg4[%dma_wait3A_242, %dma_wait3A_243, %dma_wait3A_244, %dma_wait3A_252, %dma_wait3A_253] : memref<50x4x128x8x128xf32, #tpu.memory_space<hbm>> -> memref<1x1x1x8x128xf32, #tpu.memory_space<hbm>>
    %dma_wait3A_255 = tpu.memref_squeeze %dma_wait3A_254 : memref<1x1x1x8x128xf32, #tpu.memory_space<hbm>> -> memref<8x128xf32, #tpu.memory_space<hbm>>
    %dma_wait3A_256 = arith.constant 0 : i32
    %dma_wait3A_257 = arith.constant 0 : i32
    %dma_wait3A_258 = tpu.memref_slice %arg13[%dma_wait3A_256, %dma_wait3A_257] : memref<32x136xf32, #tpu.memory_space<vmem>> -> memref<8x128xf32, #tpu.memory_space<vmem>>
    tpu.wait_dma2 semaphore(%arg21 : memref<!tpu.dma_semaphore, #tpu.memory_space<semaphore_mem>>) src(%dma_wait3A_258 : memref<8x128xf32, #tpu.memory_space<vmem>>) dst(%dma_wait3A_255 : memref<8x128xf32, #tpu.memory_space<hbm>>)
    %dma_wait3A_259 = arith.constant 0 : i32
    %dma_wait3A_260 = arith.constant 1 : i32
    %dma_wait3A_261 = arith.constant 0 : i32
    %dma_wait3A_262 = arith.constant 8 : i32
    %dma_wait3A_263 = arith.constant 0 : i32
    %dma_wait3A_264 = tpu.memref_slice %arg13[%dma_wait3A_262, %dma_wait3A_263] : memref<32x136xf32, #tpu.memory_space<vmem>> -> memref<8x128xf32, #tpu.memory_space<vmem>>
    %dma_wait3A_265 = arith.constant 0 : i32
    %dma_wait3A_266 = arith.constant 0 : i32
    %dma_wait3A_267 = tpu.memref_slice %arg4[%dma_wait3A_259, %dma_wait3A_260, %dma_wait3A_261, %dma_wait3A_265, %dma_wait3A_266] : memref<50x4x128x8x128xf32, #tpu.memory_space<hbm>> -> memref<1x1x1x8x128xf32, #tpu.memory_space<hbm>>
    %dma_wait3A_268 = tpu.memref_squeeze %dma_wait3A_267 : memref<1x1x1x8x128xf32, #tpu.memory_space<hbm>> -> memref<8x128xf32, #tpu.memory_space<hbm>>
    %dma_wait3A_269 = arith.constant 0 : i32
    %dma_wait3A_270 = arith.constant 0 : i32
    %dma_wait3A_271 = tpu.memref_slice %arg4[%dma_wait3A_259, %dma_wait3A_260, %dma_wait3A_261, %dma_wait3A_269, %dma_wait3A_270] : memref<50x4x128x8x128xf32, #tpu.memory_space<hbm>> -> memref<1x1x1x8x128xf32, #tpu.memory_space<hbm>>
    %dma_wait3A_272 = tpu.memref_squeeze %dma_wait3A_271 : memref<1x1x1x8x128xf32, #tpu.memory_space<hbm>> -> memref<8x128xf32, #tpu.memory_space<hbm>>
    %dma_wait3A_273 = arith.constant 8 : i32
    %dma_wait3A_274 = arith.constant 0 : i32
    %dma_wait3A_275 = tpu.memref_slice %arg13[%dma_wait3A_273, %dma_wait3A_274] : memref<32x136xf32, #tpu.memory_space<vmem>> -> memref<8x128xf32, #tpu.memory_space<vmem>>
    tpu.wait_dma2 semaphore(%arg21 : memref<!tpu.dma_semaphore, #tpu.memory_space<semaphore_mem>>) src(%dma_wait3A_275 : memref<8x128xf32, #tpu.memory_space<vmem>>) dst(%dma_wait3A_272 : memref<8x128xf32, #tpu.memory_space<hbm>>)
    %dma_wait3A_276 = arith.constant 0 : i32
    %dma_wait3A_277 = arith.constant 2 : i32
    %dma_wait3A_278 = arith.constant 0 : i32
    %dma_wait3A_279 = arith.constant 16 : i32
    %dma_wait3A_280 = arith.constant 0 : i32
    %dma_wait3A_281 = tpu.memref_slice %arg13[%dma_wait3A_279, %dma_wait3A_280] : memref<32x136xf32, #tpu.memory_space<vmem>> -> memref<8x128xf32, #tpu.memory_space<vmem>>
    %dma_wait3A_282 = arith.constant 0 : i32
    %dma_wait3A_283 = arith.constant 0 : i32
    %dma_wait3A_284 = tpu.memref_slice %arg4[%dma_wait3A_276, %dma_wait3A_277, %dma_wait3A_278, %dma_wait3A_282, %dma_wait3A_283] : memref<50x4x128x8x128xf32, #tpu.memory_space<hbm>> -> memref<1x1x1x8x128xf32, #tpu.memory_space<hbm>>
    %dma_wait3A_285 = tpu.memref_squeeze %dma_wait3A_284 : memref<1x1x1x8x128xf32, #tpu.memory_space<hbm>> -> memref<8x128xf32, #tpu.memory_space<hbm>>
    %dma_wait3A_286 = arith.constant 0 : i32
    %dma_wait3A_287 = arith.constant 0 : i32
    %dma_wait3A_288 = tpu.memref_slice %arg4[%dma_wait3A_276, %dma_wait3A_277, %dma_wait3A_278, %dma_wait3A_286, %dma_wait3A_287] : memref<50x4x128x8x128xf32, #tpu.memory_space<hbm>> -> memref<1x1x1x8x128xf32, #tpu.memory_space<hbm>>
    %dma_wait3A_289 = tpu.memref_squeeze %dma_wait3A_288 : memref<1x1x1x8x128xf32, #tpu.memory_space<hbm>> -> memref<8x128xf32, #tpu.memory_space<hbm>>
    %dma_wait3A_290 = arith.constant 16 : i32
    %dma_wait3A_291 = arith.constant 0 : i32
    %dma_wait3A_292 = tpu.memref_slice %arg13[%dma_wait3A_290, %dma_wait3A_291] : memref<32x136xf32, #tpu.memory_space<vmem>> -> memref<8x128xf32, #tpu.memory_space<vmem>>
    tpu.wait_dma2 semaphore(%arg21 : memref<!tpu.dma_semaphore, #tpu.memory_space<semaphore_mem>>) src(%dma_wait3A_292 : memref<8x128xf32, #tpu.memory_space<vmem>>) dst(%dma_wait3A_289 : memref<8x128xf32, #tpu.memory_space<hbm>>)
    %dma_wait3A_293 = arith.constant 0 : i32
    %dma_wait3A_294 = arith.constant 3 : i32
    %dma_wait3A_295 = arith.constant 0 : i32
    %dma_wait3A_296 = arith.constant 24 : i32
    %dma_wait3A_297 = arith.constant 0 : i32
    %dma_wait3A_298 = tpu.memref_slice %arg13[%dma_wait3A_296, %dma_wait3A_297] : memref<32x136xf32, #tpu.memory_space<vmem>> -> memref<8x128xf32, #tpu.memory_space<vmem>>
    %dma_wait3A_299 = arith.constant 0 : i32
    %dma_wait3A_300 = arith.constant 0 : i32
    %dma_wait3A_301 = tpu.memref_slice %arg4[%dma_wait3A_293, %dma_wait3A_294, %dma_wait3A_295, %dma_wait3A_299, %dma_wait3A_300] : memref<50x4x128x8x128xf32, #tpu.memory_space<hbm>> -> memref<1x1x1x8x128xf32, #tpu.memory_space<hbm>>
    %dma_wait3A_302 = tpu.memref_squeeze %dma_wait3A_301 : memref<1x1x1x8x128xf32, #tpu.memory_space<hbm>> -> memref<8x128xf32, #tpu.memory_space<hbm>>
    %dma_wait3A_303 = arith.constant 0 : i32
    %dma_wait3A_304 = arith.constant 0 : i32
    %dma_wait3A_305 = tpu.memref_slice %arg4[%dma_wait3A_293, %dma_wait3A_294, %dma_wait3A_295, %dma_wait3A_303, %dma_wait3A_304] : memref<50x4x128x8x128xf32, #tpu.memory_space<hbm>> -> memref<1x1x1x8x128xf32, #tpu.memory_space<hbm>>
    %dma_wait3A_306 = tpu.memref_squeeze %dma_wait3A_305 : memref<1x1x1x8x128xf32, #tpu.memory_space<hbm>> -> memref<8x128xf32, #tpu.memory_space<hbm>>
    %dma_wait3A_307 = arith.constant 24 : i32
    %dma_wait3A_308 = arith.constant 0 : i32
    %dma_wait3A_309 = tpu.memref_slice %arg13[%dma_wait3A_307, %dma_wait3A_308] : memref<32x136xf32, #tpu.memory_space<vmem>> -> memref<8x128xf32, #tpu.memory_space<vmem>>
    tpu.wait_dma2 semaphore(%arg21 : memref<!tpu.dma_semaphore, #tpu.memory_space<semaphore_mem>>) src(%dma_wait3A_309 : memref<8x128xf32, #tpu.memory_space<vmem>>) dst(%dma_wait3A_306 : memref<8x128xf32, #tpu.memory_space<hbm>>)
    return
  }
}

</mosaic_0001>

<sc_bundles>
// kernel: kernel.3.cloned.1.call-start
scs
__scs_entry_jumppad:
0x0: {  	(pc) =	sbr.rel $0x88, $3  }
0x1: {  	(tag) =	ssettag $0x0;
	lr =	simm.s32 $0x1  }
0x2: {  	[smem:$0x3F9F] =	sst lr;
	_ =	strace $0xD0000000  }
0x3: {  	_ = 	snop  }
0x4: {  	_ = 	snop  }
0x5: {  	_ = 	snop  }
0x6: {  	_ = 	snop  }
0x7: {  	_ = 	snop  }
__scs_overlays_trampoline_lowered:
0x8: {  	[smem:$0x3FAE] =	sst s0  }
0x9: {  	[smem:$0x3FAF] =	sst s1  }
0xa: {  	[smem:$0x3FB0] =	sst s2  }
0xb: {  	[smem:$0x3FB1] =	sst s3  }
0xc: {  	[smem:$0x3FB2] =	sst s4  }
0xd: {  	[smem:$0x3FB3] =	sst s5  }
0xe: {  	[smem:$0x3FB4] =	sst s6  }
0xf: {  	[smem:$0x3FB5] =	sst s7  }
0x10: {  	[smem:$0x3FB6] =	sst s8  }
0x11: {  	[smem:$0x3FB7] =	sst s9;
	s0 =	simm.s32 @!p0 $0x0  }
0x12: {  	s1 =	sld [smem:$0x3F9D];
	s0 =	simm.s32 @p0 $0x1  }
0x13: {  	[smem:$0x3FB8] =	sst s0;
	s0 =	simm.s32 @!p1 $0x0  }
0x14: {  	s2 =	sld [smem:$0x3F9C];
	s0 =	simm.s32 @p1 $0x1  }
0x15: {  	[smem:$0x3FB9] =	sst s0;
	s0 =	simm.s32 @!p2 $0x0  }
0x16: {  	s3 =	sld [smem:$0x3FDB];
	s0 =	simm.s32 @p2 $0x1  }
0x17: {  	s4 =	simm.s32 $0x1BF5;
	[smem:$0x3FBB] =	sst s0  }
0x18: {  	s0 =	sld [smem:$0x3F9E];
	_ =	swait.ge [sflag:s4], $0x0  }
0x19: {  	s7 =	sld [smem:$0x3F9F]  }
0x1a: {  	s8 =	sadd.s32 $0xFFFFE003, lr  }
0x1b: {  	s9 =	sadd.s32 $0xFFFFFEF7, lr;
	s5 =	simm.s32 $0xFFFFFFFF;
	p2 =	slt.u32 s8, $0xFFFFF086  }
0x1c: {  	p1 =	slt.u32 s9, $0xF7A;
	s5 =	simm.s32 @!p2 $0x0  }
0x1d: {  	s5 =	simm.s32 @p1 $0x1;
	p0 =	seq.s32 s7, s2  }
0x1e: {  	s7 =	smul.u32 @!p0 $0xF7A, s2;
	p2 =	seq.s32 @!p0 s5, $0x0  }
0x1f: {  	s9 =	smul.u32 $0xF7A, s1;
	s8 =	simm.s32 @!p0 $0x1BF5;
	p2 =	por !p2, p0  }
0x20: {  	[sflag:s8] =	ssyncset.s32 @!p0 $0xFFFFF086;
	s6 =	sadd.s32 @!p0 s3, s7;
	s7 =	simm.s32 @!p0 $0x108  }
0x21: {  	s3 =	sadd.s32 s3, s9;
	s6 =	sadd.s32 @!p0 $0x88, s6;
	s7 =	simm.s32 @p2 $0x1082  }
0x22: {  	[simem:s7], [sflag:s8] =	dma.local @!p0 [hbm:s6], $0xF7A  }
0x23: {  	s9 =	sor.u32 $0xD0000000, s2;
	s6 =	simm.s32 $0x108;
	_ =	swait.ge @!p0 [sflag:s8], $0x0  }
0x24: {  	s3 =	sadd.s32 $0x88, s3;
	s6 =	simm.s32 @!p1 $0x1082;
	[sflag:s4] =	ssyncset.s32 $0xFFFFF086  }
0x25: {  	[simem:s6], [sflag:s4] =	dma.local [hbm:s3], $0xF7A  }
0x26: {  	[smem:$0x3F9F] =	sst s1;
	(tag) =	ssettag s2;
	_ =	strace s9  }
0x27: {  	s1 =	sld [smem:$0x3FAF]  }
0x28: {  	s2 =	sld [smem:$0x3FB0]  }
0x29: {  	s4 =	sld [smem:$0x3FB2]  }
0x2a: {  	p0 =	seq.s32 s5, $0x0;
	s5 =	sld [smem:$0x3FB3]  }
0x2b: {  	s6 =	sld [smem:$0x3FB4]  }
0x2c: {  	s7 =	sld [smem:$0x3FB5]  }
0x2d: {  	s3 =	simm.s32 $0x108;
	s8 =	sld [smem:$0x3FB6]  }
0x2e: {  	s3 =	simm.s32 @!p0 $0x1082;
	s9 =	sld [smem:$0x3FB7]  }
0x2f: {  	lr =	sadd.s32 s0, s3;
	s0 =	sld [smem:$0x3FAE]  }
0x30: {  	s3 =	sld [smem:$0x3FB1]  }
0x31: {  	[smem:$0x3FBA] =	sst s10  }
0x32: {  	s10 =	sld [smem:$0x3FB8];
	_ =	sdelay $0x3  }
0x33: {  	p0 =	seq.s32 s10, $0x1;
	s10 =	sld [smem:$0x3FBA];
	_ =	sdelay $0x3  }
0x34: {  	[smem:$0x3FBA] =	sst s10  }
0x35: {  	s10 =	sld [smem:$0x3FB9];
	_ =	sdelay $0x3  }
0x36: {  	p1 =	seq.s32 s10, $0x1;
	s10 =	sld [smem:$0x3FBA];
	_ =	sdelay $0x3  }
0x37: {  	[smem:$0x3FBA] =	sst s10  }
0x38: {  	s10 =	sld [smem:$0x3FBB]  }
0x39: {  	_ = 	snop;
	(pc) =	sbr.ind lr, $3  }
0x3a: {  	_ = 	snop  }
0x3b: {  	_ = 	snop  }
0x3c: {  	p2 =	seq.s32 s10, $0x1;
	s10 =	sld [smem:$0x3FBA]  }
0x3d: {  	_ =	shalt  }
0x3e: {  	_ =	shalt  }
0x3f: {  	_ =	shalt  }
0x40: {  	_ =	shalt  }
0x41: {  	_ =	shalt  }
0x42: {  	_ =	shalt  }
0x43: {  	_ =	shalt  }
0x44: {  	_ =	shalt  }
0x45: {  	_ =	shalt  }
0x46: {  	_ =	shalt  }
0x47: {  	_ =	shalt  }
0x48: {  	_ =	shalt  }
0x49: {  	_ =	shalt  }
0x4a: {  	_ =	shalt  }
0x4b: {  	_ =	shalt  }
0x4c: {  	_ =	shalt  }
0x4d: {  	_ =	shalt  }
0x4e: {  	_ =	shalt  }
0x4f: {  	_ =	shalt  }
0x50: {  	_ =	shalt  }
0x51: {  	_ =	shalt  }
0x52: {  	_ =	shalt  }
0x53: {  	_ =	shalt  }
0x54: {  	_ =	shalt  }
0x55: {  	_ =	shalt  }
0x56: {  	_ =	shalt  }
0x57: {  	_ =	shalt  }
0x58: {  	_ =	shalt  }
0x59: {  	_ =	shalt  }
0x5a: {  	_ =	shalt  }
0x5b: {  	_ =	shalt  }
0x5c: {  	_ =	shalt  }
0x5d: {  	_ =	shalt  }
0x5e: {  	_ =	shalt  }
0x5f: {  	_ =	shalt  }
0x60: {  	_ =	shalt  }
0x61: {  	_ =	shalt  }
0x62: {  	_ =	shalt  }
0x63: {  	_ =	shalt  }
0x64: {  	_ =	shalt  }
0x65: {  	_ =	shalt  }
0x66: {  	_ =	shalt  }
0x67: {  	_ =	shalt  }
0x68: {  	_ =	shalt  }
0x69: {  	_ =	shalt  }
0x6a: {  	_ =	shalt  }
0x6b: {  	_ =	shalt  }
0x6c: {  	_ =	shalt  }
0x6d: {  	_ =	shalt  }
0x6e: {  	_ =	shalt  }
0x6f: {  	_ =	shalt  }
0x70: {  	_ =	shalt  }
0x71: {  	_ =	shalt  }
0x72: {  	_ =	shalt  }
0x73: {  	_ =	shalt  }
0x74: {  	_ =	shalt  }
0x75: {  	_ =	shalt  }
0x76: {  	_ =	shalt  }
0x77: {  	_ =	shalt  }
0x78: {  	_ =	shalt  }
0x79: {  	_ =	shalt  }
0x7a: {  	_ =	shalt  }
0x7b: {  	_ =	shalt  }
0x7c: {  	_ =	shalt  }
0x7d: {  	_ =	shalt  }
0x7e: {  	_ =	shalt  }
0x7f: {  	_ =	shalt  }
0x80: {  	_ =	shalt  }
0x81: {  	_ =	shalt  }
0x82: {  	_ =	shalt  }
0x83: {  	_ =	shalt  }
0x84: {  	_ =	shalt  }
0x85: {  	_ =	shalt  }
0x86: {  	_ =	shalt  }
0x87: {  	_ =	shalt  }
.Lfunc_end0:
.L_simem_size_0:
called_computation_lowered:
.L_overlay_start_0:
0x88: {  	s2 =	sld [smem:$0x3FD9]  }
0x89: {  	s3 =	sld [smem:$0x3FFE];
	_ =	sdelay $0x1  }
0x8a: {  	s1 =	srdreg.scid  }
0x8b: {  	s0 =	sand.u32 $0x1, s1  }
0x8c: {  	s17 =	sshll.u32 s0, $0xA;
	s2 =	sadd.s32 s3, s2  }
0x8d: {  	s2 =	sadd.s32 s2, s17  }
0x8e: {  	[smem:$0x3FC6] =	sst s2  }
0x8f: {  	_ = 	snop  }
0x90: {  	s2 =	sld [smem:$0x3FD0];
	(tm) =	ssettm $0x1  }
0x91: {  	s18 =	sld [smem:$0x3FFB];
	_ =	sdelay $0x3  }
0x92: {  	_ =	strace s18  }
0x93: {  	s3 =	sld [smem:$0x3FFC];
	_ =	sdelay $0x3  }
0x94: {  	_ =	strace s3  }
0x95: {  	s3 =	sld [smem:$0x3FFD];
	_ =	sdelay $0x3  }
0x96: {  	_ =	strace s3  }
0x97: {  	_ =	strace $0x8FFFFFFF  }
0x98: {  	s19 =	sld [smem:$0x3FDB];
	_ =	sdelay $0x1  }
0x99: {  	s4 =	simm.s32 $_scs_section_size  }
0x9a: {  	s5 =	simm.s32 $_size__tile_overlayer_lowered;
	s6 =	simm.s32 $_tile_overlayer_lowered  }
0x9b: {  	s22 =	simm.s32 $0x1BFF;
	s21 =	sshll.u32 s6, $0x1;
	s3 =	sadd.s32 s4, s19  }
0x9c: {  	s7 =	simm.s32 $0x0;
	s20 =	sshll.u32 s5, $0x1;
	s5 =	sadd.s32 s21, s3  }
0x9d: {  	[timem:s7], [sflag:s22] =	dma.local [hbm:s5], s20  }
0x9e: {  	_ =	swait.ge [sflag:s22], s20  }
0x9f: {  	s4 =	ssub.s32 $0x0, s20;
	[sflag:s22] =	ssyncset.done $0x0  }
0xa0: {  	[sflag:s22] =	ssyncadd.s32 s4;
	_ =	sdelay $0x1  }
0xa1: {  	s23 =	simm.s32 $0x1B8B  }
0xa2: {  	_ =	swait.ge [sflag:s23], $0x1  }
0xa3: {  	[sflag:s23] =	ssyncset.done $0x0  }
0xa4: {  	s25 =	simm.s32 $0x1B8E;
	s24 =	sld [smem:$0x3FFE];
	[sflag:s23] =	ssyncadd.s32 $0xFFFFFFFF  }
0xa5: {  	s26 =	simm.s32 $execute0_lowered;
	[smem:$0x3FD2] =	sst s25  }
0xa6: {  	s5 =	sshll.u32 s26, $0x1;
	_ =	strace $0x80000046;
	[dreg:$0x1] =	wrdreg $0xFFFFFFFF  }
0xa7: {  	s28 =	simm.s32 $_size_execute0_lowered;
	s3 =	sadd.s32 s3, s5;
	[dreg:$0x0] =	wrdreg $0x0  }
0xa8: {  	s5 =	sshll.u32 s28, $0x1;
	[dreg:$0x2] =	wrdreg s3  }
0xa9: {  	[dreg:$0x3] =	wrdreg s5  }
0xaa: {  	[dreg:$0x4] =	wrdreg $0xC0  }
0xab: {  	_ =	task [dreg:s7], $0x5FFFF  }
0xac: {  	[dreg:$0x1] =	wrdreg $0xFFFFFFFF  }
0xad: {  	[dreg:$0x0] =	wrdreg $0x60  }
0xae: {  	[dreg:$0x2] =	wrdreg s24  }
0xaf: {  	[dreg:$0x3] =	wrdreg s2  }
0xb0: {  	[dreg:$0x4] =	wrdreg $0x9  }
0xb1: {  	_ =	task.clear_ibuf [dreg:s7], $0x5FFFF;
	_ =	strace $0x90000046  }
0xb2: {  	s29 =	simm.s32 $0x9;
	_ =	strace $0x80000048  }
0xb3: {  	_ =	swait.ge [sflag:s29], $0x1  }
0xb4: {  	[sflag:s29] =	ssyncadd.s32 $0xFFFFFFFF  }
0xb5: {  	_ =	strace $0x90000048  }
0xb6: {  	_ =	sfence  }
0xb7: {  	s30 =	sld [smem:$0x0];
	_ =	sdelay $0x2  }
0xb8: {  	s31 =	sshll.u32 s1, $0xD;
	s1 =	sshrl.u32 s1, $0x2  }
0xb9: {  	s3 =	sand.u32 $0x4000, s31;
	s1 =	sadd.s32 s1, s30  }
0xba: {  	s0 =	sor.u32 s3, s0;
	s1 =	sshll.u32 s1, $0x11  }
0xbb: {  	s0 =	sor.u32 s1, s0  }
0xbc: {  	s0 =	sadd.s32 $0x8F2B, s0  }
0xbd: {  	[sflag:s0] =	ssyncadd.remote.s32 $0x1  }
0xbe: {  	_ =	sfence.sel $0xFFFF  }
0xbf: {  	[dreg:$0x0] =	wrdreg $0xFFFFFFFF;
	(pc) =	sbr.abs _section_cstart, $3  }
0xc0: {  	[dreg:$0x1] =	wrdreg $0xFFFFFFFF  }
0xc1: {  	_ =	task.clear_ibuf [dreg:s7], $0x2FFFF;
	_ =	strace $0x9FFFFFFF  }
0xc2: {  	(tm) =	ssettm $0x7FFFFFFF  }
0xc3: {  	_ =	shalt  }
tec
execute0_lowered:
.L_overlay_start_1:
0x0: {  	(tag) =	ssettag $0x1  }
0x1: {  	s0 =	rddreg [dreg:$0x0]  }
0x2: {  	s1 =	srdreg.scid;
	s2 =	rddreg [dreg:$0x1]  }
0x3: {  	s3 =	stileid.u32;
	s11 =	simm.s32 $0x80;
	s18 =	simm.s32 $0x1  }
0x4: {  	s19 =	simm.s32 $0xA400;
	s28 =	simm.s32 $0x2;
	s29 =	simm.s32 $0xB500  }
0x5: {  	s16 =	simm.s32 $0x3;
	s8 =	simm.s32 $0xC600;
	s30 =	simm.s32 $0x4  }
0x6: {  	s31 =	simm.s32 $0xD700;
	s12 =	simm.s32 $0xE2B0;
	s13 =	simm.s32 $0xE338  }
0x7: {  	s14 =	simm.s32 $0xE3C0;
	s15 =	simm.s32 $0xE448;
	s10 =	simm.s32 $0xE5E0  }
0x8: {  	v0 =	vlaneseq.u32;
	s17 =	simm.s32 $0xE668;
	s20 =	simm.s32 $0xE6F0;
	s21 =	simm.s32 $0xE778  }
0x9: {  	v1 =	vimm.s32 $0x0;
	vm0 =	vcmask $0x300;
	s9 =	simm.s32 $0x0;
	s1 =	sand.u32 $0x1, s1;
	s4 =	sshll.u32 s3, $0x3;
	v0 =	vmul.u32 $0x88, v0  }
0xa: {  	s3 =	simm.s32 $0x0;
	v1 =	vsel vm0, $0x3, v1;
	s5 =	sshll.u32 s1, $0x2;
	s1 =	ssub.s32 $0x2, s1  }
.Ltmp0:
0xb: {  	s4 =	sor.u32 s5, s4;
	s6 =	sshrl.u32 s1, $0x1;
	v2 =	vadd.s32 $0x880, v0;
	v3 =	vor.u32 $0x1, v0;
	v4 =	vadd.s32 $0x881, v0;
	(pc) =	sbr.rel .LBB2_1-.Ltmp0, $4  }
0xc: {  	[smem:$0x7FF] =	sst s3;
	v5 =	vor.u32 $0x2, v0;
	v6 =	vadd.s32 $0x882, v0;
	v7 =	vor.u32 $0x3, v0;
	s5 =	sshll.u32 s4, $0x4;
	s1 =	ssub.s32 s1, s6  }
0xd: {  	_ =	strace $0x80000047;
	v8 =	vadd.s32 $0x883, v0;
	v9 =	vor.u32 $0x4, v0;
	v10 =	vadd.s32 $0x884, v0;
	s7 =	sadd.s32 s5, s0;
	s26 =	smax.u32 s1, $0x1  }
0xe: {  	v11 =	vor.u32 $0x5, v0;
	v12 =	vadd.s32 $0x885, v0;
	v13 =	vor.u32 $0x6, v0;
	s6 =	simm.s32 $0xE4D0;
	s25 =	sadd.s32 $0x600, s7;
	[dreg:$0x4] =	wrdreg s26  }
0xf: {  	v14 =	vadd.s32 $0x886, v0;
	v15 =	vor.u32 $0x7, v0;
	v16 =	vadd.s32 $0x887, v0;
	s5 =	sadd.s32 $0xF42A00, s0;
	s7 =	simm.s32 $0xE558;
	[dreg:$0x3] =	wrdreg s25  }
.LBB2_12:
0x10: {  	s0 =	simm.s32 $0x5  }
0x11: {  	_ =	swait.ge [sflag:s0], $0x400  }
0x12: {  	[sflag:s0] =	ssyncset.done $0x0  }
0x13: {  	[sflag:s0] =	ssyncadd.s32 $0xFFFFFC00  }
0x14: {  	_ =	swait.ge [sflag:s0], $0x400  }
0x15: {  	[sflag:s0] =	ssyncset.done $0x0  }
0x16: {  	[sflag:s0] =	ssyncadd.s32 $0xFFFFFC00  }
0x17: {  	_ =	swait.ge [sflag:s0], $0x400  }
0x18: {  	[sflag:s0] =	ssyncset.done $0x0  }
0x19: {  	[sflag:s0] =	ssyncadd.s32 $0xFFFFFC00  }
0x1a: {  	_ =	swait.ge [sflag:s0], $0x400  }
0x1b: {  	[sflag:s0] =	ssyncset.done $0x0  }
0x1c: {  	s24 =	simm.s32 $0x6;
	[sflag:s0] =	ssyncadd.s32 $0xFFFFFC00  }
0x1d: {  	_ =	swait.ge [sflag:s24], $0x400  }
0x1e: {  	[sflag:s24] =	ssyncset.done $0x0  }
0x1f: {  	[sflag:s24] =	ssyncadd.s32 $0xFFFFFC00  }
0x20: {  	_ =	swait.ge [sflag:s24], $0x400  }
0x21: {  	[sflag:s24] =	ssyncset.done $0x0  }
0x22: {  	[sflag:s24] =	ssyncadd.s32 $0xFFFFFC00  }
0x23: {  	_ =	swait.ge [sflag:s24], $0x400  }
0x24: {  	[sflag:s24] =	ssyncset.done $0x0  }
0x25: {  	[sflag:s24] =	ssyncadd.s32 $0xFFFFFC00  }
0x26: {  	_ =	swait.ge [sflag:s24], $0x400  }
0x27: {  	[sflag:s24] =	ssyncset.done $0x0  }
0x28: {  	s25 =	simm.s32 $0x7;
	[sflag:s24] =	ssyncadd.s32 $0xFFFFFC00  }
0x29: {  	_ =	swait.ge [sflag:s25], $0x400  }
0x2a: {  	[sflag:s25] =	ssyncset.done $0x0  }
0x2b: {  	[sflag:s25] =	ssyncadd.s32 $0xFFFFFC00  }
0x2c: {  	_ =	swait.ge [sflag:s25], $0x400  }
0x2d: {  	[sflag:s25] =	ssyncset.done $0x0  }
0x2e: {  	[sflag:s25] =	ssyncadd.s32 $0xFFFFFC00  }
0x2f: {  	_ =	swait.ge [sflag:s25], $0x400  }
0x30: {  	[sflag:s25] =	ssyncset.done $0x0  }
0x31: {  	[sflag:s25] =	ssyncadd.s32 $0xFFFFFC00  }
0x32: {  	_ =	swait.ge [sflag:s25], $0x400  }
0x33: {  	[sflag:s25] =	ssyncset.done $0x0  }
0x34: {  	s1 =	simm.s32 $0x8;
	[sflag:s25] =	ssyncadd.s32 $0xFFFFFC00  }
0x35: {  	_ =	swait.ge [sflag:s1], $0x400  }
0x36: {  	[sflag:s1] =	ssyncset.done $0x0  }
0x37: {  	[sflag:s1] =	ssyncadd.s32 $0xFFFFFC00  }
0x38: {  	_ =	swait.ge [sflag:s1], $0x400  }
0x39: {  	[sflag:s1] =	ssyncset.done $0x0  }
0x3a: {  	[sflag:s1] =	ssyncadd.s32 $0xFFFFFC00  }
0x3b: {  	_ =	swait.ge [sflag:s1], $0x400  }
0x3c: {  	[sflag:s1] =	ssyncset.done $0x0  }
0x3d: {  	[sflag:s1] =	ssyncadd.s32 $0xFFFFFC00  }
0x3e: {  	_ =	swait.ge [sflag:s1], $0x400  }
0x3f: {  	s9 =	rddreg [dreg:$0x5]  }
0x40: {  	s26 =	rddreg [dreg:$0x4];
	s9 =	sadd.s32 $0x1, s9  }
0x41: {  	p0 =	sne.s32 s9, s26  }
.Ltmp1:
0x42: {  	_ = 	snop;
	(pc) =	sbr.rel @!p0 .LBB2_13-.Ltmp1, $3  }
0x43: {  	_ =	sdelay $0x1  }
0x44: {  	[sflag:s1] =	ssyncset.done $0x0  }
0x45: {  	[sflag:s1] =	ssyncadd.s32 $0xFFFFFC00  }
.LBB2_1:
0x46: {  	[dreg:$0x5] =	wrdreg s9  }
0x47: {  	s0 =	rddreg [dreg:$0x3]  }
0x48: {  	s1 =	simm.s32 $0x200;
	s25 =	simm.s32 $0x4000;
	s26 =	simm.s32 $0x9  }
0x49: {  	[tilespmem:s3], [sflag:$0x9] =	stream.strided.gather [hbm4b:s0+s1], $0x6400, s25, s1, $0x38;
	[tilespmem:$0xE800] =	vst v63  }
0x4a: {  	_ =	swait.ge [sflag:s26], $0x6400  }
0x4b: {  	[sflag:s26] =	ssyncset.done $0x0  }
0x4c: {  	s9 =	simm.s32 $0x6400;
	[sflag:s26] =	ssyncadd.s32 $0xFFFF9C00  }
0x4d: {  	[tilespmem:s9], [sflag:$0x1] =	stream.indirect.gather [hbm4b:s5+s11], $0x20, s3, s11, $0xb8;
	[tilespmem:$0xE800] =	vst v63  }
0x4e: {  	s22 =	simm.s32 $0x7400  }
0x4f: {  	[tilespmem:s22], [sflag:$0x2] =	stream.indirect.gather [hbm4b:s5+s11], $0x20, s1, s11, $0xb8;
	[tilespmem:$0xE800] =	vst v63  }
0x50: {  	s23 =	simm.s32 $0x400;
	s24 =	simm.s32 $0x8400  }
0x51: {  	[tilespmem:s24], [sflag:$0x3] =	stream.indirect.gather [hbm4b:s5+s11], $0x20, s23, s11, $0xb8;
	[tilespmem:$0xE800] =	vst v63  }
0x52: {  	s25 =	simm.s32 $0x600;
	s26 =	simm.s32 $0x9400;
	s22 =	simm.s32 $0x0  }
0x53: {  	[tilespmem:s26], [sflag:$0x4] =	stream.indirect.gather [hbm4b:s5+s11], $0x20, s25, s11, $0xb8;
	[tilespmem:$0xE800] =	vst v63  }
.LBB2_2:
0x54: {  	_ =	swait.ge [sflag:s18], $0x1000  }
0x55: {  	p0 =	seq.s32 s22, $0x0;
	[sflag:s18] =	ssyncset.done $0x0  }
0x56: {  	s0 =	simm.s32 @!p0 $0x5;
	[sflag:s18] =	ssyncadd.s32 $0xFFFFF000  }
0x57: {  	_ =	swait.ge @!p0 [sflag:s0], $0x400  }
0x58: {  	[sflag:s0] =	ssyncset.done @!p0 $0x0  }
0x59: {  	[sflag:s0] =	ssyncadd.s32 @!p0 $0xFFFFFC00  }
0x5a: {  	s1 =	simm.s32 $0x0;
	_ =	swait.ge @!p0 [sflag:s0], $0x400  }
0x5b: {  	s24 =	simm.s32 $0x1;
	s23 =	simm.s32 $0x2;
	[sflag:s0] =	ssyncset.done @!p0 $0x0  }
0x5c: {  	s25 =	simm.s32 $0x3;
	s26 =	simm.s32 $0x4;
	v17 =	vmov s1;
	[sflag:s0] =	ssyncadd.s32 @!p0 $0xFFFFFC00  }
0x5d: {  	s9 =	simm.s32 $0x5;
	v18 =	vmov s24;
	v19 =	vmov s23;
	s24 =	simm.s32 $0x7;
	v20 =	vmov s25;
	_ =	swait.ge @!p0 [sflag:s0], $0x400  }
0x5e: {  	v21 =	vmov s26;
	v23 =	vmov s9;
	v22 =	vmov s24;
	[sflag:s0] =	ssyncset.done @!p0 $0x0  }
0x5f: {  	v17 =	vshrl.u32 v17, $0x3;
	v18 =	vshrl.u32 v18, $0x3;
	v22 =	vshrl.u32 v22, $0x3;
	[sflag:s0] =	ssyncadd.s32 @!p0 $0xFFFFFC00  }
0x60: {  	v19 =	vshrl.u32 v19, $0x3;
	v20 =	vshrl.u32 v20, $0x3;
	v22 =	vshll.u32 v22, v1;
	_ =	swait.ge @!p0 [sflag:s0], $0x400  }
0x61: {  	s24 =	simm.s32 $0x6;
	v17 =	vshll.u32 v17, v1;
	v18 =	vshll.u32 v18, v1;
	v25 =	vbroadcast v22, $0x0;
	[sflag:s0] =	ssyncset.done @!p0 $0x0  }
0x62: {  	v24 =	vmov s24;
	s24 =	simm.s32 $0x6480;
	v17 =	vbroadcast v17, $0x0;
	v32 =	vbroadcast v18, $0x0;
	[sflag:s0] =	ssyncadd.s32 @!p0 $0xFFFFFC00  }
0x63: {  	v18 =	vshll.u32 v19, v1;
	v22 =	vshrl.u32 v21, $0x3;
	v26 =	vadd.s32 v15, v25;
	v19 =	vld [tilespmem:s24+$0x60]  }
0x64: {  	v37 =	vbroadcast v18, $0x0;
	v18 =	vshll.u32 v20, v1;
	v28 =	vadd.s32 v0, v17;
	v27 =	vld [tilespmem:s24+$0xFFFFFF80]  }
0x65: {  	v30 =	vadd.s32 v3, v32;
	v21 =	vbroadcast v18, $0x0;
	v18 =	vshll.u32 v22, v1;
	v29 =	vld [tilespmem:s24+$0xFFFFFFA0]  }
0x66: {  	v33 =	vadd.s32 v5, v37;
	v20 =	vbroadcast v18, $0x0;
	v18 =	vshrl.u32 v23, $0x3;
	v31 =	vld [tilespmem:s24+$0xFFFFFFC0]  }
0x67: {  	v23 =	vshrl.u32 v24, $0x3;
	v39 =	vadd.s32 v7, v21;
	v18 =	vshll.u32 v18, v1;
	v34 =	vld [tilespmem:s24+$0xFFFFFFE0]  }
0x68: {  	s26 =	simm.s32 $0x9;
	v41 =	vadd.s32 v9, v20;
	v22 =	vbroadcast v18, $0x0;
	v18 =	vshll.u32 v23, v1;
	v40 =	vld [tilespmem:s24+$0x0];
	[tilespmem:v26+s19+$0x0] =	vst.idx.msk $0xffff, v19  }
0x69: {  	s1 =	simm.s32 $0xA;
	v36 =	vmov s26;
	v25 =	vadd.s32 v16, v25;
	v23 =	vbroadcast v18, $0x0;
	[tilespmem:v28+s19+$0x0] =	vst.idx.msk $0xffff, v27;
	v24 =	vld [tilespmem:s24+$0x70]  }
0x6a: {  	s25 =	simm.s32 $0x8;
	v38 =	vmov s1;
	v35 =	vadd.s32 v4, v32;
	[tilespmem:v30+s19+$0x0] =	vst.idx.msk $0xffff, v29;
	v26 =	vld [tilespmem:s24+$0x20];
	v27 =	vadd.s32 v11, v22  }
0x6b: {  	s9 =	simm.s32 $0xB;
	s23 =	simm.s32 $0xC;
	v37 =	vadd.s32 v6, v37;
	v19 =	vmov s25;
	[tilespmem:v33+s19+$0x0] =	vst.idx.msk $0xffff, v31;
	v29 =	vld [tilespmem:s24+$0x40];
	v30 =	vadd.s32 v13, v23  }
0x6c: {  	s26 =	simm.s32 $0xE;
	v28 =	vmov s9;
	s25 =	simm.s32 $0xD;
	v31 =	vmov s23;
	[tilespmem:v39+s19+$0x0] =	vst.idx.msk $0xffff, v34;
	v19 =	vshrl.u32 v19, $0x3;
	v33 =	vld [tilespmem:s24+$0xFFFFFFB0]  }
0x6d: {  	s0 =	simm.s32 $0xF;
	s23 =	sshll.u32 s22, $0x2;
	[tilespmem:v41+s19+$0x0] =	vst.idx.msk $0xffff, v40;
	v18 =	vmov s25;
	s25 =	simm.s32 $0x10;
	v34 =	vld [tilespmem:s24+$0xFFFFFFD0];
	v32 =	vshll.u32 v19, v1;
	v19 =	vmov s26  }
.LBB2_3:
0x6e: {  	p1 =	slt.u32 s25, $0x78;
	v36 =	vshrl.u32 v36, $0x3;
	v39 =	vmov s0;
	v40 =	vld [tilespmem:s24+$0xFFFFFFF0];
	v21 =	vadd.s32 v8, v21;
	[tilespmem:v25+s19+$0x0] =	vst.idx.msk $0xffff, v24  }
0x6f: {  	v24 =	vshrl.u32 v38, $0x3;
	v20 =	vadd.s32 v10, v20;
	v25 =	vshrl.u32 v39, $0x3;
	v38 =	vld [tilespmem:s24+$0x10];
	[tilespmem:v27+s19+$0x0] =	vst.idx.msk $0xffff, v26  }
0x70: {  	v22 =	vadd.s32 v12, v22;
	v26 =	vshrl.u32 v28, $0x3;
	v25 =	vshll.u32 v25, v1;
	v27 =	vld [tilespmem:s24+$0x30];
	[tilespmem:v30+s19+$0x0] =	vst.idx.msk $0xffff, v29  }
0x71: {  	v23 =	vadd.s32 v14, v23;
	v28 =	vshrl.u32 v31, $0x3;
	v25 =	vbroadcast v25, $0x0;
	[tilespmem:v35+s19+$0x0] =	vst.idx.msk $0xffff, v33;
	v29 =	vld [tilespmem:s24+$0x50]  }
0x72: {  	v30 =	vshll.u32 v36, v1;
	v33 =	vadd.s32 v2, v17;
	v17 =	vbroadcast v32, $0x0;
	v31 =	vld [tilespmem:s24+$0xFFFFFF90];
	[tilespmem:v37+s19+$0x0] =	vst.idx.msk $0xffff, v34;
	s24 =	sadd.s32 $0x100, s24  }
0x73: {  	v24 =	vshll.u32 v24, v1;
	v32 =	vbroadcast v30, $0x0;
	v30 =	vld [tilespmem:s24+$0x60];
	v34 =	vadd.s32 v15, v25;
	[tilespmem:v21+s19+$0x0] =	vst.idx.msk $0xffff, v40  }
0x74: {  	v37 =	vbroadcast v24, $0x0;
	v36 =	vadd.s32 v0, v17;
	v21 =	vshll.u32 v26, v1;
	v35 =	vld [tilespmem:s24+$0xFFFFFF80];
	[tilespmem:v20+s19+$0x0] =	vst.idx.msk $0xffff, v38  }
0x75: {  	v38 =	vadd.s32 v3, v32;
	v21 =	vbroadcast v21, $0x0;
	v20 =	vshll.u32 v28, v1;
	v26 =	vld [tilespmem:s24+$0xFFFFFFA0];
	[tilespmem:v22+s19+$0x0] =	vst.idx.msk $0xffff, v27  }
0x76: {  	v18 =	vshrl.u32 v18, $0x3;
	v40 =	vadd.s32 v5, v37;
	v20 =	vbroadcast v20, $0x0;
	v39 =	vld [tilespmem:s24+$0xFFFFFFC0];
	[tilespmem:v23+s19+$0x0] =	vst.idx.msk $0xffff, v29  }
0x77: {  	v19 =	vshrl.u32 v19, $0x3;
	v18 =	vshll.u32 v18, v1;
	v42 =	vadd.s32 v7, v21;
	v41 =	vld [tilespmem:s24+$0xFFFFFFE0];
	[tilespmem:v33+s19+$0x0] =	vst.idx.msk $0xffff, v31  }
0x78: {  	v22 =	vbroadcast v18, $0x0;
	v18 =	vshll.u32 v19, v1;
	v44 =	vadd.s32 v9, v20;
	v43 =	vld [tilespmem:s24+$0x0];
	[tilespmem:v34+s19+$0x0] =	vst.idx.msk $0xffff, v30  }
.Ltmp2:
0x79: {  	s0 =	sadd.s32 $0x1, s25;
	v25 =	vadd.s32 v16, v25;
	v19 =	vmov s25;
	v23 =	vbroadcast v18, $0x0;
	[tilespmem:v36+s19+$0x0] =	vst.idx.msk $0xffff, v35;
	v24 =	vld [tilespmem:s24+$0x70];
	(pc) =	sbr.rel @p1 .LBB2_3-.Ltmp2, $4  }
0x7a: {  	s1 =	sadd.s32 $0x3, s25;
	v19 =	vshrl.u32 v19, $0x3;
	v27 =	vadd.s32 v11, v22;
	v36 =	vmov s0;
	s0 =	sadd.s32 $0x2, s25;
	[tilespmem:v38+s19+$0x0] =	vst.idx.msk $0xffff, v26;
	v26 =	vld [tilespmem:s24+$0x20]  }
0x7b: {  	v28 =	vmov s1;
	s1 =	sadd.s32 $0x5, s25;
	v30 =	vadd.s32 v13, v23;
	v38 =	vmov s0;
	s0 =	sadd.s32 $0x4, s25;
	[tilespmem:v40+s19+$0x0] =	vst.idx.msk $0xffff, v39;
	v29 =	vld [tilespmem:s24+$0x40]  }
0x7c: {  	v18 =	vmov s1;
	v35 =	vadd.s32 v4, v32;
	v31 =	vmov s0;
	s0 =	sadd.s32 $0x6, s25;
	v33 =	vld [tilespmem:s24+$0xFFFFFFB0];
	[tilespmem:v42+s19+$0x0] =	vst.idx.msk $0xffff, v41  }
0x7d: {  	v37 =	vadd.s32 v6, v37;
	v32 =	vshll.u32 v19, v1;
	v19 =	vmov s0;
	s0 =	sadd.s32 $0x7, s25;
	s25 =	sadd.s32 $0x8, s25;
	v34 =	vld [tilespmem:s24+$0xFFFFFFD0];
	[tilespmem:v44+s19+$0x0] =	vst.idx.msk $0xffff, v43  }
0x7e: {  	_ =	sdelay $0x2  }
0x7f: {  	v36 =	vshrl.u32 v36, $0x3  }
0x80: {  	v39 =	vmov s0;
	v40 =	vld [tilespmem:s24+$0xFFFFFFF0];
	v21 =	vadd.s32 v8, v21;
	[tilespmem:v25+s19+$0x0] =	vst.idx.msk $0xffff, v24;
	v24 =	vshrl.u32 v38, $0x3  }
0x81: {  	v49 =	vld [tilespmem:s24+$0x10];
	v20 =	vadd.s32 v10, v20;
	v22 =	vadd.s32 v12, v22;
	v25 =	vshrl.u32 v39, $0x3;
	[tilespmem:v27+s19+$0x0] =	vst.idx.msk $0xffff, v26  }
0x82: {  	v50 =	vld [tilespmem:s24+$0xFFFFFF90];
	v17 =	vadd.s32 v2, v17;
	v26 =	vshrl.u32 v28, $0x3;
	v25 =	vshll.u32 v25, v1;
	[tilespmem:v30+s19+$0x0] =	vst.idx.msk $0xffff, v29  }
0x83: {  	v28 =	vshrl.u32 v31, $0x3;
	v31 =	vshll.u32 v36, v1;
	v27 =	vld [tilespmem:s24+$0x30];
	v25 =	vbroadcast v25, $0x0;
	[tilespmem:v35+s19+$0x0] =	vst.idx.msk $0xffff, v33  }
0x84: {  	v23 =	vadd.s32 v14, v23;
	v18 =	vshrl.u32 v18, $0x3;
	v31 =	vbroadcast v31, $0x0;
	v29 =	vld [tilespmem:s24+$0x50];
	s24 =	sadd.s32 $0x100, s24;
	[tilespmem:v37+s19+$0x0] =	vst.idx.msk $0xffff, v34  }
0x85: {  	v30 =	vbroadcast v32, $0x0;
	v28 =	vshll.u32 v28, v1;
	v51 =	vld [tilespmem:s24+$0x60];
	v52 =	vadd.s32 v15, v25;
	[tilespmem:v21+s19+$0x0] =	vst.idx.msk $0xffff, v40  }
0x86: {  	v24 =	vshll.u32 v24, v1;
	v28 =	vbroadcast v28, $0x0;
	v54 =	vadd.s32 v3, v31;
	[tilespmem:v20+s19+$0x0] =	vst.idx.msk $0xffff, v49;
	v20 =	vld [tilespmem:s24+$0xFFFFFFA0]  }
0x87: {  	v24 =	vbroadcast v24, $0x0;
	v26 =	vshll.u32 v26, v1;
	v53 =	vadd.s32 v0, v30;
	v21 =	vld [tilespmem:s24+$0xFFFFFF80];
	[tilespmem:v17+s19+$0x0] =	vst.idx.msk $0xffff, v50  }
0x88: {  	v18 =	vshll.u32 v18, v1;
	v26 =	vbroadcast v26, $0x0;
	v17 =	vld [tilespmem:s24+$0x0];
	v55 =	vadd.s32 v9, v28;
	[tilespmem:v22+s19+$0x0] =	vst.idx.msk $0xffff, v27  }
0x89: {  	v18 =	vbroadcast v18, $0x0;
	v22 =	vld [tilespmem:s24+$0xFFFFFFC0];
	v27 =	vadd.s32 v5, v24;
	[tilespmem:v23+s19+$0x0] =	vst.idx.msk $0xffff, v29  }
0x8a: {  	v19 =	vshrl.u32 v19, $0x3;
	v23 =	vld [tilespmem:s24+$0xFFFFFFE0];
	v29 =	vadd.s32 v7, v26;
	[tilespmem:v52+s19+$0x0] =	vst.idx.msk $0xffff, v51  }
0x8b: {  	v19 =	vshll.u32 v19, v1;
	v56 =	vadd.s32 v11, v18;
	[tilespmem:v54+s19+$0x0] =	vst.idx.msk $0xffff, v20;
	v20 =	vld [tilespmem:s24+$0x20]  }
0x8c: {  	v19 =	vbroadcast v19, $0x0;
	v25 =	vadd.s32 v16, v25;
	[tilespmem:v53+s19+$0x0] =	vst.idx.msk $0xffff, v21;
	v21 =	vld [tilespmem:s24+$0x70]  }
0x8d: {  	v31 =	vadd.s32 v4, v31;
	[tilespmem:v55+s19+$0x0] =	vst.idx.msk $0xffff, v17;
	v57 =	vld [tilespmem:s24+$0xFFFFFFB0]  }
0x8e: {  	[tilespmem:v27+s19+$0x0] =	vst.idx.msk $0xffff, v22;
	v22 =	vld [tilespmem:s24+$0x40];
	v27 =	vadd.s32 v13, v19  }
0x8f: {  	v24 =	vadd.s32 v6, v24;
	[tilespmem:v29+s19+$0x0] =	vst.idx.msk $0xffff, v23;
	v23 =	vld [tilespmem:s24+$0xFFFFFFD0]  }
0x90: {  	s1 =	smulhi.u32 $0x51EB851F, s23;
	v26 =	vadd.s32 v8, v26;
	v17 =	vld [tilespmem:s24+$0xFFFFFFF0];
	[tilespmem:v56+s19+$0x0] =	vst.idx.msk $0xffff, v20  }
0x91: {  	[tilespmem:v25+s19+$0x0] =	vst.idx.msk $0xffff, v21;
	v21 =	vld [tilespmem:s24+$0x10];
	v25 =	vadd.s32 v10, v28  }
0x92: {  	s1 =	sshrl.u32 s1, $0x4;
	v18 =	vadd.s32 v12, v18;
	v20 =	vld [tilespmem:s24+$0x30];
	[tilespmem:v31+s19+$0x0] =	vst.idx.msk $0xffff, v57  }
0x93: {  	s25 =	smul.u32 $0x32, s1;
	v28 =	vadd.s32 v2, v30;
	[tilespmem:v27+s19+$0x0] =	vst.idx.msk $0xffff, v22;
	v27 =	vld [tilespmem:s24+$0xFFFFFF90]  }
0x94: {  	v19 =	vadd.s32 v14, v19;
	v22 =	vld [tilespmem:s24+$0x50];
	[tilespmem:v24+s19+$0x0] =	vst.idx.msk $0xffff, v23  }
0x95: {  	s1 =	sadd.s32 s4, s1;
	s26 =	ssub.s32 s23, s25;
	[tilespmem:v26+s19+$0x0] =	vst.idx.msk $0xffff, v17  }
0x96: {  	s0 =	sshll.u32 s26, $0x13;
	s24 =	sshll.u32 s1, $0xA;
	[tilespmem:v25+s19+$0x0] =	vst.idx.msk $0xffff, v21  }
0x97: {  	s0 =	sadd.s32 s0, s24;
	[tilespmem:v18+s19+$0x0] =	vst.idx.msk $0xffff, v20  }
0x98: {  	s1 =	sshrl.u32 s0, $0x3;
	[tilespmem:v28+s19+$0x0] =	vst.idx.msk $0xffff, v27  }
0x99: {  	s0 =	sadd.s32 s2, s1;
	[tilespmem:v19+s19+$0x0] =	vst.idx.msk $0xffff, v22  }
0x9a: {  	[hbm4b:s0+s3] =	stream.linear.scatter [tilespmem:s19], [sflag:$0x5], $0x80, $0x38;
	[tilespmem:$0xE800] =	vst v63  }
0x9b: {  	s9 =	simm.s32 $0xA488;
	s25 =	sadd.s32 $0x10, s0  }
0x9c: {  	[hbm4b:s25+s3] =	stream.linear.scatter [tilespmem:s9], [sflag:$0x5], $0x80, $0x38;
	[tilespmem:$0xE800] =	vst v63  }
0x9d: {  	s26 =	simm.s32 $0xA510;
	s9 =	sadd.s32 $0x20, s0  }
0x9e: {  	[hbm4b:s9+s3] =	stream.linear.scatter [tilespmem:s26], [sflag:$0x5], $0x80, $0x38;
	[tilespmem:$0xE800] =	vst v63  }
0x9f: {  	s9 =	sadd.s32 $0x30, s0;
	s26 =	simm.s32 $0xA598  }
0xa0: {  	[hbm4b:s9+s3] =	stream.linear.scatter [tilespmem:s26], [sflag:$0x5], $0x80, $0x38;
	[tilespmem:$0xE800] =	vst v63  }
0xa1: {  	s9 =	sadd.s32 $0x40, s0;
	s26 =	simm.s32 $0xA620  }
0xa2: {  	[hbm4b:s9+s3] =	stream.linear.scatter [tilespmem:s26], [sflag:$0x5], $0x80, $0x38;
	[tilespmem:$0xE800] =	vst v63  }
0xa3: {  	s9 =	sadd.s32 $0x50, s0;
	s26 =	simm.s32 $0xA6A8  }
0xa4: {  	[hbm4b:s9+s3] =	stream.linear.scatter [tilespmem:s26], [sflag:$0x5], $0x80, $0x38;
	[tilespmem:$0xE800] =	vst v63  }
0xa5: {  	s9 =	sadd.s32 $0x60, s0;
	s26 =	simm.s32 $0xA730  }
0xa6: {  	[hbm4b:s9+s3] =	stream.linear.scatter [tilespmem:s26], [sflag:$0x5], $0x80, $0x38;
	[tilespmem:$0xE800] =	vst v63  }
0xa7: {  	s9 =	sadd.s32 $0x70, s0;
	s26 =	simm.s32 $0xA7B8  }
0xa8: {  	[hbm4b:s9+s3] =	stream.linear.scatter [tilespmem:s26], [sflag:$0x5], $0x80, $0x38;
	[tilespmem:$0xE800] =	vst v63  }
0xa9: {  	s9 =	sadd.s32 $0x4000, s0;
	s26 =	simm.s32 $0xA840  }
0xaa: {  	[hbm4b:s9+s3] =	stream.linear.scatter [tilespmem:s26], [sflag:$0x5], $0x80, $0x38;
	[tilespmem:$0xE800] =	vst v63  }
0xab: {  	s9 =	sadd.s32 $0x4010, s0;
	s26 =	simm.s32 $0xA8C8  }
0xac: {  	[hbm4b:s9+s3] =	stream.linear.scatter [tilespmem:s26], [sflag:$0x5], $0x80, $0x38;
	[tilespmem:$0xE800] =	vst v63  }
0xad: {  	s9 =	sadd.s32 $0x4020, s0;
	s26 =	simm.s32 $0xA950  }
0xae: {  	[hbm4b:s9+s3] =	stream.linear.scatter [tilespmem:s26], [sflag:$0x5], $0x80, $0x38;
	[tilespmem:$0xE800] =	vst v63  }
0xaf: {  	s9 =	sadd.s32 $0x4030, s0;
	s26 =	simm.s32 $0xA9D8  }
0xb0: {  	[hbm4b:s9+s3] =	stream.linear.scatter [tilespmem:s26], [sflag:$0x5], $0x80, $0x38;
	[tilespmem:$0xE800] =	vst v63  }
0xb1: {  	s9 =	sadd.s32 $0x4040, s0;
	s26 =	simm.s32 $0xAA60  }
0xb2: {  	[hbm4b:s9+s3] =	stream.linear.scatter [tilespmem:s26], [sflag:$0x5], $0x80, $0x38;
	[tilespmem:$0xE800] =	vst v63  }
0xb3: {  	s9 =	sadd.s32 $0x4050, s0;
	s26 =	simm.s32 $0xAAE8  }
0xb4: {  	[hbm4b:s9+s3] =	stream.linear.scatter [tilespmem:s26], [sflag:$0x5], $0x80, $0x38;
	[tilespmem:$0xE800] =	vst v63  }
0xb5: {  	s9 =	sadd.s32 $0x4060, s0;
	s26 =	simm.s32 $0xAB70  }
0xb6: {  	[hbm4b:s9+s3] =	stream.linear.scatter [tilespmem:s26], [sflag:$0x5], $0x80, $0x38;
	[tilespmem:$0xE800] =	vst v63  }
0xb7: {  	s1 =	sor.u32 $0x8000, s1;
	s9 =	sadd.s32 $0x4070, s0;
	s26 =	simm.s32 $0xABF8  }
0xb8: {  	[hbm4b:s9+s3] =	stream.linear.scatter [tilespmem:s26], [sflag:$0x5], $0x80, $0x38;
	[tilespmem:$0xE800] =	vst v63  }
0xb9: {  	s1 =	sadd.s32 s2, s1;
	s26 =	simm.s32 $0xAC80  }
0xba: {  	[hbm4b:s1+s3] =	stream.linear.scatter [tilespmem:s26], [sflag:$0x5], $0x80, $0x38;
	[tilespmem:$0xE800] =	vst v63  }
0xbb: {  	s9 =	sadd.s32 $0x10, s1;
	s26 =	simm.s32 $0xAD08  }
0xbc: {  	[hbm4b:s9+s3] =	stream.linear.scatter [tilespmem:s26], [sflag:$0x5], $0x80, $0x38;
	[tilespmem:$0xE800] =	vst v63  }
0xbd: {  	s9 =	sadd.s32 $0x20, s1;
	s26 =	simm.s32 $0xAD90  }
0xbe: {  	[hbm4b:s9+s3] =	stream.linear.scatter [tilespmem:s26], [sflag:$0x5], $0x80, $0x38;
	[tilespmem:$0xE800] =	vst v63  }
0xbf: {  	s9 =	sadd.s32 $0x30, s1;
	s26 =	simm.s32 $0xAE18  }
0xc0: {  	[hbm4b:s9+s3] =	stream.linear.scatter [tilespmem:s26], [sflag:$0x5], $0x80, $0x38;
	[tilespmem:$0xE800] =	vst v63  }
0xc1: {  	s9 =	sadd.s32 $0x40, s1;
	s26 =	simm.s32 $0xAEA0  }
0xc2: {  	[hbm4b:s9+s3] =	stream.linear.scatter [tilespmem:s26], [sflag:$0x5], $0x80, $0x38;
	[tilespmem:$0xE800] =	vst v63  }
0xc3: {  	s9 =	sadd.s32 $0x50, s1;
	s26 =	simm.s32 $0xAF28  }
0xc4: {  	[hbm4b:s9+s3] =	stream.linear.scatter [tilespmem:s26], [sflag:$0x5], $0x80, $0x38;
	[tilespmem:$0xE800] =	vst v63  }
0xc5: {  	s9 =	sadd.s32 $0x60, s1;
	s26 =	simm.s32 $0xAFB0  }
0xc6: {  	[hbm4b:s9+s3] =	stream.linear.scatter [tilespmem:s26], [sflag:$0x5], $0x80, $0x38;
	[tilespmem:$0xE800] =	vst v63  }
0xc7: {  	s1 =	sadd.s32 $0x70, s1;
	s26 =	simm.s32 $0xB038  }
0xc8: {  	[hbm4b:s1+s3] =	stream.linear.scatter [tilespmem:s26], [sflag:$0x5], $0x80, $0x38;
	[tilespmem:$0xE800] =	vst v63  }
0xc9: {  	s25 =	sadd.s32 $0xC000, s0;
	s26 =	simm.s32 $0xB0C0  }
0xca: {  	[hbm4b:s25+s3] =	stream.linear.scatter [tilespmem:s26], [sflag:$0x5], $0x80, $0x38;
	[tilespmem:$0xE800] =	vst v63  }
0xcb: {  	s25 =	sadd.s32 $0xC010, s0;
	s26 =	simm.s32 $0xB148  }
0xcc: {  	[hbm4b:s25+s3] =	stream.linear.scatter [tilespmem:s26], [sflag:$0x5], $0x80, $0x38;
	[tilespmem:$0xE800] =	vst v63  }
0xcd: {  	s25 =	sadd.s32 $0xC020, s0;
	s26 =	simm.s32 $0xB1D0  }
0xce: {  	[hbm4b:s25+s3] =	stream.linear.scatter [tilespmem:s26], [sflag:$0x5], $0x80, $0x38;
	[tilespmem:$0xE800] =	vst v63  }
0xcf: {  	s25 =	sadd.s32 $0xC030, s0;
	s26 =	simm.s32 $0xB258  }
0xd0: {  	[hbm4b:s25+s3] =	stream.linear.scatter [tilespmem:s26], [sflag:$0x5], $0x80, $0x38;
	[tilespmem:$0xE800] =	vst v63  }
0xd1: {  	p1 =	seq.s32 s22, $0x31;
	s25 =	sadd.s32 $0xC040, s0;
	s26 =	simm.s32 $0xB2E0  }
0xd2: {  	[hbm4b:s25+s3] =	stream.linear.scatter [tilespmem:s26], [sflag:$0x5], $0x80, $0x38;
	[tilespmem:$0xE800] =	vst v63  }
0xd3: {  	s1 =	sadd.s32 @!p1 $0x4, s23;
	s25 =	sadd.s32 $0xC050, s0;
	s26 =	simm.s32 $0xB368  }
0xd4: {  	[hbm4b:s25+s3] =	stream.linear.scatter [tilespmem:s26], [sflag:$0x5], $0x80, $0x38;
	[tilespmem:$0xE800] =	vst v63  }
0xd5: {  	s9 =	simm.s32 $0xB3F0;
	s25 =	sadd.s32 $0xC060, s0;
	s26 =	smulhi.u32 @!p1 $0x51EB851F, s1  }
0xd6: {  	[hbm4b:s25+s3] =	stream.linear.scatter [tilespmem:s9], [sflag:$0x5], $0x80, $0x38;
	[tilespmem:$0xE800] =	vst v63  }
0xd7: {  	s25 =	sshrl.u32 @!p1 s26, $0x4  }
0xd8: {  	s0 =	sadd.s32 $0xC070, s0;
	s9 =	simm.s32 $0xB478;
	s25 =	smul.u32 @!p1 $0x32, s25  }
0xd9: {  	[hbm4b:s0+s3] =	stream.linear.scatter [tilespmem:s9], [sflag:$0x5], $0x80, $0x38;
	[tilespmem:$0xE800] =	vst v63  }
0xda: {  	s0 =	ssub.s32 @!p1 s1, s25;
	s1 =	sshll.u32 @!p1 s26, $0x3  }
0xdb: {  	s0 =	sshll.u32 @!p1 s0, $0x9;
	s1 =	sand.u32 @!p1 $0x3FFFFF80, s1  }
0xdc: {  	s25 =	simm.s32 @!p1 $0x6400;
	s0 =	sadd.s32 @!p1 s1, s0;
	s1 =	simm.s32 @!p1 $0x80  }
0xdd: {  	[tilespmem:s25], [sflag:$0x1] =	stream.indirect.gather @!p1 [hbm4b:s5+s1], $0x20, s0, s1, $0xb8;
	[tilespmem:$0xE800] =	vst v63  }
0xde: {  	_ =	swait.ge [sflag:s28], $0x1000  }
0xdf: {  	[sflag:s28] =	ssyncset.done $0x0  }
0xe0: {  	s0 =	simm.s32 @!p0 $0x6;
	[sflag:s28] =	ssyncadd.s32 $0xFFFFF000  }
0xe1: {  	_ =	swait.ge @!p0 [sflag:s0], $0x400  }
0xe2: {  	[sflag:s0] =	ssyncset.done @!p0 $0x0  }
0xe3: {  	[sflag:s0] =	ssyncadd.s32 @!p0 $0xFFFFFC00  }
0xe4: {  	_ =	swait.ge @!p0 [sflag:s0], $0x400  }
0xe5: {  	s9 =	simm.s32 $0x0;
	[sflag:s0] =	ssyncset.done @!p0 $0x0  }
0xe6: {  	v17 =	vmov s9;
	s26 =	simm.s32 $0x2;
	s9 =	simm.s32 $0x3;
	[sflag:s0] =	ssyncadd.s32 @!p0 $0xFFFFFC00  }
0xe7: {  	v17 =	vshrl.u32 v17, $0x3;
	v19 =	vmov s26;
	s26 =	simm.s32 $0x7;
	v20 =	vmov s9;
	s9 =	simm.s32 $0x5;
	_ =	swait.ge @!p0 [sflag:s0], $0x400  }
0xe8: {  	v22 =	vmov s26;
	v23 =	vmov s9;
	v17 =	vshll.u32 v17, v1;
	[sflag:s0] =	ssyncset.done @!p0 $0x0  }
0xe9: {  	v19 =	vshrl.u32 v19, $0x3;
	v20 =	vshrl.u32 v20, $0x3;
	s25 =	simm.s32 $0x1;
	v22 =	vshrl.u32 v22, $0x3;
	[sflag:s0] =	ssyncadd.s32 @!p0 $0xFFFFFC00  }
0xea: {  	s9 =	simm.s32 $0x6;
	v17 =	vbroadcast v17, $0x0;
	v18 =	vmov s25;
	v22 =	vshll.u32 v22, v1;
	_ =	swait.ge @!p0 [sflag:s0], $0x400  }
0xeb: {  	v24 =	vmov s9;
	s25 =	simm.s32 $0x4;
	v18 =	vshrl.u32 v18, $0x3;
	v25 =	vbroadcast v22, $0x0;
	[sflag:s0] =	ssyncset.done @!p0 $0x0  }
0xec: {  	s26 =	simm.s32 $0x7480;
	v21 =	vmov s25;
	v28 =	vadd.s32 v0, v17;
	v18 =	vshll.u32 v18, v1;
	[sflag:s0] =	ssyncadd.s32 @!p0 $0xFFFFFC00  }
0xed: {  	v58 =	vbroadcast v18, $0x0;
	v18 =	vshll.u32 v19, v1;
	v26 =	vadd.s32 v15, v25;
	v19 =	vld [tilespmem:s26+$0x60]  }
0xee: {  	v22 =	vshrl.u32 v21, $0x3;
	v59 =	vbroadcast v18, $0x0;
	v18 =	vshll.u32 v20, v1;
	v27 =	vld [tilespmem:s26+$0xFFFFFF80]  }
0xef: {  	v30 =	vadd.s32 v3, v58;
	v21 =	vbroadcast v18, $0x0;
	v18 =	vshll.u32 v22, v1;
	v29 =	vld [tilespmem:s26+$0xFFFFFFA0]  }
0xf0: {  	v60 =	vadd.s32 v5, v59;
	v20 =	vbroadcast v18, $0x0;
	v18 =	vshrl.u32 v23, $0x3;
	v31 =	vld [tilespmem:s26+$0xFFFFFFC0]  }
0xf1: {  	v23 =	vshrl.u32 v24, $0x3;
	v62 =	vadd.s32 v7, v21;
	v18 =	vshll.u32 v18, v1;
	v61 =	vld [tilespmem:s26+$0xFFFFFFE0]  }
0xf2: {  	s1 =	simm.s32 $0x9;
	v41 =	vadd.s32 v9, v20;
	v22 =	vbroadcast v18, $0x0;
	v18 =	vshll.u32 v23, v1;
	v63 =	vld [tilespmem:s26+$0x0];
	[tilespmem:v26+s29+$0x0] =	vst.idx.msk $0xffff, v19  }
0xf3: {  	s9 =	simm.s32 $0xA;
	v36 =	vmov s1;
	v25 =	vadd.s32 v16, v25;
	v23 =	vbroadcast v18, $0x0;
	[tilespmem:v28+s29+$0x0] =	vst.idx.msk $0xffff, v27;
	v24 =	vld [tilespmem:s26+$0x70]  }
0xf4: {  	v38 =	vmov s9;
	s25 =	simm.s32 $0x8;
	v35 =	vadd.s32 v4, v58;
	[tilespmem:v30+s29+$0x0] =	vst.idx.msk $0xffff, v29;
	v26 =	vld [tilespmem:s26+$0x20];
	v27 =	vadd.s32 v11, v22  }
0xf5: {  	s9 =	simm.s32 $0xC;
	v37 =	vadd.s32 v6, v59;
	v19 =	vmov s25;
	s25 =	simm.s32 $0xB;
	[tilespmem:v60+s29+$0x0] =	vst.idx.msk $0xffff, v31;
	v29 =	vld [tilespmem:s26+$0x40];
	v30 =	vadd.s32 v13, v23  }
0xf6: {  	v31 =	vmov s9;
	s9 =	simm.s32 $0xE;
	[tilespmem:v62+s29+$0x0] =	vst.idx.msk $0xffff, v61;
	v19 =	vshrl.u32 v19, $0x3;
	v28 =	vmov s25;
	s25 =	simm.s32 $0xD;
	v33 =	vld [tilespmem:s26+$0xFFFFFFB0]  }
0xf7: {  	s1 =	simm.s32 $0xF;
	s0 =	simm.s32 $0x10;
	[tilespmem:v41+s29+$0x0] =	vst.idx.msk $0xffff, v63;
	v34 =	vld [tilespmem:s26+$0xFFFFFFD0];
	v18 =	vmov s25;
	s25 =	sor.u32 $0x1, s23;
	v32 =	vshll.u32 v19, v1;
	v19 =	vmov s9  }
.LBB2_5:
0xf8: {  	p2 =	slt.u32 s0, $0x78;
	v36 =	vshrl.u32 v36, $0x3;
	v39 =	vmov s1;
	v40 =	vld [tilespmem:s26+$0xFFFFFFF0];
	v21 =	vadd.s32 v8, v21;
	[tilespmem:v25+s29+$0x0] =	vst.idx.msk $0xffff, v24  }
0xf9: {  	v24 =	vshrl.u32 v38, $0x3;
	v20 =	vadd.s32 v10, v20;
	v25 =	vshrl.u32 v39, $0x3;
	v38 =	vld [tilespmem:s26+$0x10];
	[tilespmem:v27+s29+$0x0] =	vst.idx.msk $0xffff, v26  }
0xfa: {  	v22 =	vadd.s32 v12, v22;
	v26 =	vshrl.u32 v28, $0x3;
	v25 =	vshll.u32 v25, v1;
	v27 =	vld [tilespmem:s26+$0x30];
	[tilespmem:v30+s29+$0x0] =	vst.idx.msk $0xffff, v29  }
0xfb: {  	v23 =	vadd.s32 v14, v23;
	v28 =	vshrl.u32 v31, $0x3;
	v25 =	vbroadcast v25, $0x0;
	[tilespmem:v35+s29+$0x0] =	vst.idx.msk $0xffff, v33;
	v29 =	vld [tilespmem:s26+$0x50]  }
0xfc: {  	v30 =	vshll.u32 v36, v1;
	v33 =	vadd.s32 v2, v17;
	v17 =	vbroadcast v32, $0x0;
	v31 =	vld [tilespmem:s26+$0xFFFFFF90];
	[tilespmem:v37+s29+$0x0] =	vst.idx.msk $0xffff, v34;
	s26 =	sadd.s32 $0x100, s26  }
0xfd: {  	v24 =	vshll.u32 v24, v1;
	v32 =	vbroadcast v30, $0x0;
	v30 =	vld [tilespmem:s26+$0x60];
	v34 =	vadd.s32 v15, v25;
	[tilespmem:v21+s29+$0x0] =	vst.idx.msk $0xffff, v40  }
0xfe: {  	v37 =	vbroadcast v24, $0x0;
	v36 =	vadd.s32 v0, v17;
	v21 =	vshll.u32 v26, v1;
	v35 =	vld [tilespmem:s26+$0xFFFFFF80];
	[tilespmem:v20+s29+$0x0] =	vst.idx.msk $0xffff, v38  }
0xff: {  	v38 =	vadd.s32 v3, v32;
	v21 =	vbroadcast v21, $0x0;
	v20 =	vshll.u32 v28, v1;
	v26 =	vld [tilespmem:s26+$0xFFFFFFA0];
	[tilespmem:v22+s29+$0x0] =	vst.idx.msk $0xffff, v27  }
0x100: {  	v18 =	vshrl.u32 v18, $0x3;
	v40 =	vadd.s32 v5, v37;
	v20 =	vbroadcast v20, $0x0;
	v39 =	vld [tilespmem:s26+$0xFFFFFFC0];
	[tilespmem:v23+s29+$0x0] =	vst.idx.msk $0xffff, v29  }
0x101: {  	v19 =	vshrl.u32 v19, $0x3;
	v18 =	vshll.u32 v18, v1;
	v42 =	vadd.s32 v7, v21;
	v41 =	vld [tilespmem:s26+$0xFFFFFFE0];
	[tilespmem:v33+s29+$0x0] =	vst.idx.msk $0xffff, v31  }
0x102: {  	v22 =	vbroadcast v18, $0x0;
	v18 =	vshll.u32 v19, v1;
	v44 =	vadd.s32 v9, v20;
	v43 =	vld [tilespmem:s26+$0x0];
	[tilespmem:v34+s29+$0x0] =	vst.idx.msk $0xffff, v30  }
.Ltmp3:
0x103: {  	s1 =	sadd.s32 $0x1, s0;
	v25 =	vadd.s32 v16, v25;
	v19 =	vmov s0;
	v23 =	vbroadcast v18, $0x0;
	[tilespmem:v36+s29+$0x0] =	vst.idx.msk $0xffff, v35;
	v24 =	vld [tilespmem:s26+$0x70];
	(pc) =	sbr.rel @p2 .LBB2_5-.Ltmp3, $4  }
0x104: {  	s9 =	sadd.s32 $0x3, s0;
	v19 =	vshrl.u32 v19, $0x3;
	v27 =	vadd.s32 v11, v22;
	v36 =	vmov s1;
	s1 =	sadd.s32 $0x2, s0;
	[tilespmem:v38+s29+$0x0] =	vst.idx.msk $0xffff, v26;
	v26 =	vld [tilespmem:s26+$0x20]  }
0x105: {  	v28 =	vmov s9;
	s9 =	sadd.s32 $0x5, s0;
	v30 =	vadd.s32 v13, v23;
	v38 =	vmov s1;
	s1 =	sadd.s32 $0x4, s0;
	[tilespmem:v40+s29+$0x0] =	vst.idx.msk $0xffff, v39;
	v29 =	vld [tilespmem:s26+$0x40]  }
0x106: {  	v18 =	vmov s9;
	v35 =	vadd.s32 v4, v32;
	v31 =	vmov s1;
	s1 =	sadd.s32 $0x6, s0;
	v33 =	vld [tilespmem:s26+$0xFFFFFFB0];
	[tilespmem:v42+s29+$0x0] =	vst.idx.msk $0xffff, v41  }
0x107: {  	v37 =	vadd.s32 v6, v37;
	v32 =	vshll.u32 v19, v1;
	v19 =	vmov s1;
	s1 =	sadd.s32 $0x7, s0;
	s0 =	sadd.s32 $0x8, s0;
	v34 =	vld [tilespmem:s26+$0xFFFFFFD0];
	[tilespmem:v44+s29+$0x0] =	vst.idx.msk $0xffff, v43  }
0x108: {  	_ =	sdelay $0x2  }
0x109: {  	v36 =	vshrl.u32 v36, $0x3  }
0x10a: {  	v39 =	vmov s1;
	v40 =	vld [tilespmem:s26+$0xFFFFFFF0];
	v21 =	vadd.s32 v8, v21;
	[tilespmem:v25+s29+$0x0] =	vst.idx.msk $0xffff, v24;
	v24 =	vshrl.u32 v38, $0x3  }
0x10b: {  	v49 =	vld [tilespmem:s26+$0x10];
	v20 =	vadd.s32 v10, v20;
	v22 =	vadd.s32 v12, v22;
	v25 =	vshrl.u32 v39, $0x3;
	[tilespmem:v27+s29+$0x0] =	vst.idx.msk $0xffff, v26  }
0x10c: {  	v50 =	vld [tilespmem:s26+$0xFFFFFF90];
	v17 =	vadd.s32 v2, v17;
	v26 =	vshrl.u32 v28, $0x3;
	v25 =	vshll.u32 v25, v1;
	[tilespmem:v30+s29+$0x0] =	vst.idx.msk $0xffff, v29  }
0x10d: {  	v28 =	vshrl.u32 v31, $0x3;
	v31 =	vshll.u32 v36, v1;
	v27 =	vld [tilespmem:s26+$0x30];
	v25 =	vbroadcast v25, $0x0;
	[tilespmem:v35+s29+$0x0] =	vst.idx.msk $0xffff, v33  }
0x10e: {  	v23 =	vadd.s32 v14, v23;
	s0 =	sadd.s32 $0x100, s26;
	v18 =	vshrl.u32 v18, $0x3;
	v31 =	vbroadcast v31, $0x0;
	v29 =	vld [tilespmem:s26+$0x50];
	[tilespmem:v37+s29+$0x0] =	vst.idx.msk $0xffff, v34  }
0x10f: {  	v51 =	vld [tilespmem:s0+$0x60];
	v30 =	vbroadcast v32, $0x0;
	v28 =	vshll.u32 v28, v1;
	v52 =	vadd.s32 v15, v25;
	[tilespmem:v21+s29+$0x0] =	vst.idx.msk $0xffff, v40  }
0x110: {  	v24 =	vshll.u32 v24, v1;
	v28 =	vbroadcast v28, $0x0;
	v54 =	vadd.s32 v3, v31;
	[tilespmem:v20+s29+$0x0] =	vst.idx.msk $0xffff, v49;
	v20 =	vld [tilespmem:s0+$0xFFFFFFA0]  }
0x111: {  	v24 =	vbroadcast v24, $0x0;
	v26 =	vshll.u32 v26, v1;
	v53 =	vadd.s32 v0, v30;
	v21 =	vld [tilespmem:s0+$0xFFFFFF80];
	[tilespmem:v17+s29+$0x0] =	vst.idx.msk $0xffff, v50  }
0x112: {  	v18 =	vshll.u32 v18, v1;
	v26 =	vbroadcast v26, $0x0;
	v17 =	vld [tilespmem:s0+$0x0];
	v55 =	vadd.s32 v9, v28;
	[tilespmem:v22+s29+$0x0] =	vst.idx.msk $0xffff, v27  }
0x113: {  	v18 =	vbroadcast v18, $0x0;
	v22 =	vld [tilespmem:s0+$0xFFFFFFC0];
	v27 =	vadd.s32 v5, v24;
	[tilespmem:v23+s29+$0x0] =	vst.idx.msk $0xffff, v29  }
0x114: {  	v19 =	vshrl.u32 v19, $0x3;
	v23 =	vld [tilespmem:s0+$0xFFFFFFE0];
	v29 =	vadd.s32 v7, v26;
	[tilespmem:v52+s29+$0x0] =	vst.idx.msk $0xffff, v51  }
0x115: {  	v19 =	vshll.u32 v19, v1;
	v56 =	vadd.s32 v11, v18;
	[tilespmem:v54+s29+$0x0] =	vst.idx.msk $0xffff, v20;
	v20 =	vld [tilespmem:s0+$0x20]  }
0x116: {  	v19 =	vbroadcast v19, $0x0;
	v25 =	vadd.s32 v16, v25;
	[tilespmem:v53+s29+$0x0] =	vst.idx.msk $0xffff, v21;
	v21 =	vld [tilespmem:s0+$0x70]  }
0x117: {  	v31 =	vadd.s32 v4, v31;
	[tilespmem:v55+s29+$0x0] =	vst.idx.msk $0xffff, v17;
	v57 =	vld [tilespmem:s0+$0xFFFFFFB0]  }
0x118: {  	[tilespmem:v27+s29+$0x0] =	vst.idx.msk $0xffff, v22;
	v22 =	vld [tilespmem:s0+$0x40];
	v27 =	vadd.s32 v13, v19  }
0x119: {  	v24 =	vadd.s32 v6, v24;
	[tilespmem:v29+s29+$0x0] =	vst.idx.msk $0xffff, v23;
	v23 =	vld [tilespmem:s0+$0xFFFFFFD0]  }
0x11a: {  	s9 =	smulhi.u32 $0x51EB851F, s25;
	v26 =	vadd.s32 v8, v26;
	v17 =	vld [tilespmem:s0+$0xFFFFFFF0];
	[tilespmem:v56+s29+$0x0] =	vst.idx.msk $0xffff, v20  }
0x11b: {  	[tilespmem:v25+s29+$0x0] =	vst.idx.msk $0xffff, v21;
	v21 =	vld [tilespmem:s0+$0x10];
	v25 =	vadd.s32 v10, v28  }
0x11c: {  	s1 =	sshrl.u32 s9, $0x4;
	v18 =	vadd.s32 v12, v18;
	v20 =	vld [tilespmem:s0+$0x30];
	[tilespmem:v31+s29+$0x0] =	vst.idx.msk $0xffff, v57  }
0x11d: {  	s1 =	smul.u32 $0x32, s1;
	v28 =	vadd.s32 v2, v30;
	[tilespmem:v27+s29+$0x0] =	vst.idx.msk $0xffff, v22;
	v27 =	vld [tilespmem:s0+$0xFFFFFF90]  }
0x11e: {  	v19 =	vadd.s32 v14, v19;
	v22 =	vld [tilespmem:s0+$0x50];
	[tilespmem:v24+s29+$0x0] =	vst.idx.msk $0xffff, v23  }
0x11f: {  	s25 =	ssub.s32 s25, s1;
	[tilespmem:v26+s29+$0x0] =	vst.idx.msk $0xffff, v17  }
0x120: {  	s0 =	sshll.u32 s25, $0x13;
	[tilespmem:v25+s29+$0x0] =	vst.idx.msk $0xffff, v21  }
0x121: {  	s0 =	sadd.s32 s24, s0;
	[tilespmem:v18+s29+$0x0] =	vst.idx.msk $0xffff, v20  }
0x122: {  	s1 =	sshrl.u32 s0, $0x3;
	[tilespmem:v28+s29+$0x0] =	vst.idx.msk $0xffff, v27  }
0x123: {  	s0 =	sadd.s32 s2, s1;
	[tilespmem:v19+s29+$0x0] =	vst.idx.msk $0xffff, v22  }
0x124: {  	[hbm4b:s0+s3] =	stream.linear.scatter [tilespmem:s29], [sflag:$0x6], $0x80, $0x38;
	[tilespmem:$0xE800] =	vst v63  }
0x125: {  	s26 =	simm.s32 $0xB588;
	s9 =	sadd.s32 $0x10, s0  }
0x126: {  	[hbm4b:s9+s3] =	stream.linear.scatter [tilespmem:s26], [sflag:$0x6], $0x80, $0x38;
	[tilespmem:$0xE800] =	vst v63  }
0x127: {  	s25 =	sadd.s32 $0x20, s0;
	s26 =	simm.s32 $0xB610  }
0x128: {  	[hbm4b:s25+s3] =	stream.linear.scatter [tilespmem:s26], [sflag:$0x6], $0x80, $0x38;
	[tilespmem:$0xE800] =	vst v63  }
0x129: {  	s25 =	sadd.s32 $0x30, s0;
	s26 =	simm.s32 $0xB698  }
0x12a: {  	[hbm4b:s25+s3] =	stream.linear.scatter [tilespmem:s26], [sflag:$0x6], $0x80, $0x38;
	[tilespmem:$0xE800] =	vst v63  }
0x12b: {  	s25 =	sadd.s32 $0x40, s0;
	s26 =	simm.s32 $0xB720  }
0x12c: {  	[hbm4b:s25+s3] =	stream.linear.scatter [tilespmem:s26], [sflag:$0x6], $0x80, $0x38;
	[tilespmem:$0xE800] =	vst v63  }
0x12d: {  	s25 =	sadd.s32 $0x50, s0;
	s26 =	simm.s32 $0xB7A8  }
0x12e: {  	[hbm4b:s25+s3] =	stream.linear.scatter [tilespmem:s26], [sflag:$0x6], $0x80, $0x38;
	[tilespmem:$0xE800] =	vst v63  }
0x12f: {  	s25 =	sadd.s32 $0x60, s0;
	s26 =	simm.s32 $0xB830  }
0x130: {  	[hbm4b:s25+s3] =	stream.linear.scatter [tilespmem:s26], [sflag:$0x6], $0x80, $0x38;
	[tilespmem:$0xE800] =	vst v63  }
0x131: {  	s25 =	sadd.s32 $0x70, s0;
	s26 =	simm.s32 $0xB8B8  }
0x132: {  	[hbm4b:s25+s3] =	stream.linear.scatter [tilespmem:s26], [sflag:$0x6], $0x80, $0x38;
	[tilespmem:$0xE800] =	vst v63  }
0x133: {  	s25 =	sadd.s32 $0x4000, s0;
	s26 =	simm.s32 $0xB940  }
0x134: {  	[hbm4b:s25+s3] =	stream.linear.scatter [tilespmem:s26], [sflag:$0x6], $0x80, $0x38;
	[tilespmem:$0xE800] =	vst v63  }
0x135: {  	s25 =	sadd.s32 $0x4010, s0;
	s26 =	simm.s32 $0xB9C8  }
0x136: {  	[hbm4b:s25+s3] =	stream.linear.scatter [tilespmem:s26], [sflag:$0x6], $0x80, $0x38;
	[tilespmem:$0xE800] =	vst v63  }
0x137: {  	s25 =	sadd.s32 $0x4020, s0;
	s26 =	simm.s32 $0xBA50  }
0x138: {  	[hbm4b:s25+s3] =	stream.linear.scatter [tilespmem:s26], [sflag:$0x6], $0x80, $0x38;
	[tilespmem:$0xE800] =	vst v63  }
0x139: {  	s25 =	sadd.s32 $0x4030, s0;
	s26 =	simm.s32 $0xBAD8  }
0x13a: {  	[hbm4b:s25+s3] =	stream.linear.scatter [tilespmem:s26], [sflag:$0x6], $0x80, $0x38;
	[tilespmem:$0xE800] =	vst v63  }
0x13b: {  	s25 =	sadd.s32 $0x4040, s0;
	s26 =	simm.s32 $0xBB60  }
0x13c: {  	[hbm4b:s25+s3] =	stream.linear.scatter [tilespmem:s26], [sflag:$0x6], $0x80, $0x38;
	[tilespmem:$0xE800] =	vst v63  }
0x13d: {  	s25 =	sadd.s32 $0x4050, s0;
	s26 =	simm.s32 $0xBBE8  }
0x13e: {  	[hbm4b:s25+s3] =	stream.linear.scatter [tilespmem:s26], [sflag:$0x6], $0x80, $0x38;
	[tilespmem:$0xE800] =	vst v63  }
0x13f: {  	s25 =	sadd.s32 $0x4060, s0;
	s26 =	simm.s32 $0xBC70  }
0x140: {  	[hbm4b:s25+s3] =	stream.linear.scatter [tilespmem:s26], [sflag:$0x6], $0x80, $0x38;
	[tilespmem:$0xE800] =	vst v63  }
0x141: {  	s1 =	sor.u32 $0x8000, s1;
	s25 =	sadd.s32 $0x4070, s0;
	s26 =	simm.s32 $0xBCF8  }
0x142: {  	[hbm4b:s25+s3] =	stream.linear.scatter [tilespmem:s26], [sflag:$0x6], $0x80, $0x38;
	[tilespmem:$0xE800] =	vst v63  }
0x143: {  	s24 =	simm.s32 $0xBD80;
	s1 =	sadd.s32 s2, s1  }
0x144: {  	[hbm4b:s1+s3] =	stream.linear.scatter [tilespmem:s24], [sflag:$0x6], $0x80, $0x38;
	[tilespmem:$0xE800] =	vst v63  }
0x145: {  	s25 =	sadd.s32 $0x10, s1;
	s26 =	simm.s32 $0xBE08  }
0x146: {  	[hbm4b:s25+s3] =	stream.linear.scatter [tilespmem:s26], [sflag:$0x6], $0x80, $0x38;
	[tilespmem:$0xE800] =	vst v63  }
0x147: {  	s25 =	sadd.s32 $0x20, s1;
	s26 =	simm.s32 $0xBE90  }
0x148: {  	[hbm4b:s25+s3] =	stream.linear.scatter [tilespmem:s26], [sflag:$0x6], $0x80, $0x38;
	[tilespmem:$0xE800] =	vst v63  }
0x149: {  	s25 =	sadd.s32 $0x30, s1;
	s26 =	simm.s32 $0xBF18  }
0x14a: {  	[hbm4b:s25+s3] =	stream.linear.scatter [tilespmem:s26], [sflag:$0x6], $0x80, $0x38;
	[tilespmem:$0xE800] =	vst v63  }
0x14b: {  	s25 =	sadd.s32 $0x40, s1;
	s26 =	simm.s32 $0xBFA0  }
0x14c: {  	[hbm4b:s25+s3] =	stream.linear.scatter [tilespmem:s26], [sflag:$0x6], $0x80, $0x38;
	[tilespmem:$0xE800] =	vst v63  }
0x14d: {  	s25 =	sadd.s32 $0x50, s1;
	s26 =	simm.s32 $0xC028  }
0x14e: {  	[hbm4b:s25+s3] =	stream.linear.scatter [tilespmem:s26], [sflag:$0x6], $0x80, $0x38;
	[tilespmem:$0xE800] =	vst v63  }
0x14f: {  	s25 =	sadd.s32 $0x60, s1;
	s26 =	simm.s32 $0xC0B0  }
0x150: {  	[hbm4b:s25+s3] =	stream.linear.scatter [tilespmem:s26], [sflag:$0x6], $0x80, $0x38;
	[tilespmem:$0xE800] =	vst v63  }
0x151: {  	s24 =	simm.s32 $0xC138;
	s1 =	sadd.s32 $0x70, s1  }
0x152: {  	[hbm4b:s1+s3] =	stream.linear.scatter [tilespmem:s24], [sflag:$0x6], $0x80, $0x38;
	[tilespmem:$0xE800] =	vst v63  }
0x153: {  	s25 =	sadd.s32 $0xC000, s0;
	s26 =	simm.s32 $0xC1C0  }
0x154: {  	[hbm4b:s25+s3] =	stream.linear.scatter [tilespmem:s26], [sflag:$0x6], $0x80, $0x38;
	[tilespmem:$0xE800] =	vst v63  }
0x155: {  	s9 =	sadd.s32 $0xC010, s0;
	s24 =	simm.s32 $0xC248  }
0x156: {  	[hbm4b:s9+s3] =	stream.linear.scatter [tilespmem:s24], [sflag:$0x6], $0x80, $0x38;
	[tilespmem:$0xE800] =	vst v63  }
0x157: {  	s25 =	sadd.s32 $0xC020, s0;
	s26 =	simm.s32 $0xC2D0  }
0x158: {  	[hbm4b:s25+s3] =	stream.linear.scatter [tilespmem:s26], [sflag:$0x6], $0x80, $0x38;
	[tilespmem:$0xE800] =	vst v63  }
0x159: {  	s9 =	sadd.s32 $0xC030, s0;
	s24 =	simm.s32 $0xC358  }
0x15a: {  	[hbm4b:s9+s3] =	stream.linear.scatter [tilespmem:s24], [sflag:$0x6], $0x80, $0x38;
	[tilespmem:$0xE800] =	vst v63  }
0x15b: {  	s25 =	sadd.s32 $0xC040, s0;
	s26 =	simm.s32 $0xC3E0  }
0x15c: {  	[hbm4b:s25+s3] =	stream.linear.scatter [tilespmem:s26], [sflag:$0x6], $0x80, $0x38;
	[tilespmem:$0xE800] =	vst v63  }
0x15d: {  	s1 =	sadd.s32 @!p1 $0x5, s23;
	s9 =	sadd.s32 $0xC050, s0;
	s24 =	simm.s32 $0xC468  }
0x15e: {  	[hbm4b:s9+s3] =	stream.linear.scatter [tilespmem:s24], [sflag:$0x6], $0x80, $0x38;
	[tilespmem:$0xE800] =	vst v63  }
0x15f: {  	s25 =	sadd.s32 $0xC060, s0;
	s26 =	simm.s32 $0xC4F0;
	s24 =	smulhi.u32 @!p1 $0x51EB851F, s1  }
0x160: {  	[hbm4b:s25+s3] =	stream.linear.scatter [tilespmem:s26], [sflag:$0x6], $0x80, $0x38;
	[tilespmem:$0xE800] =	vst v63  }
0x161: {  	s9 =	sshrl.u32 @!p1 s24, $0x4  }
0x162: {  	s0 =	sadd.s32 $0xC070, s0;
	s26 =	simm.s32 $0xC578;
	s9 =	smul.u32 @!p1 $0x32, s9  }
0x163: {  	[hbm4b:s0+s3] =	stream.linear.scatter [tilespmem:s26], [sflag:$0x6], $0x80, $0x38;
	[tilespmem:$0xE800] =	vst v63  }
0x164: {  	s0 =	ssub.s32 @!p1 s1, s9;
	s1 =	sshll.u32 @!p1 s24, $0x3  }
0x165: {  	s0 =	sshll.u32 @!p1 s0, $0x9;
	s1 =	sand.u32 @!p1 $0x3FFFFF80, s1  }
0x166: {  	s9 =	simm.s32 @!p1 $0x7400;
	s0 =	sadd.s32 @!p1 s1, s0;
	s1 =	simm.s32 @!p1 $0x80  }
0x167: {  	[tilespmem:s9], [sflag:$0x2] =	stream.indirect.gather @!p1 [hbm4b:s5+s1], $0x20, s0, s1, $0xb8;
	[tilespmem:$0xE800] =	vst v63  }
0x168: {  	_ =	swait.ge [sflag:s16], $0x1000  }
0x169: {  	[sflag:s16] =	ssyncset.done $0x0  }
0x16a: {  	s0 =	simm.s32 @!p0 $0x7;
	[sflag:s16] =	ssyncadd.s32 $0xFFFFF000  }
0x16b: {  	_ =	swait.ge @!p0 [sflag:s0], $0x400  }
0x16c: {  	[sflag:s0] =	ssyncset.done @!p0 $0x0  }
0x16d: {  	[sflag:s0] =	ssyncadd.s32 @!p0 $0xFFFFFC00  }
0x16e: {  	_ =	swait.ge @!p0 [sflag:s0], $0x400  }
0x16f: {  	s25 =	simm.s32 $0x3;
	[sflag:s0] =	ssyncset.done @!p0 $0x0  }
0x170: {  	v20 =	vmov s25;
	s25 =	simm.s32 $0x5;
	s26 =	simm.s32 $0x0;
	[sflag:s0] =	ssyncadd.s32 @!p0 $0xFFFFFC00  }
0x171: {  	v23 =	vmov s25;
	v20 =	vshrl.u32 v20, $0x3;
	v17 =	vmov s26;
	s24 =	simm.s32 $0x2;
	s26 =	simm.s32 $0x7;
	_ =	swait.ge @!p0 [sflag:s0], $0x400  }
0x172: {  	v17 =	vshrl.u32 v17, $0x3;
	v19 =	vmov s24;
	s24 =	simm.s32 $0x4;
	v22 =	vmov s26;
	[sflag:s0] =	ssyncset.done @!p0 $0x0  }
0x173: {  	s26 =	simm.s32 $0x6;
	v21 =	vmov s24;
	v17 =	vshll.u32 v17, v1;
	v22 =	vshrl.u32 v22, $0x3;
	s9 =	simm.s32 $0x1;
	[sflag:s0] =	ssyncadd.s32 @!p0 $0xFFFFFC00  }
0x174: {  	v24 =	vmov s26;
	v22 =	vshll.u32 v22, v1;
	v18 =	vmov s9;
	_ =	swait.ge @!p0 [sflag:s0], $0x400  }
0x175: {  	v19 =	vshrl.u32 v19, $0x3;
	v25 =	vbroadcast v22, $0x0;
	v18 =	vshrl.u32 v18, $0x3;
	[sflag:s0] =	ssyncset.done @!p0 $0x0  }
0x176: {  	s25 =	simm.s32 $0x8480;
	v17 =	vbroadcast v17, $0x0;
	v22 =	vshrl.u32 v21, $0x3;
	v18 =	vshll.u32 v18, v1;
	[sflag:s0] =	ssyncadd.s32 @!p0 $0xFFFFFC00  }
0x177: {  	v26 =	vadd.s32 v15, v25;
	v58 =	vbroadcast v18, $0x0;
	v18 =	vshll.u32 v19, v1;
	v19 =	vld [tilespmem:s25+$0x60]  }
0x178: {  	v28 =	vadd.s32 v0, v17;
	v59 =	vbroadcast v18, $0x0;
	v18 =	vshll.u32 v20, v1;
	v27 =	vld [tilespmem:s25+$0xFFFFFF80]  }
0x179: {  	v30 =	vadd.s32 v3, v58;
	v21 =	vbroadcast v18, $0x0;
	v18 =	vshll.u32 v22, v1;
	v29 =	vld [tilespmem:s25+$0xFFFFFFA0]  }
0x17a: {  	v60 =	vadd.s32 v5, v59;
	v20 =	vbroadcast v18, $0x0;
	v18 =	vshrl.u32 v23, $0x3;
	v31 =	vld [tilespmem:s25+$0xFFFFFFC0]  }
0x17b: {  	v23 =	vshrl.u32 v24, $0x3;
	v62 =	vadd.s32 v7, v21;
	v18 =	vshll.u32 v18, v1;
	v61 =	vld [tilespmem:s25+$0xFFFFFFE0]  }
0x17c: {  	s24 =	simm.s32 $0xA;
	v41 =	vadd.s32 v9, v20;
	v22 =	vbroadcast v18, $0x0;
	v18 =	vshll.u32 v23, v1;
	v63 =	vld [tilespmem:s25+$0x0];
	[tilespmem:v26+s8+$0x0] =	vst.idx.msk $0xffff, v19  }
0x17d: {  	v38 =	vmov s24;
	s9 =	simm.s32 $0x9;
	v25 =	vadd.s32 v16, v25;
	v23 =	vbroadcast v18, $0x0;
	[tilespmem:v28+s8+$0x0] =	vst.idx.msk $0xffff, v27;
	v24 =	vld [tilespmem:s25+$0x70]  }
0x17e: {  	s1 =	simm.s32 $0x8;
	v36 =	vmov s9;
	v35 =	vadd.s32 v4, v58;
	[tilespmem:v30+s8+$0x0] =	vst.idx.msk $0xffff, v29;
	v26 =	vld [tilespmem:s25+$0x20];
	v27 =	vadd.s32 v11, v22  }
0x17f: {  	s26 =	simm.s32 $0xB;
	s24 =	simm.s32 $0xD;
	v37 =	vadd.s32 v6, v59;
	v19 =	vmov s1;
	[tilespmem:v60+s8+$0x0] =	vst.idx.msk $0xffff, v31;
	v29 =	vld [tilespmem:s25+$0x40];
	v30 =	vadd.s32 v13, v23  }
0x180: {  	s9 =	simm.s32 $0xC;
	v18 =	vmov s24;
	v28 =	vmov s26;
	s26 =	simm.s32 $0xE;
	[tilespmem:v62+s8+$0x0] =	vst.idx.msk $0xffff, v61;
	v19 =	vshrl.u32 v19, $0x3;
	v33 =	vld [tilespmem:s25+$0xFFFFFFB0]  }
0x181: {  	s24 =	sor.u32 $0x2, s23;
	s0 =	simm.s32 $0x10;
	v31 =	vmov s9;
	s1 =	simm.s32 $0xF;
	[tilespmem:v41+s8+$0x0] =	vst.idx.msk $0xffff, v63;
	v34 =	vld [tilespmem:s25+$0xFFFFFFD0];
	v32 =	vshll.u32 v19, v1;
	v19 =	vmov s26  }
.LBB2_7:
0x182: {  	p2 =	slt.u32 s0, $0x78;
	v36 =	vshrl.u32 v36, $0x3;
	v39 =	vmov s1;
	v40 =	vld [tilespmem:s25+$0xFFFFFFF0];
	v21 =	vadd.s32 v8, v21;
	[tilespmem:v25+s8+$0x0] =	vst.idx.msk $0xffff, v24  }
0x183: {  	v24 =	vshrl.u32 v38, $0x3;
	v20 =	vadd.s32 v10, v20;
	v25 =	vshrl.u32 v39, $0x3;
	v38 =	vld [tilespmem:s25+$0x10];
	[tilespmem:v27+s8+$0x0] =	vst.idx.msk $0xffff, v26  }
0x184: {  	v22 =	vadd.s32 v12, v22;
	v26 =	vshrl.u32 v28, $0x3;
	v25 =	vshll.u32 v25, v1;
	v27 =	vld [tilespmem:s25+$0x30];
	[tilespmem:v30+s8+$0x0] =	vst.idx.msk $0xffff, v29  }
0x185: {  	v23 =	vadd.s32 v14, v23;
	v28 =	vshrl.u32 v31, $0x3;
	v25 =	vbroadcast v25, $0x0;
	[tilespmem:v35+s8+$0x0] =	vst.idx.msk $0xffff, v33;
	v29 =	vld [tilespmem:s25+$0x50]  }
0x186: {  	v30 =	vshll.u32 v36, v1;
	v33 =	vadd.s32 v2, v17;
	v17 =	vbroadcast v32, $0x0;
	v31 =	vld [tilespmem:s25+$0xFFFFFF90];
	[tilespmem:v37+s8+$0x0] =	vst.idx.msk $0xffff, v34;
	s25 =	sadd.s32 $0x100, s25  }
0x187: {  	v24 =	vshll.u32 v24, v1;
	v32 =	vbroadcast v30, $0x0;
	v30 =	vld [tilespmem:s25+$0x60];
	v34 =	vadd.s32 v15, v25;
	[tilespmem:v21+s8+$0x0] =	vst.idx.msk $0xffff, v40  }
0x188: {  	v37 =	vbroadcast v24, $0x0;
	v36 =	vadd.s32 v0, v17;
	v21 =	vshll.u32 v26, v1;
	v35 =	vld [tilespmem:s25+$0xFFFFFF80];
	[tilespmem:v20+s8+$0x0] =	vst.idx.msk $0xffff, v38  }
0x189: {  	v38 =	vadd.s32 v3, v32;
	v21 =	vbroadcast v21, $0x0;
	v20 =	vshll.u32 v28, v1;
	v26 =	vld [tilespmem:s25+$0xFFFFFFA0];
	[tilespmem:v22+s8+$0x0] =	vst.idx.msk $0xffff, v27  }
0x18a: {  	v18 =	vshrl.u32 v18, $0x3;
	v40 =	vadd.s32 v5, v37;
	v20 =	vbroadcast v20, $0x0;
	v39 =	vld [tilespmem:s25+$0xFFFFFFC0];
	[tilespmem:v23+s8+$0x0] =	vst.idx.msk $0xffff, v29  }
0x18b: {  	v19 =	vshrl.u32 v19, $0x3;
	v18 =	vshll.u32 v18, v1;
	v42 =	vadd.s32 v7, v21;
	v41 =	vld [tilespmem:s25+$0xFFFFFFE0];
	[tilespmem:v33+s8+$0x0] =	vst.idx.msk $0xffff, v31  }
0x18c: {  	v22 =	vbroadcast v18, $0x0;
	v18 =	vshll.u32 v19, v1;
	v44 =	vadd.s32 v9, v20;
	v43 =	vld [tilespmem:s25+$0x0];
	[tilespmem:v34+s8+$0x0] =	vst.idx.msk $0xffff, v30  }
.Ltmp4:
0x18d: {  	s1 =	sadd.s32 $0x1, s0;
	v25 =	vadd.s32 v16, v25;
	v19 =	vmov s0;
	v23 =	vbroadcast v18, $0x0;
	[tilespmem:v36+s8+$0x0] =	vst.idx.msk $0xffff, v35;
	v24 =	vld [tilespmem:s25+$0x70];
	(pc) =	sbr.rel @p2 .LBB2_7-.Ltmp4, $4  }
0x18e: {  	s9 =	sadd.s32 $0x3, s0;
	v19 =	vshrl.u32 v19, $0x3;
	v27 =	vadd.s32 v11, v22;
	v36 =	vmov s1;
	s1 =	sadd.s32 $0x2, s0;
	[tilespmem:v38+s8+$0x0] =	vst.idx.msk $0xffff, v26;
	v26 =	vld [tilespmem:s25+$0x20]  }
0x18f: {  	v28 =	vmov s9;
	s9 =	sadd.s32 $0x5, s0;
	v30 =	vadd.s32 v13, v23;
	v38 =	vmov s1;
	s1 =	sadd.s32 $0x4, s0;
	[tilespmem:v40+s8+$0x0] =	vst.idx.msk $0xffff, v39;
	v29 =	vld [tilespmem:s25+$0x40]  }
0x190: {  	v18 =	vmov s9;
	v35 =	vadd.s32 v4, v32;
	v31 =	vmov s1;
	s1 =	sadd.s32 $0x6, s0;
	v33 =	vld [tilespmem:s25+$0xFFFFFFB0];
	[tilespmem:v42+s8+$0x0] =	vst.idx.msk $0xffff, v41  }
0x191: {  	v37 =	vadd.s32 v6, v37;
	v32 =	vshll.u32 v19, v1;
	v19 =	vmov s1;
	s1 =	sadd.s32 $0x7, s0;
	s0 =	sadd.s32 $0x8, s0;
	v34 =	vld [tilespmem:s25+$0xFFFFFFD0];
	[tilespmem:v44+s8+$0x0] =	vst.idx.msk $0xffff, v43  }
0x192: {  	_ =	sdelay $0x2  }
0x193: {  	v36 =	vshrl.u32 v36, $0x3  }
0x194: {  	v39 =	vmov s1;
	v40 =	vld [tilespmem:s25+$0xFFFFFFF0];
	v21 =	vadd.s32 v8, v21;
	[tilespmem:v25+s8+$0x0] =	vst.idx.msk $0xffff, v24;
	v24 =	vshrl.u32 v38, $0x3  }
0x195: {  	v49 =	vld [tilespmem:s25+$0x10];
	v20 =	vadd.s32 v10, v20;
	v22 =	vadd.s32 v12, v22;
	v25 =	vshrl.u32 v39, $0x3;
	[tilespmem:v27+s8+$0x0] =	vst.idx.msk $0xffff, v26  }
0x196: {  	v50 =	vld [tilespmem:s25+$0xFFFFFF90];
	v17 =	vadd.s32 v2, v17;
	v26 =	vshrl.u32 v28, $0x3;
	v25 =	vshll.u32 v25, v1;
	[tilespmem:v30+s8+$0x0] =	vst.idx.msk $0xffff, v29  }
0x197: {  	v28 =	vshrl.u32 v31, $0x3;
	v31 =	vshll.u32 v36, v1;
	v27 =	vld [tilespmem:s25+$0x30];
	v25 =	vbroadcast v25, $0x0;
	[tilespmem:v35+s8+$0x0] =	vst.idx.msk $0xffff, v33  }
0x198: {  	v23 =	vadd.s32 v14, v23;
	s0 =	sadd.s32 $0x100, s25;
	v18 =	vshrl.u32 v18, $0x3;
	v31 =	vbroadcast v31, $0x0;
	v29 =	vld [tilespmem:s25+$0x50];
	[tilespmem:v37+s8+$0x0] =	vst.idx.msk $0xffff, v34  }
0x199: {  	v51 =	vld [tilespmem:s0+$0x60];
	v30 =	vbroadcast v32, $0x0;
	v28 =	vshll.u32 v28, v1;
	v52 =	vadd.s32 v15, v25;
	[tilespmem:v21+s8+$0x0] =	vst.idx.msk $0xffff, v40  }
0x19a: {  	v24 =	vshll.u32 v24, v1;
	v28 =	vbroadcast v28, $0x0;
	v54 =	vadd.s32 v3, v31;
	[tilespmem:v20+s8+$0x0] =	vst.idx.msk $0xffff, v49;
	v20 =	vld [tilespmem:s0+$0xFFFFFFA0]  }
0x19b: {  	v24 =	vbroadcast v24, $0x0;
	v26 =	vshll.u32 v26, v1;
	v53 =	vadd.s32 v0, v30;
	v21 =	vld [tilespmem:s0+$0xFFFFFF80];
	[tilespmem:v17+s8+$0x0] =	vst.idx.msk $0xffff, v50  }
0x19c: {  	v18 =	vshll.u32 v18, v1;
	v26 =	vbroadcast v26, $0x0;
	v17 =	vld [tilespmem:s0+$0x0];
	v55 =	vadd.s32 v9, v28;
	[tilespmem:v22+s8+$0x0] =	vst.idx.msk $0xffff, v27  }
0x19d: {  	v18 =	vbroadcast v18, $0x0;
	v22 =	vld [tilespmem:s0+$0xFFFFFFC0];
	v27 =	vadd.s32 v5, v24;
	[tilespmem:v23+s8+$0x0] =	vst.idx.msk $0xffff, v29  }
0x19e: {  	v19 =	vshrl.u32 v19, $0x3;
	v23 =	vld [tilespmem:s0+$0xFFFFFFE0];
	v29 =	vadd.s32 v7, v26;
	[tilespmem:v52+s8+$0x0] =	vst.idx.msk $0xffff, v51  }
0x19f: {  	v19 =	vshll.u32 v19, v1;
	v56 =	vadd.s32 v11, v18;
	[tilespmem:v54+s8+$0x0] =	vst.idx.msk $0xffff, v20;
	v20 =	vld [tilespmem:s0+$0x20]  }
0x1a0: {  	v19 =	vbroadcast v19, $0x0;
	v25 =	vadd.s32 v16, v25;
	[tilespmem:v53+s8+$0x0] =	vst.idx.msk $0xffff, v21;
	v21 =	vld [tilespmem:s0+$0x70]  }
0x1a1: {  	v31 =	vadd.s32 v4, v31;
	[tilespmem:v55+s8+$0x0] =	vst.idx.msk $0xffff, v17;
	v57 =	vld [tilespmem:s0+$0xFFFFFFB0]  }
0x1a2: {  	[tilespmem:v27+s8+$0x0] =	vst.idx.msk $0xffff, v22;
	v22 =	vld [tilespmem:s0+$0x40];
	v27 =	vadd.s32 v13, v19  }
0x1a3: {  	v24 =	vadd.s32 v6, v24;
	[tilespmem:v29+s8+$0x0] =	vst.idx.msk $0xffff, v23;
	v23 =	vld [tilespmem:s0+$0xFFFFFFD0]  }
0x1a4: {  	s25 =	smulhi.u32 $0x51EB851F, s24;
	v26 =	vadd.s32 v8, v26;
	v17 =	vld [tilespmem:s0+$0xFFFFFFF0];
	[tilespmem:v56+s8+$0x0] =	vst.idx.msk $0xffff, v20  }
0x1a5: {  	[tilespmem:v25+s8+$0x0] =	vst.idx.msk $0xffff, v21;
	v21 =	vld [tilespmem:s0+$0x10];
	v25 =	vadd.s32 v10, v28  }
0x1a6: {  	v18 =	vadd.s32 v12, v18;
	s1 =	sshrl.u32 s25, $0x4;
	v20 =	vld [tilespmem:s0+$0x30];
	[tilespmem:v31+s8+$0x0] =	vst.idx.msk $0xffff, v57  }
0x1a7: {  	s9 =	smul.u32 $0x32, s1;
	v28 =	vadd.s32 v2, v30;
	[tilespmem:v27+s8+$0x0] =	vst.idx.msk $0xffff, v22;
	v27 =	vld [tilespmem:s0+$0xFFFFFF90]  }
0x1a8: {  	v19 =	vadd.s32 v14, v19;
	v22 =	vld [tilespmem:s0+$0x50];
	[tilespmem:v24+s8+$0x0] =	vst.idx.msk $0xffff, v23  }
0x1a9: {  	s1 =	sadd.s32 s4, s1;
	s26 =	ssub.s32 s24, s9;
	[tilespmem:v26+s8+$0x0] =	vst.idx.msk $0xffff, v17  }
0x1aa: {  	s1 =	sshll.u32 s1, $0xA;
	s0 =	sshll.u32 s26, $0x13;
	[tilespmem:v25+s8+$0x0] =	vst.idx.msk $0xffff, v21  }
0x1ab: {  	s0 =	sadd.s32 s0, s1;
	[tilespmem:v18+s8+$0x0] =	vst.idx.msk $0xffff, v20  }
0x1ac: {  	s0 =	sshrl.u32 s0, $0x3;
	[tilespmem:v28+s8+$0x0] =	vst.idx.msk $0xffff, v27  }
0x1ad: {  	s0 =	sadd.s32 s2, s0;
	[tilespmem:v19+s8+$0x0] =	vst.idx.msk $0xffff, v22  }
0x1ae: {  	[hbm4b:s0+s3] =	stream.linear.scatter [tilespmem:s8], [sflag:$0x7], $0x80, $0x38;
	[tilespmem:$0xE800] =	vst v63  }
0x1af: {  	s24 =	simm.s32 $0xC688;
	s9 =	sadd.s32 $0x10, s0  }
0x1b0: {  	[hbm4b:s9+s3] =	stream.linear.scatter [tilespmem:s24], [sflag:$0x7], $0x80, $0x38;
	[tilespmem:$0xE800] =	vst v63  }
0x1b1: {  	s26 =	simm.s32 $0xC710;
	s25 =	sadd.s32 $0x20, s0  }
0x1b2: {  	[hbm4b:s25+s3] =	stream.linear.scatter [tilespmem:s26], [sflag:$0x7], $0x80, $0x38;
	[tilespmem:$0xE800] =	vst v63  }
0x1b3: {  	s9 =	sadd.s32 $0x30, s0;
	s24 =	simm.s32 $0xC798  }
0x1b4: {  	[hbm4b:s9+s3] =	stream.linear.scatter [tilespmem:s24], [sflag:$0x7], $0x80, $0x38;
	[tilespmem:$0xE800] =	vst v63  }
0x1b5: {  	s25 =	sadd.s32 $0x40, s0;
	s26 =	simm.s32 $0xC820  }
0x1b6: {  	[hbm4b:s25+s3] =	stream.linear.scatter [tilespmem:s26], [sflag:$0x7], $0x80, $0x38;
	[tilespmem:$0xE800] =	vst v63  }
0x1b7: {  	s9 =	sadd.s32 $0x50, s0;
	s24 =	simm.s32 $0xC8A8  }
0x1b8: {  	[hbm4b:s9+s3] =	stream.linear.scatter [tilespmem:s24], [sflag:$0x7], $0x80, $0x38;
	[tilespmem:$0xE800] =	vst v63  }
0x1b9: {  	s25 =	sadd.s32 $0x60, s0;
	s26 =	simm.s32 $0xC930  }
0x1ba: {  	[hbm4b:s25+s3] =	stream.linear.scatter [tilespmem:s26], [sflag:$0x7], $0x80, $0x38;
	[tilespmem:$0xE800] =	vst v63  }
0x1bb: {  	s9 =	sadd.s32 $0x70, s0;
	s24 =	simm.s32 $0xC9B8  }
0x1bc: {  	[hbm4b:s9+s3] =	stream.linear.scatter [tilespmem:s24], [sflag:$0x7], $0x80, $0x38;
	[tilespmem:$0xE800] =	vst v63  }
0x1bd: {  	s25 =	sadd.s32 $0x4000, s0;
	s26 =	simm.s32 $0xCA40  }
0x1be: {  	[hbm4b:s25+s3] =	stream.linear.scatter [tilespmem:s26], [sflag:$0x7], $0x80, $0x38;
	[tilespmem:$0xE800] =	vst v63  }
0x1bf: {  	s9 =	sadd.s32 $0x4010, s0;
	s24 =	simm.s32 $0xCAC8  }
0x1c0: {  	[hbm4b:s9+s3] =	stream.linear.scatter [tilespmem:s24], [sflag:$0x7], $0x80, $0x38;
	[tilespmem:$0xE800] =	vst v63  }
0x1c1: {  	s25 =	sadd.s32 $0x4020, s0;
	s26 =	simm.s32 $0xCB50  }
0x1c2: {  	[hbm4b:s25+s3] =	stream.linear.scatter [tilespmem:s26], [sflag:$0x7], $0x80, $0x38;
	[tilespmem:$0xE800] =	vst v63  }
0x1c3: {  	s9 =	sadd.s32 $0x4030, s0;
	s24 =	simm.s32 $0xCBD8  }
0x1c4: {  	[hbm4b:s9+s3] =	stream.linear.scatter [tilespmem:s24], [sflag:$0x7], $0x80, $0x38;
	[tilespmem:$0xE800] =	vst v63  }
0x1c5: {  	s25 =	sadd.s32 $0x4040, s0;
	s26 =	simm.s32 $0xCC60  }
0x1c6: {  	[hbm4b:s25+s3] =	stream.linear.scatter [tilespmem:s26], [sflag:$0x7], $0x80, $0x38;
	[tilespmem:$0xE800] =	vst v63  }
0x1c7: {  	s9 =	sadd.s32 $0x4050, s0;
	s24 =	simm.s32 $0xCCE8  }
0x1c8: {  	[hbm4b:s9+s3] =	stream.linear.scatter [tilespmem:s24], [sflag:$0x7], $0x80, $0x38;
	[tilespmem:$0xE800] =	vst v63  }
0x1c9: {  	s25 =	sadd.s32 $0x4060, s0;
	s26 =	simm.s32 $0xCD70  }
0x1ca: {  	[hbm4b:s25+s3] =	stream.linear.scatter [tilespmem:s26], [sflag:$0x7], $0x80, $0x38;
	[tilespmem:$0xE800] =	vst v63  }
0x1cb: {  	s9 =	sadd.s32 $0x4070, s0;
	s24 =	simm.s32 $0xCDF8  }
0x1cc: {  	[hbm4b:s9+s3] =	stream.linear.scatter [tilespmem:s24], [sflag:$0x7], $0x80, $0x38;
	[tilespmem:$0xE800] =	vst v63  }
0x1cd: {  	s25 =	sadd.s32 $0x8000, s0;
	s26 =	simm.s32 $0xCE80  }
0x1ce: {  	[hbm4b:s25+s3] =	stream.linear.scatter [tilespmem:s26], [sflag:$0x7], $0x80, $0x38;
	[tilespmem:$0xE800] =	vst v63  }
0x1cf: {  	s9 =	sadd.s32 $0x8010, s0;
	s24 =	simm.s32 $0xCF08  }
0x1d0: {  	[hbm4b:s9+s3] =	stream.linear.scatter [tilespmem:s24], [sflag:$0x7], $0x80, $0x38;
	[tilespmem:$0xE800] =	vst v63  }
0x1d1: {  	s25 =	sadd.s32 $0x8020, s0;
	s26 =	simm.s32 $0xCF90  }
0x1d2: {  	[hbm4b:s25+s3] =	stream.linear.scatter [tilespmem:s26], [sflag:$0x7], $0x80, $0x38;
	[tilespmem:$0xE800] =	vst v63  }
0x1d3: {  	s9 =	sadd.s32 $0x8030, s0;
	s24 =	simm.s32 $0xD018  }
0x1d4: {  	[hbm4b:s9+s3] =	stream.linear.scatter [tilespmem:s24], [sflag:$0x7], $0x80, $0x38;
	[tilespmem:$0xE800] =	vst v63  }
0x1d5: {  	s25 =	sadd.s32 $0x8040, s0;
	s26 =	simm.s32 $0xD0A0  }
0x1d6: {  	[hbm4b:s25+s3] =	stream.linear.scatter [tilespmem:s26], [sflag:$0x7], $0x80, $0x38;
	[tilespmem:$0xE800] =	vst v63  }
0x1d7: {  	s9 =	sadd.s32 $0x8050, s0;
	s24 =	simm.s32 $0xD128  }
0x1d8: {  	[hbm4b:s9+s3] =	stream.linear.scatter [tilespmem:s24], [sflag:$0x7], $0x80, $0x38;
	[tilespmem:$0xE800] =	vst v63  }
0x1d9: {  	s25 =	sadd.s32 $0x8060, s0;
	s26 =	simm.s32 $0xD1B0  }
0x1da: {  	[hbm4b:s25+s3] =	stream.linear.scatter [tilespmem:s26], [sflag:$0x7], $0x80, $0x38;
	[tilespmem:$0xE800] =	vst v63  }
0x1db: {  	s9 =	sadd.s32 $0x8070, s0;
	s24 =	simm.s32 $0xD238  }
0x1dc: {  	[hbm4b:s9+s3] =	stream.linear.scatter [tilespmem:s24], [sflag:$0x7], $0x80, $0x38;
	[tilespmem:$0xE800] =	vst v63  }
0x1dd: {  	s25 =	sadd.s32 $0xC000, s0;
	s26 =	simm.s32 $0xD2C0  }
0x1de: {  	[hbm4b:s25+s3] =	stream.linear.scatter [tilespmem:s26], [sflag:$0x7], $0x80, $0x38;
	[tilespmem:$0xE800] =	vst v63  }
0x1df: {  	s9 =	sadd.s32 $0xC010, s0;
	s24 =	simm.s32 $0xD348  }
0x1e0: {  	[hbm4b:s9+s3] =	stream.linear.scatter [tilespmem:s24], [sflag:$0x7], $0x80, $0x38;
	[tilespmem:$0xE800] =	vst v63  }
0x1e1: {  	s25 =	sadd.s32 $0xC020, s0;
	s26 =	simm.s32 $0xD3D0  }
0x1e2: {  	[hbm4b:s25+s3] =	stream.linear.scatter [tilespmem:s26], [sflag:$0x7], $0x80, $0x38;
	[tilespmem:$0xE800] =	vst v63  }
0x1e3: {  	s9 =	sadd.s32 $0xC030, s0;
	s24 =	simm.s32 $0xD458  }
0x1e4: {  	[hbm4b:s9+s3] =	stream.linear.scatter [tilespmem:s24], [sflag:$0x7], $0x80, $0x38;
	[tilespmem:$0xE800] =	vst v63  }
0x1e5: {  	s25 =	sadd.s32 $0xC040, s0;
	s26 =	simm.s32 $0xD4E0  }
0x1e6: {  	[hbm4b:s25+s3] =	stream.linear.scatter [tilespmem:s26], [sflag:$0x7], $0x80, $0x38;
	[tilespmem:$0xE800] =	vst v63  }
0x1e7: {  	s1 =	sadd.s32 @!p1 $0x6, s23;
	s9 =	sadd.s32 $0xC050, s0;
	s24 =	simm.s32 $0xD568  }
0x1e8: {  	[hbm4b:s9+s3] =	stream.linear.scatter [tilespmem:s24], [sflag:$0x7], $0x80, $0x38;
	[tilespmem:$0xE800] =	vst v63  }
0x1e9: {  	s25 =	sadd.s32 $0xC060, s0;
	s26 =	simm.s32 $0xD5F0;
	s24 =	smulhi.u32 @!p1 $0x51EB851F, s1  }
0x1ea: {  	[hbm4b:s25+s3] =	stream.linear.scatter [tilespmem:s26], [sflag:$0x7], $0x80, $0x38;
	[tilespmem:$0xE800] =	vst v63  }
0x1eb: {  	s9 =	sshrl.u32 @!p1 s24, $0x4  }
0x1ec: {  	s0 =	sadd.s32 $0xC070, s0;
	s26 =	simm.s32 $0xD678;
	s9 =	smul.u32 @!p1 $0x32, s9  }
0x1ed: {  	[hbm4b:s0+s3] =	stream.linear.scatter [tilespmem:s26], [sflag:$0x7], $0x80, $0x38;
	[tilespmem:$0xE800] =	vst v63  }
0x1ee: {  	s0 =	ssub.s32 @!p1 s1, s9;
	s1 =	sshll.u32 @!p1 s24, $0x3  }
0x1ef: {  	s0 =	sshll.u32 @!p1 s0, $0x9;
	s1 =	sand.u32 @!p1 $0x3FFFFF80, s1  }
0x1f0: {  	s9 =	simm.s32 @!p1 $0x8400;
	s0 =	sadd.s32 @!p1 s1, s0;
	s1 =	simm.s32 @!p1 $0x80  }
0x1f1: {  	[tilespmem:s9], [sflag:$0x3] =	stream.indirect.gather @!p1 [hbm4b:s5+s1], $0x20, s0, s1, $0xb8;
	[tilespmem:$0xE800] =	vst v63  }
0x1f2: {  	_ =	swait.ge [sflag:s30], $0x1000  }
0x1f3: {  	[sflag:s30] =	ssyncset.done $0x0  }
0x1f4: {  	s0 =	simm.s32 @!p0 $0x8;
	[sflag:s30] =	ssyncadd.s32 $0xFFFFF000  }
0x1f5: {  	_ =	swait.ge @!p0 [sflag:s0], $0x400  }
0x1f6: {  	[sflag:s0] =	ssyncset.done @!p0 $0x0  }
0x1f7: {  	[sflag:s0] =	ssyncadd.s32 @!p0 $0xFFFFFC00  }
0x1f8: {  	_ =	swait.ge @!p0 [sflag:s0], $0x400  }
0x1f9: {  	s25 =	simm.s32 $0x3;
	[sflag:s0] =	ssyncset.done @!p0 $0x0  }
0x1fa: {  	v20 =	vmov s25;
	s25 =	simm.s32 $0x5;
	s26 =	simm.s32 $0x0;
	[sflag:s0] =	ssyncadd.s32 @!p0 $0xFFFFFC00  }
0x1fb: {  	v23 =	vmov s25;
	v20 =	vshrl.u32 v20, $0x3;
	v17 =	vmov s26;
	s24 =	simm.s32 $0x2;
	s26 =	simm.s32 $0x7;
	_ =	swait.ge @!p0 [sflag:s0], $0x400  }
0x1fc: {  	v17 =	vshrl.u32 v17, $0x3;
	v19 =	vmov s24;
	s24 =	simm.s32 $0x4;
	v22 =	vmov s26;
	[sflag:s0] =	ssyncset.done @!p0 $0x0  }
0x1fd: {  	s26 =	simm.s32 $0x6;
	v21 =	vmov s24;
	v17 =	vshll.u32 v17, v1;
	v22 =	vshrl.u32 v22, $0x3;
	s9 =	simm.s32 $0x1;
	[sflag:s0] =	ssyncadd.s32 @!p0 $0xFFFFFC00  }
0x1fe: {  	v24 =	vmov s26;
	v22 =	vshll.u32 v22, v1;
	v18 =	vmov s9;
	_ =	swait.ge @!p0 [sflag:s0], $0x400  }
0x1ff: {  	v19 =	vshrl.u32 v19, $0x3;
	v25 =	vbroadcast v22, $0x0;
	v18 =	vshrl.u32 v18, $0x3;
	[sflag:s0] =	ssyncset.done @!p0 $0x0  }
0x200: {  	s25 =	simm.s32 $0x9480;
	v17 =	vbroadcast v17, $0x0;
	v22 =	vshrl.u32 v21, $0x3;
	v18 =	vshll.u32 v18, v1;
	[sflag:s0] =	ssyncadd.s32 @!p0 $0xFFFFFC00  }
0x201: {  	v26 =	vadd.s32 v15, v25;
	v58 =	vbroadcast v18, $0x0;
	v18 =	vshll.u32 v19, v1;
	v19 =	vld [tilespmem:s25+$0x60]  }
0x202: {  	v28 =	vadd.s32 v0, v17;
	v59 =	vbroadcast v18, $0x0;
	v18 =	vshll.u32 v20, v1;
	v27 =	vld [tilespmem:s25+$0xFFFFFF80]  }
0x203: {  	v30 =	vadd.s32 v3, v58;
	v21 =	vbroadcast v18, $0x0;
	v18 =	vshll.u32 v22, v1;
	v29 =	vld [tilespmem:s25+$0xFFFFFFA0]  }
0x204: {  	v60 =	vadd.s32 v5, v59;
	v20 =	vbroadcast v18, $0x0;
	v18 =	vshrl.u32 v23, $0x3;
	v31 =	vld [tilespmem:s25+$0xFFFFFFC0]  }
0x205: {  	v23 =	vshrl.u32 v24, $0x3;
	v62 =	vadd.s32 v7, v21;
	v18 =	vshll.u32 v18, v1;
	v61 =	vld [tilespmem:s25+$0xFFFFFFE0]  }
0x206: {  	s24 =	simm.s32 $0xA;
	v41 =	vadd.s32 v9, v20;
	v22 =	vbroadcast v18, $0x0;
	v18 =	vshll.u32 v23, v1;
	v63 =	vld [tilespmem:s25+$0x0];
	[tilespmem:v26+s31+$0x0] =	vst.idx.msk $0xffff, v19  }
0x207: {  	v38 =	vmov s24;
	s9 =	simm.s32 $0x9;
	v25 =	vadd.s32 v16, v25;
	v23 =	vbroadcast v18, $0x0;
	[tilespmem:v28+s31+$0x0] =	vst.idx.msk $0xffff, v27;
	v24 =	vld [tilespmem:s25+$0x70]  }
0x208: {  	s1 =	simm.s32 $0x8;
	v36 =	vmov s9;
	v35 =	vadd.s32 v4, v58;
	[tilespmem:v30+s31+$0x0] =	vst.idx.msk $0xffff, v29;
	v26 =	vld [tilespmem:s25+$0x20];
	v27 =	vadd.s32 v11, v22  }
0x209: {  	s26 =	simm.s32 $0xB;
	s24 =	simm.s32 $0xD;
	v37 =	vadd.s32 v6, v59;
	v19 =	vmov s1;
	[tilespmem:v60+s31+$0x0] =	vst.idx.msk $0xffff, v31;
	v29 =	vld [tilespmem:s25+$0x40];
	v30 =	vadd.s32 v13, v23  }
0x20a: {  	s9 =	simm.s32 $0xC;
	v18 =	vmov s24;
	v28 =	vmov s26;
	s26 =	simm.s32 $0xE;
	[tilespmem:v62+s31+$0x0] =	vst.idx.msk $0xffff, v61;
	v19 =	vshrl.u32 v19, $0x3;
	v33 =	vld [tilespmem:s25+$0xFFFFFFB0]  }
0x20b: {  	s24 =	sor.u32 $0x3, s23;
	s0 =	simm.s32 $0x10;
	v31 =	vmov s9;
	s1 =	simm.s32 $0xF;
	[tilespmem:v41+s31+$0x0] =	vst.idx.msk $0xffff, v63;
	v34 =	vld [tilespmem:s25+$0xFFFFFFD0];
	v32 =	vshll.u32 v19, v1;
	v19 =	vmov s26  }
.LBB2_9:
0x20c: {  	p0 =	slt.u32 s0, $0x78;
	v36 =	vshrl.u32 v36, $0x3;
	v39 =	vmov s1;
	v40 =	vld [tilespmem:s25+$0xFFFFFFF0];
	v21 =	vadd.s32 v8, v21;
	[tilespmem:v25+s31+$0x0] =	vst.idx.msk $0xffff, v24  }
0x20d: {  	v24 =	vshrl.u32 v38, $0x3;
	v20 =	vadd.s32 v10, v20;
	v25 =	vshrl.u32 v39, $0x3;
	v38 =	vld [tilespmem:s25+$0x10];
	[tilespmem:v27+s31+$0x0] =	vst.idx.msk $0xffff, v26  }
0x20e: {  	v22 =	vadd.s32 v12, v22;
	v26 =	vshrl.u32 v28, $0x3;
	v25 =	vshll.u32 v25, v1;
	v27 =	vld [tilespmem:s25+$0x30];
	[tilespmem:v30+s31+$0x0] =	vst.idx.msk $0xffff, v29  }
0x20f: {  	v23 =	vadd.s32 v14, v23;
	v28 =	vshrl.u32 v31, $0x3;
	v25 =	vbroadcast v25, $0x0;
	[tilespmem:v35+s31+$0x0] =	vst.idx.msk $0xffff, v33;
	v29 =	vld [tilespmem:s25+$0x50]  }
0x210: {  	v30 =	vshll.u32 v36, v1;
	v33 =	vadd.s32 v2, v17;
	v17 =	vbroadcast v32, $0x0;
	v31 =	vld [tilespmem:s25+$0xFFFFFF90];
	[tilespmem:v37+s31+$0x0] =	vst.idx.msk $0xffff, v34;
	s25 =	sadd.s32 $0x100, s25  }
0x211: {  	v24 =	vshll.u32 v24, v1;
	v32 =	vbroadcast v30, $0x0;
	v30 =	vld [tilespmem:s25+$0x60];
	v34 =	vadd.s32 v15, v25;
	[tilespmem:v21+s31+$0x0] =	vst.idx.msk $0xffff, v40  }
0x212: {  	v37 =	vbroadcast v24, $0x0;
	v36 =	vadd.s32 v0, v17;
	v21 =	vshll.u32 v26, v1;
	v35 =	vld [tilespmem:s25+$0xFFFFFF80];
	[tilespmem:v20+s31+$0x0] =	vst.idx.msk $0xffff, v38  }
0x213: {  	v38 =	vadd.s32 v3, v32;
	v21 =	vbroadcast v21, $0x0;
	v20 =	vshll.u32 v28, v1;
	v26 =	vld [tilespmem:s25+$0xFFFFFFA0];
	[tilespmem:v22+s31+$0x0] =	vst.idx.msk $0xffff, v27  }
0x214: {  	v18 =	vshrl.u32 v18, $0x3;
	v40 =	vadd.s32 v5, v37;
	v20 =	vbroadcast v20, $0x0;
	v39 =	vld [tilespmem:s25+$0xFFFFFFC0];
	[tilespmem:v23+s31+$0x0] =	vst.idx.msk $0xffff, v29  }
0x215: {  	v19 =	vshrl.u32 v19, $0x3;
	v18 =	vshll.u32 v18, v1;
	v42 =	vadd.s32 v7, v21;
	v41 =	vld [tilespmem:s25+$0xFFFFFFE0];
	[tilespmem:v33+s31+$0x0] =	vst.idx.msk $0xffff, v31  }
0x216: {  	v22 =	vbroadcast v18, $0x0;
	v18 =	vshll.u32 v19, v1;
	v44 =	vadd.s32 v9, v20;
	v43 =	vld [tilespmem:s25+$0x0];
	[tilespmem:v34+s31+$0x0] =	vst.idx.msk $0xffff, v30  }
.Ltmp5:
0x217: {  	s1 =	sadd.s32 $0x1, s0;
	v25 =	vadd.s32 v16, v25;
	v19 =	vmov s0;
	v23 =	vbroadcast v18, $0x0;
	[tilespmem:v36+s31+$0x0] =	vst.idx.msk $0xffff, v35;
	v24 =	vld [tilespmem:s25+$0x70];
	(pc) =	sbr.rel @p0 .LBB2_9-.Ltmp5, $4  }
0x218: {  	s9 =	sadd.s32 $0x3, s0;
	v19 =	vshrl.u32 v19, $0x3;
	v27 =	vadd.s32 v11, v22;
	v36 =	vmov s1;
	s1 =	sadd.s32 $0x2, s0;
	[tilespmem:v38+s31+$0x0] =	vst.idx.msk $0xffff, v26;
	v26 =	vld [tilespmem:s25+$0x20]  }
0x219: {  	v28 =	vmov s9;
	s9 =	sadd.s32 $0x5, s0;
	v30 =	vadd.s32 v13, v23;
	v38 =	vmov s1;
	s1 =	sadd.s32 $0x4, s0;
	[tilespmem:v40+s31+$0x0] =	vst.idx.msk $0xffff, v39;
	v29 =	vld [tilespmem:s25+$0x40]  }
0x21a: {  	v18 =	vmov s9;
	v35 =	vadd.s32 v4, v32;
	v31 =	vmov s1;
	s1 =	sadd.s32 $0x6, s0;
	v33 =	vld [tilespmem:s25+$0xFFFFFFB0];
	[tilespmem:v42+s31+$0x0] =	vst.idx.msk $0xffff, v41  }
0x21b: {  	v37 =	vadd.s32 v6, v37;
	v32 =	vshll.u32 v19, v1;
	v19 =	vmov s1;
	s1 =	sadd.s32 $0x7, s0;
	s0 =	sadd.s32 $0x8, s0;
	v34 =	vld [tilespmem:s25+$0xFFFFFFD0];
	[tilespmem:v44+s31+$0x0] =	vst.idx.msk $0xffff, v43  }
0x21c: {  	_ =	sdelay $0x2  }
0x21d: {  	v36 =	vshrl.u32 v36, $0x3;
	v39 =	vmov s1  }
0x21e: {  	v40 =	vld [tilespmem:s25+$0xFFFFFFF0];
	v21 =	vadd.s32 v8, v21;
	[tilespmem:v25+s31+$0x0] =	vst.idx.msk $0xffff, v24;
	v58 =	vshrl.u32 v38, $0x3;
	v20 =	vadd.s32 v10, v20  }
0x21f: {  	v60 =	vld [tilespmem:s25+$0x10];
	v61 =	vshrl.u32 v28, $0x3;
	v22 =	vadd.s32 v12, v22;
	v62 =	vshrl.u32 v31, $0x3;
	[tilespmem:v27+s31+$0x0] =	vst.idx.msk $0xffff, v26  }
0x220: {  	v23 =	vadd.s32 v14, v23;
	v63 =	vbroadcast v32, $0x0;
	v41 =	vld [tilespmem:s25+$0xFFFFFF90];
	v17 =	vadd.s32 v2, v17;
	[tilespmem:v30+s31+$0x0] =	vst.idx.msk $0xffff, v29  }
0x221: {  	s0 =	sadd.s32 $0x100, s25;
	v18 =	vshrl.u32 v18, $0x3;
	v59 =	vshrl.u32 v39, $0x3;
	v39 =	vshll.u32 v36, v1;
	v27 =	vld [tilespmem:s25+$0x30];
	[tilespmem:v35+s31+$0x0] =	vst.idx.msk $0xffff, v33  }
0x222: {  	v24 =	vshll.u32 v58, v1;
	v44 =	vld [tilespmem:s0+$0xFFFFFF80];
	v31 =	vbroadcast v39, $0x0;
	v45 =	vadd.s32 v0, v63;
	[tilespmem:v37+s31+$0x0] =	vst.idx.msk $0xffff, v34  }
0x223: {  	v19 =	vshrl.u32 v19, $0x3;
	v26 =	vshll.u32 v61, v1;
	v24 =	vbroadcast v24, $0x0;
	v29 =	vld [tilespmem:s25+$0x50];
	[tilespmem:v21+s31+$0x0] =	vst.idx.msk $0xffff, v40  }
0x224: {  	v46 =	vld [tilespmem:s0+$0xFFFFFFA0];
	v18 =	vshll.u32 v18, v1;
	v26 =	vbroadcast v26, $0x0;
	v47 =	vadd.s32 v3, v31;
	[tilespmem:v20+s31+$0x0] =	vst.idx.msk $0xffff, v60  }
0x225: {  	v48 =	vld [tilespmem:s0+$0xFFFFFFC0];
	v19 =	vshll.u32 v19, v1;
	v18 =	vbroadcast v18, $0x0;
	v49 =	vadd.s32 v5, v24;
	[tilespmem:v17+s31+$0x0] =	vst.idx.msk $0xffff, v41  }
0x226: {  	v28 =	vshll.u32 v62, v1;
	v50 =	vld [tilespmem:s0+$0xFFFFFFE0];
	v19 =	vbroadcast v19, $0x0;
	v51 =	vadd.s32 v7, v26;
	[tilespmem:v22+s31+$0x0] =	vst.idx.msk $0xffff, v27  }
0x227: {  	v54 =	vld [tilespmem:s0+$0x20];
	v25 =	vshll.u32 v59, v1;
	v28 =	vbroadcast v28, $0x0;
	v55 =	vadd.s32 v11, v18;
	[tilespmem:v45+s31+$0x0] =	vst.idx.msk $0xffff, v44  }
0x228: {  	v56 =	vld [tilespmem:s0+$0x40];
	v25 =	vbroadcast v25, $0x0;
	v57 =	vadd.s32 v13, v19;
	[tilespmem:v23+s31+$0x0] =	vst.idx.msk $0xffff, v29  }
0x229: {  	v52 =	vadd.s32 v9, v28;
	v17 =	vld [tilespmem:s0+$0x0];
	[tilespmem:v47+s31+$0x0] =	vst.idx.msk $0xffff, v46  }
0x22a: {  	v42 =	vld [tilespmem:s0+$0x60];
	v43 =	vadd.s32 v15, v25;
	[tilespmem:v49+s31+$0x0] =	vst.idx.msk $0xffff, v48  }
0x22b: {  	v63 =	vadd.s32 v2, v63;
	v62 =	vld [tilespmem:s0+$0xFFFFFF90];
	[tilespmem:v51+s31+$0x0] =	vst.idx.msk $0xffff, v50  }
0x22c: {  	v31 =	vadd.s32 v4, v31;
	[tilespmem:v55+s31+$0x0] =	vst.idx.msk $0xffff, v54;
	v58 =	vld [tilespmem:s0+$0xFFFFFFB0]  }
0x22d: {  	v24 =	vadd.s32 v6, v24;
	[tilespmem:v57+s31+$0x0] =	vst.idx.msk $0xffff, v56;
	v59 =	vld [tilespmem:s0+$0xFFFFFFD0]  }
0x22e: {  	s25 =	smulhi.u32 $0x51EB851F, s24;
	v26 =	vadd.s32 v8, v26;
	[tilespmem:v52+s31+$0x0] =	vst.idx.msk $0xffff, v17;
	v17 =	vld [tilespmem:s0+$0xFFFFFFF0]  }
0x22f: {  	v18 =	vadd.s32 v12, v18;
	[tilespmem:v43+s31+$0x0] =	vst.idx.msk $0xffff, v42;
	v20 =	vld [tilespmem:s0+$0x30]  }
0x230: {  	v19 =	vadd.s32 v14, v19;
	s1 =	sshrl.u32 s25, $0x4;
	v22 =	vld [tilespmem:s0+$0x50];
	[tilespmem:v63+s31+$0x0] =	vst.idx.msk $0xffff, v62  }
0x231: {  	v25 =	vadd.s32 v16, v25;
	s9 =	smul.u32 $0x32, s1;
	v53 =	vld [tilespmem:s0+$0x70];
	[tilespmem:v31+s31+$0x0] =	vst.idx.msk $0xffff, v58  }
0x232: {  	v61 =	vadd.s32 v10, v28;
	v60 =	vld [tilespmem:s0+$0x10];
	[tilespmem:v24+s31+$0x0] =	vst.idx.msk $0xffff, v59  }
0x233: {  	s1 =	sadd.s32 s4, s1;
	s26 =	ssub.s32 s24, s9;
	[tilespmem:v26+s31+$0x0] =	vst.idx.msk $0xffff, v17  }
0x234: {  	s1 =	sshll.u32 s1, $0xA;
	s0 =	sshll.u32 s26, $0x13;
	[tilespmem:v18+s31+$0x0] =	vst.idx.msk $0xffff, v20  }
0x235: {  	s0 =	sadd.s32 s0, s1;
	[tilespmem:v19+s31+$0x0] =	vst.idx.msk $0xffff, v22  }
0x236: {  	s0 =	sshrl.u32 s0, $0x3;
	[tilespmem:v25+s31+$0x0] =	vst.idx.msk $0xffff, v53  }
0x237: {  	s0 =	sadd.s32 s2, s0;
	[tilespmem:v61+s31+$0x0] =	vst.idx.msk $0xffff, v60  }
0x238: {  	[hbm4b:s0+s3] =	stream.linear.scatter [tilespmem:s31], [sflag:$0x8], $0x80, $0x38;
	[tilespmem:$0xE800] =	vst v63  }
0x239: {  	s24 =	simm.s32 $0xD788;
	s9 =	sadd.s32 $0x10, s0  }
0x23a: {  	[hbm4b:s9+s3] =	stream.linear.scatter [tilespmem:s24], [sflag:$0x8], $0x80, $0x38;
	[tilespmem:$0xE800] =	vst v63  }
0x23b: {  	s26 =	simm.s32 $0xD810;
	s25 =	sadd.s32 $0x20, s0  }
0x23c: {  	[hbm4b:s25+s3] =	stream.linear.scatter [tilespmem:s26], [sflag:$0x8], $0x80, $0x38;
	[tilespmem:$0xE800] =	vst v63  }
0x23d: {  	s9 =	sadd.s32 $0x30, s0;
	s24 =	simm.s32 $0xD898  }
0x23e: {  	[hbm4b:s9+s3] =	stream.linear.scatter [tilespmem:s24], [sflag:$0x8], $0x80, $0x38;
	[tilespmem:$0xE800] =	vst v63  }
0x23f: {  	s25 =	sadd.s32 $0x40, s0;
	s26 =	simm.s32 $0xD920  }
0x240: {  	[hbm4b:s25+s3] =	stream.linear.scatter [tilespmem:s26], [sflag:$0x8], $0x80, $0x38;
	[tilespmem:$0xE800] =	vst v63  }
0x241: {  	s9 =	sadd.s32 $0x50, s0;
	s24 =	simm.s32 $0xD9A8  }
0x242: {  	[hbm4b:s9+s3] =	stream.linear.scatter [tilespmem:s24], [sflag:$0x8], $0x80, $0x38;
	[tilespmem:$0xE800] =	vst v63  }
0x243: {  	s25 =	sadd.s32 $0x60, s0;
	s26 =	simm.s32 $0xDA30  }
0x244: {  	[hbm4b:s25+s3] =	stream.linear.scatter [tilespmem:s26], [sflag:$0x8], $0x80, $0x38;
	[tilespmem:$0xE800] =	vst v63  }
0x245: {  	s9 =	sadd.s32 $0x70, s0;
	s24 =	simm.s32 $0xDAB8  }
0x246: {  	[hbm4b:s9+s3] =	stream.linear.scatter [tilespmem:s24], [sflag:$0x8], $0x80, $0x38;
	[tilespmem:$0xE800] =	vst v63  }
0x247: {  	s25 =	sadd.s32 $0x4000, s0;
	s26 =	simm.s32 $0xDB40  }
0x248: {  	[hbm4b:s25+s3] =	stream.linear.scatter [tilespmem:s26], [sflag:$0x8], $0x80, $0x38;
	[tilespmem:$0xE800] =	vst v63  }
0x249: {  	s9 =	sadd.s32 $0x4010, s0;
	s24 =	simm.s32 $0xDBC8  }
0x24a: {  	[hbm4b:s9+s3] =	stream.linear.scatter [tilespmem:s24], [sflag:$0x8], $0x80, $0x38;
	[tilespmem:$0xE800] =	vst v63  }
0x24b: {  	s25 =	sadd.s32 $0x4020, s0;
	s26 =	simm.s32 $0xDC50  }
0x24c: {  	[hbm4b:s25+s3] =	stream.linear.scatter [tilespmem:s26], [sflag:$0x8], $0x80, $0x38;
	[tilespmem:$0xE800] =	vst v63  }
0x24d: {  	s9 =	sadd.s32 $0x4030, s0;
	s24 =	simm.s32 $0xDCD8  }
0x24e: {  	[hbm4b:s9+s3] =	stream.linear.scatter [tilespmem:s24], [sflag:$0x8], $0x80, $0x38;
	[tilespmem:$0xE800] =	vst v63  }
0x24f: {  	s25 =	sadd.s32 $0x4040, s0;
	s26 =	simm.s32 $0xDD60  }
0x250: {  	[hbm4b:s25+s3] =	stream.linear.scatter [tilespmem:s26], [sflag:$0x8], $0x80, $0x38;
	[tilespmem:$0xE800] =	vst v63  }
0x251: {  	s9 =	sadd.s32 $0x4050, s0;
	s24 =	simm.s32 $0xDDE8  }
0x252: {  	[hbm4b:s9+s3] =	stream.linear.scatter [tilespmem:s24], [sflag:$0x8], $0x80, $0x38;
	[tilespmem:$0xE800] =	vst v63  }
0x253: {  	s25 =	sadd.s32 $0x4060, s0;
	s26 =	simm.s32 $0xDE70  }
0x254: {  	[hbm4b:s25+s3] =	stream.linear.scatter [tilespmem:s26], [sflag:$0x8], $0x80, $0x38;
	[tilespmem:$0xE800] =	vst v63  }
0x255: {  	s9 =	sadd.s32 $0x4070, s0;
	s24 =	simm.s32 $0xDEF8  }
0x256: {  	[hbm4b:s9+s3] =	stream.linear.scatter [tilespmem:s24], [sflag:$0x8], $0x80, $0x38;
	[tilespmem:$0xE800] =	vst v63  }
0x257: {  	s25 =	sadd.s32 $0x8000, s0;
	s26 =	simm.s32 $0xDF80  }
0x258: {  	[hbm4b:s25+s3] =	stream.linear.scatter [tilespmem:s26], [sflag:$0x8], $0x80, $0x38;
	[tilespmem:$0xE800] =	vst v63  }
0x259: {  	s9 =	sadd.s32 $0x8010, s0;
	s24 =	simm.s32 $0xE008  }
0x25a: {  	[hbm4b:s9+s3] =	stream.linear.scatter [tilespmem:s24], [sflag:$0x8], $0x80, $0x38;
	[tilespmem:$0xE800] =	vst v63  }
0x25b: {  	s25 =	sadd.s32 $0x8020, s0;
	s26 =	simm.s32 $0xE090  }
0x25c: {  	[hbm4b:s25+s3] =	stream.linear.scatter [tilespmem:s26], [sflag:$0x8], $0x80, $0x38;
	[tilespmem:$0xE800] =	vst v63  }
0x25d: {  	s9 =	sadd.s32 $0x8030, s0;
	s24 =	simm.s32 $0xE118  }
0x25e: {  	[hbm4b:s9+s3] =	stream.linear.scatter [tilespmem:s24], [sflag:$0x8], $0x80, $0x38;
	[tilespmem:$0xE800] =	vst v63  }
0x25f: {  	s25 =	sadd.s32 $0x8040, s0;
	s26 =	simm.s32 $0xE1A0  }
0x260: {  	[hbm4b:s25+s3] =	stream.linear.scatter [tilespmem:s26], [sflag:$0x8], $0x80, $0x38;
	[tilespmem:$0xE800] =	vst v63  }
0x261: {  	s24 =	sadd.s32 $0x8050, s0;
	s25 =	simm.s32 $0xE228  }
0x262: {  	[hbm4b:s24+s3] =	stream.linear.scatter [tilespmem:s25], [sflag:$0x8], $0x80, $0x38;
	[tilespmem:$0xE800] =	vst v63  }
0x263: {  	s26 =	sadd.s32 $0x8060, s0  }
0x264: {  	[hbm4b:s26+s3] =	stream.linear.scatter [tilespmem:s12], [sflag:$0x8], $0x80, $0x38;
	[tilespmem:$0xE800] =	vst v63  }
0x265: {  	s9 =	sadd.s32 $0x8070, s0  }
0x266: {  	[hbm4b:s9+s3] =	stream.linear.scatter [tilespmem:s13], [sflag:$0x8], $0x80, $0x38;
	[tilespmem:$0xE800] =	vst v63  }
0x267: {  	s24 =	sadd.s32 $0xC000, s0  }
0x268: {  	[hbm4b:s24+s3] =	stream.linear.scatter [tilespmem:s14], [sflag:$0x8], $0x80, $0x38;
	[tilespmem:$0xE800] =	vst v63  }
0x269: {  	s25 =	sadd.s32 $0xC010, s0  }
0x26a: {  	[hbm4b:s25+s3] =	stream.linear.scatter [tilespmem:s15], [sflag:$0x8], $0x80, $0x38;
	[tilespmem:$0xE800] =	vst v63  }
0x26b: {  	s26 =	sadd.s32 $0xC020, s0  }
0x26c: {  	[hbm4b:s26+s3] =	stream.linear.scatter [tilespmem:s6], [sflag:$0x8], $0x80, $0x38;
	[tilespmem:$0xE800] =	vst v63  }
0x26d: {  	s9 =	sadd.s32 $0xC030, s0  }
0x26e: {  	[hbm4b:s9+s3] =	stream.linear.scatter [tilespmem:s7], [sflag:$0x8], $0x80, $0x38;
	[tilespmem:$0xE800] =	vst v63  }
0x26f: {  	s24 =	sadd.s32 $0xC040, s0  }
0x270: {  	[hbm4b:s24+s3] =	stream.linear.scatter [tilespmem:s10], [sflag:$0x8], $0x80, $0x38;
	[tilespmem:$0xE800] =	vst v63  }
0x271: {  	s25 =	sadd.s32 $0xC050, s0  }
0x272: {  	[hbm4b:s25+s3] =	stream.linear.scatter [tilespmem:s17], [sflag:$0x8], $0x80, $0x38;
	[tilespmem:$0xE800] =	vst v63  }
.Ltmp6:
0x273: {  	_ = 	snop;
	(pc) =	sbr.rel @p1 .LBB2_12-.Ltmp6, $4  }
0x274: {  	s26 =	sadd.s32 $0xC060, s0  }
0x275: {  	[hbm4b:s26+s3] =	stream.linear.scatter [tilespmem:s20], [sflag:$0x8], $0x80, $0x38;
	[tilespmem:$0xE800] =	vst v63  }
0x276: {  	s0 =	sadd.s32 $0xC070, s0  }
0x277: {  	[hbm4b:s0+s3] =	stream.linear.scatter [tilespmem:s21], [sflag:$0x8], $0x80, $0x38;
	[tilespmem:$0xE800] =	vst v63  }
0x278: {  	s0 =	sadd.s32 $0x7, s23  }
0x279: {  	s1 =	smulhi.u32 $0x51EB851F, s0;
	_ =	sdelay $0x1  }
0x27a: {  	s9 =	sshrl.u32 s1, $0x4  }
0x27b: {  	s9 =	smul.u32 $0x32, s9  }
.Ltmp7:
0x27c: {  	_ = 	snop;
	(pc) =	sbr.rel .LBB2_2-.Ltmp7, $4  }
0x27d: {  	s1 =	sshll.u32 s1, $0x3;
	s0 =	ssub.s32 s0, s9  }
0x27e: {  	s1 =	sand.u32 $0x3FFFFF80, s1;
	s0 =	sshll.u32 s0, $0x9  }
0x27f: {  	s26 =	simm.s32 $0x9400;
	s22 =	sadd.s32 $0x1, s22;
	s0 =	sadd.s32 s1, s0  }
0x280: {  	[tilespmem:s26], [sflag:$0x4] =	stream.indirect.gather [hbm4b:s5+s11], $0x20, s0, s11, $0xb8;
	[tilespmem:$0xE800] =	vst v63  }
.LBB2_13:
0x281: {  	_ =	sfence.sel $0x180000  }
0x282: {  	[bflag:$0x0] =	sbarrier.arrive $0xFFFF  }
0x283: {  	_ =	strace $0x90000047  }
0x284: {  	s0 =	stileid.u32;
	[bflag:$0x2] =	sbarrier.arrive $0xFFFF  }
0x285: {  	p0 =	sne.s32 s0, $0x0;
	s0 =	rddreg [dreg:$0x2]  }
0x286: {  	s0 =	sadd.s32 @!p0 $0x100000, s0  }
0x287: {  	[sflag:s0] =	ssyncadd.tile.s32 @!p0 $0x1;
	_ =	shalt  }
.Lfunc_end2:
_tile_overlayer_lowered:
.L_overlay_start_2:
0x288: {  	(tag) =	ssettag $0x2  }
0x289: {  	s0 =	rddreg [dreg:$0x0];
	s2 =	stileid.u32  }
0x28a: {  	s1 =	rddreg [dreg:$0x1];
	p0 =	sne.s32 s2, $0x0  }
0x28b: {  	s3 =	rddreg [dreg:$0x2];
	[bflag:$0x3] =	sbarrier.arrive $0xFFFF;
	s2 =	simm.s32 @!p0 $0x1C09  }
0x28c: {  	[timem:s3], [sflag:s2] =	dma.local @!p0 [hbm:s0], s1  }
0x28d: {  	s0 =	simm.s32 @!p0 $0x9  }
0x28e: {  	_ =	swait.ge @!p0 [sflag:s0], s1  }
0x28f: {  	s1 =	ssub.s32 @!p0 $0x0, s1;
	[sflag:s0] =	ssyncset.done @!p0 $0x0  }
0x290: {  	[sflag:s0] =	ssyncadd.s32 @!p0 s1  }
0x291: {  	[bflag:$0x3] =	sbarrier.arrive $0xFFFF  }
0x292: {  	_ =	shalt  }

</sc_bundles>
